<compile_context>
chip_gen: v7x
topology: tpu7x:2x2x1
jax: 0.10.2.dev20260603
libtpu: 0.0.44.dev20260713+nightly
codegen_flags: <defaults>
</compile_context>

<pallas_src>
import functools

import jax
import jax.numpy as jnp
from jax import lax
from jax.experimental import pallas as pl
from jax.experimental.pallas import tpu as pltpu
from jax.experimental.pallas import tpu_sc as plsc

N_NODES = 10000
N_EDGES = 320000
D = 128
N_LOC_PAD = 256
BN_EPS = 1e-5

NC, NS, L = 2, 16, 16
NW = NC * NS
EPW = N_EDGES // NW
CH = 80
NCHUNK = EPW // CH
NPAD = 10240
RPS = NPAD // NS

_sc_mesh = plsc.VectorSubcoreMesh(core_axis_name="c", subcore_axis_name="s",
                                  num_cores=NC, num_subcores=NS)
_sc_params = pltpu.CompilerParams(needs_layout_passes=False)


DEG_CH = 2000


@functools.partial(
    pl.kernel,
    out_type=jax.ShapeDtypeStruct((NW, N_NODES), jnp.float32),
    mesh=_sc_mesh,
    compiler_params=_sc_params,
    scratch_types=[pltpu.VMEM((DEG_CH,), jnp.int32),
                   pltpu.VMEM((N_NODES,), jnp.float32)])
def _deg_kernel(dst_hbm, out_hbm, idx_v, hist_v):
    wid = lax.axis_index("s") * NC + lax.axis_index("c")

    def zero_body(i, carry):
        hist_v[pl.ds(i * L, L)] = jnp.zeros((L,), jnp.float32)
        return carry
    lax.fori_loop(0, N_NODES // L, zero_body, 0)

    def chunk_body(c, carry):
        pltpu.sync_copy(dst_hbm.at[pl.ds(wid * EPW + c * DEG_CH, DEG_CH)],
                        idx_v)

        def grp(j, carry2):
            ids = idx_v[pl.ds(j * L, L)]
            plsc.addupdate_scatter(hist_v, [ids], jnp.ones((L,), jnp.float32))
            return carry2
        lax.fori_loop(0, DEG_CH // L, grp, 0)
        return carry
    lax.fori_loop(0, EPW // DEG_CH, chunk_body, 0)
    pltpu.sync_copy(hist_v, out_hbm.at[wid])



EPW_P = 10080
NCHUNK_P = EPW_P // CH
NBUF = 3
NGRP = NCHUNK_P // NBUF


@functools.partial(
    pl.kernel,
    out_type=jax.ShapeDtypeStruct((NC, NPAD, D), jnp.float32),
    mesh=_sc_mesh,
    compiler_params=_sc_params,
    scratch_types=[pltpu.VMEM((CH,), jnp.int32)] * (2 * NBUF)
                  + [pltpu.VMEM((CH, D), jnp.float32)] * NBUF
                  + [pltpu.VMEM_SHARED((NPAD, D), jnp.float32)]
                  + [pltpu.SemaphoreType.DMA] * (4 * NBUF + 1))
def _agg_kernel(m_hbm, src_hbm, dst_hbm, out_hbm, *rest):
    sidx = rest[0:NBUF]
    didx = rest[NBUF:2 * NBUF]
    rows = rest[2 * NBUF:3 * NBUF]
    acc_sh = rest[3 * NBUF]
    isem = rest[3 * NBUF + 1:3 * NBUF + 1 + 2 * NBUF]
    gsem = rest[3 * NBUF + 1 + 2 * NBUF:3 * NBUF + 1 + 3 * NBUF]
    ssem = rest[3 * NBUF + 1 + 3 * NBUF:4 * NBUF + 1 + 3 * NBUF]
    zsem = rest[4 * NBUF + 1 + 3 * NBUF]
    cid = lax.axis_index("c")
    sid = lax.axis_index("s")
    wid = sid * NC + cid

    ic0 = []
    base0 = wid * EPW_P
    for b in range(NBUF):
        ic0.append(pltpu.async_copy(
            src_hbm.at[pl.ds(base0 + b * CH, CH)], sidx[b], isem[2 * b]))
        ic0.append(pltpu.async_copy(
            dst_hbm.at[pl.ds(base0 + b * CH, CH)], didx[b],
            isem[2 * b + 1]))

    def zb(i, carry):
        r = i // (D // L)
        col = (i % (D // L)) * L
        rows[0][r, pl.ds(col, L)] = jnp.zeros((L,), jnp.float32)
        return carry
    lax.fori_loop(0, CH * (D // L), zb, 0)

    zc = []
    for k in range(RPS // CH):
        zc.append(pltpu.async_copy(
            rows[0], acc_sh.at[pl.ds(sid * RPS + k * CH, CH)], zsem))

    gc0 = [None] * NBUF
    for b in range(1, NBUF):
        ic0[2 * b].wait()
        gc0[b] = pltpu.async_copy(m_hbm.at[sidx[b]], rows[b], gsem[b])
    for z in zc:
        z.wait()
    ic0[0].wait()
    gc0[0] = pltpu.async_copy(m_hbm.at[sidx[0]], rows[0], gsem[0])
    plsc.subcore_barrier()

    def scat_wait(b):
        pltpu.make_async_copy(rows[b], acc_sh.at[didx[b]], ssem[b]).wait()

    for b in range(NBUF):
        gc0[b].wait()
        ic0[2 * b + 1].wait()
        pltpu.async_copy(rows[b], acc_sh.at[didx[b]], ssem[b], add=True)

    def grp(g, carry):
        base = wid * EPW_P + (NBUF * g) * CH
        ic = []
        for b in range(NBUF):
            scat_wait(b)
            ic.append(pltpu.async_copy(
                src_hbm.at[pl.ds(base + b * CH, CH)], sidx[b], isem[2 * b]))
            ic.append(pltpu.async_copy(
                dst_hbm.at[pl.ds(base + b * CH, CH)], didx[b],
                isem[2 * b + 1]))
        gc = []
        for b in range(NBUF):
            ic[2 * b].wait()
            gc.append(pltpu.async_copy(m_hbm.at[sidx[b]], rows[b], gsem[b]))
        for b in range(NBUF):
            gc[b].wait()
            ic[2 * b + 1].wait()
            pltpu.async_copy(rows[b], acc_sh.at[didx[b]], ssem[b], add=True)
        return carry
    lax.fori_loop(1, NGRP, grp, 0)
    for b in range(NBUF):
        scat_wait(b)
    plsc.subcore_barrier()

    pltpu.sync_copy(acc_sh.at[pl.ds(sid * RPS, RPS)],
                    out_hbm.at[cid, pl.ds(sid * RPS, RPS)])



RB = 2000
NBLK = N_NODES // RB


def _tc_pre_body(degp_ref, nf_ref, loc_ref, emb_ref, wu_ref, bu_ref, w0_ref,
                 msc_ref, dinv_ref):
    deg = 1.0 + jnp.sum(degp_ref[...], axis=1, keepdims=True)
    dinv = lax.rsqrt(jnp.maximum(deg, 1.0))
    idx = loc_ref[...].astype(jnp.int32) - 1
    cols = lax.broadcasted_iota(jnp.int32, (RB, N_LOC_PAD), 1)
    onehot = (cols == idx).astype(jnp.float32)
    h0 = nf_ref[...] + jnp.dot(onehot, emb_ref[...],
                               preferred_element_type=jnp.float32)
    h0 = jnp.dot(h0, wu_ref[...],
                 preferred_element_type=jnp.float32) + bu_ref[...]
    msc_ref[...] = jnp.dot(h0, w0_ref[...],
                           preferred_element_type=jnp.float32) * dinv
    dinv_ref[...] = dinv


def _tc_pre(deg_parts_t, nf, loc, emb_pad, w_upd, b_upd, w0):
    return pl.pallas_call(
        _tc_pre_body,
        grid=(NBLK,),
        in_specs=[
            pl.BlockSpec((RB, NW), lambda i: (i, 0)),
            pl.BlockSpec((RB, D), lambda i: (i, 0)),
            pl.BlockSpec((RB, 1), lambda i: (i, 0)),
            pl.BlockSpec((N_LOC_PAD, D), lambda i: (0, 0)),
            pl.BlockSpec((D, D), lambda i: (0, 0)),
            pl.BlockSpec((1, D), lambda i: (0, 0)),
            pl.BlockSpec((D, D), lambda i: (0, 0)),
        ],
        out_specs=[
            pl.BlockSpec((RB, D), lambda i: (i, 0)),
            pl.BlockSpec((RB, 1), lambda i: (i, 0)),
        ],
        out_shape=[
            jax.ShapeDtypeStruct((N_NODES, D), jnp.float32),
            jax.ShapeDtypeStruct((N_NODES, 1), jnp.float32),
        ],
    )(deg_parts_t, nf, loc, emb_pad, w_upd, b_upd, w0)


def _bn_lrelu(t, gamma, beta, mean, var):
    t = jnp.where(t > 0, t, 0.2 * t)
    scale = gamma * lax.rsqrt(var + BN_EPS)
    return (t - mean) * scale + beta


def _tc_mid_body(sp_ref, msc_ref, dinv_ref, b_ref, g_ref, be_ref, mu_ref,
                 va_ref, wn_ref, out_ref):
    dinv = dinv_ref[...]
    agg = (sp_ref[0] + sp_ref[1] + msc_ref[...]) * dinv + b_ref[...]
    h = _bn_lrelu(agg, g_ref[...], be_ref[...], mu_ref[...], va_ref[...])
    out_ref[...] = jnp.dot(h, wn_ref[...],
                           preferred_element_type=jnp.float32) * dinv


def _tc_mid(s_parts, msc, dinv, b, gamma, beta, mean, var, w_next):
    return pl.pallas_call(
        _tc_mid_body,
        grid=(NBLK,),
        in_specs=[
            pl.BlockSpec((NC, RB, D), lambda i: (0, i, 0)),
            pl.BlockSpec((RB, D), lambda i: (i, 0)),
            pl.BlockSpec((RB, 1), lambda i: (i, 0)),
            pl.BlockSpec((1, D), lambda i: (0, 0)),
            pl.BlockSpec((1, D), lambda i: (0, 0)),
            pl.BlockSpec((1, D), lambda i: (0, 0)),
            pl.BlockSpec((1, D), lambda i: (0, 0)),
            pl.BlockSpec((1, D), lambda i: (0, 0)),
            pl.BlockSpec((D, D), lambda i: (0, 0)),
        ],
        out_specs=pl.BlockSpec((RB, D), lambda i: (i, 0)),
        out_shape=jax.ShapeDtypeStruct((N_NODES, D), jnp.float32),
    )(s_parts, msc, dinv, b, gamma, beta, mean, var, w_next)


def _tc_fin_body(sp_ref, msc_ref, dinv_ref, b_ref, g_ref, be_ref, mu_ref,
                 va_ref, w1_ref, b1_ref, w2_ref, b2_ref, out_ref, acc_ref):
    i = pl.program_id(0)
    agg = (sp_ref[0] + sp_ref[1] + msc_ref[...]) * dinv_ref[...] + b_ref[...]
    h = _bn_lrelu(agg, g_ref[...], be_ref[...], mu_ref[...], va_ref[...])
    colsum = jnp.sum(h, axis=0, keepdims=True)

    @pl.when(i == 0)
    def _():
        acc_ref[...] = colsum

    @pl.when(i > 0)
    def _():
        acc_ref[...] = acc_ref[...] + colsum

    @pl.when(i == NBLK - 1)
    def _():
        gf = acc_ref[...]
        t1 = jnp.dot(gf, w1_ref[...],
                     preferred_element_type=jnp.float32) + b1_ref[...]
        t1 = jnp.where(t1 > 0, t1, 0.2 * t1)
        out_ref[...] = jnp.dot(t1, w2_ref[...],
                               preferred_element_type=jnp.float32) + b2_ref[...]


def _tc_fin(s_parts, msc, dinv, b, gamma, beta, mean, var, w1, b1, w2, b2):
    return pl.pallas_call(
        _tc_fin_body,
        grid=(NBLK,),
        in_specs=[
            pl.BlockSpec((NC, RB, D), lambda i: (0, i, 0)),
            pl.BlockSpec((RB, D), lambda i: (i, 0)),
            pl.BlockSpec((RB, 1), lambda i: (i, 0)),
            pl.BlockSpec((1, D), lambda i: (0, 0)),
            pl.BlockSpec((1, D), lambda i: (0, 0)),
            pl.BlockSpec((1, D), lambda i: (0, 0)),
            pl.BlockSpec((1, D), lambda i: (0, 0)),
            pl.BlockSpec((1, D), lambda i: (0, 0)),
            pl.BlockSpec((D, 64), lambda i: (0, 0)),
            pl.BlockSpec((1, 64), lambda i: (0, 0)),
            pl.BlockSpec((64, 2), lambda i: (0, 0)),
            pl.BlockSpec((1, 2), lambda i: (0, 0)),
        ],
        out_specs=pl.BlockSpec((1, 2), lambda i: (0, 0)),
        out_shape=jax.ShapeDtypeStruct((1, 2), jnp.float32),
        scratch_shapes=[pltpu.VMEM((1, D), jnp.float32)],
    )(s_parts, msc, dinv, b, gamma, beta, mean, var, w1, b1, w2, b2)



def kernel(x, edge_index, params):
    src = edge_index[0].astype(jnp.int32)
    dst = edge_index[1].astype(jnp.int32)
    pad = EPW_P - EPW
    src3 = jnp.pad(src.reshape(NW, EPW),
                   ((0, 0), (0, pad))).reshape(NW * EPW_P)
    dst3 = jnp.pad(dst.reshape(NW, EPW), ((0, 0), (0, pad)),
                   constant_values=NPAD - 1).reshape(NW * EPW_P)
    nf = x[:, :D]
    loc = x[:, D:D + 1]
    emb_pad = jnp.zeros((N_LOC_PAD, D), jnp.float32).at[:200].set(params['emb'])

    deg_parts = _deg_kernel(dst)
    deg_parts_t = deg_parts.T

    msc, dinv = _tc_pre(deg_parts_t, nf, loc, emb_pad,
                        params['W_upd'], params['b_upd'].reshape(1, D),
                        params['conv0_W'])

    for i in range(2):
        s_parts = _agg_kernel(msc, src3, dst3)
        msc = _tc_mid(s_parts, msc, dinv,
                      params[f'conv{i}_b'].reshape(1, D),
                      params[f'bn{i}_gamma'].reshape(1, D),
                      params[f'bn{i}_beta'].reshape(1, D),
                      params[f'bn{i}_mean'].reshape(1, D),
                      params[f'bn{i}_var'].reshape(1, D),
                      params[f'conv{i + 1}_W'])

    s_parts = _agg_kernel(msc, src3, dst3)
    out = _tc_fin(s_parts, msc, dinv,
                  params['conv2_b'].reshape(1, D),
                  params['bn2_gamma'].reshape(1, D),
                  params['bn2_beta'].reshape(1, D),
                  params['bn2_mean'].reshape(1, D),
                  params['bn2_var'].reshape(1, D),
                  params['W_lin1'], params['b_lin1'].reshape(1, 64),
                  params['W_lin2'], params['b_lin2'].reshape(1, 2))
    return out

# --- scband reference (transcript-rebuilt; emitter-appended) ---
"""Pipeline reference for scband-captum-compatible-model-wrapper-27599459844323 (READ-ONLY COPY).

The authoritative reference and input builder live on the scoring server;
editing this copy changes nothing except your own understanding.
"""

import jax, jax.numpy as jnp
import numpy as np

N_NODES = 10000
N_EDGES = 320000
D_FEAT = 128
N_LOC = 200
HIDDEN = 128
N_LAYERS = 3
LIN1_OUT = 64
N_CLASSES = 2
BN_EPS = 1e-5


def setup_inputs(seed: int = 0) -> dict:
    key = jax.random.key(seed)
    ks = jax.random.split(key, 32)
    feats = jax.random.normal(ks[0], (N_NODES, D_FEAT), dtype=jnp.float32)
    loc = jax.random.randint(ks[1], (N_NODES,), 1, N_LOC + 1).astype(jnp.float32)
    x = jnp.concatenate([feats, loc[:, None]], axis=1)
    edge_index = jax.random.randint(ks[2], (2, N_EDGES), 0, N_NODES, dtype=jnp.int32).astype(jnp.int64)

    def lin(k, fi, fo):
        s = 1.0 / np.sqrt(fi)
        kw, kb = jax.random.split(k)
        return (jax.random.uniform(kw, (fi, fo), minval=-s, maxval=s, dtype=jnp.float32),
                jax.random.uniform(kb, (fo,), minval=-s, maxval=s, dtype=jnp.float32))

    params = {}
    params['emb'] = jax.random.normal(ks[3], (N_LOC, D_FEAT), dtype=jnp.float32) * 0.02
    params['W_upd'], params['b_upd'] = lin(ks[4], D_FEAT, HIDDEN)
    params['bn_node_gamma'] = jnp.ones((HIDDEN,), jnp.float32)
    params['bn_node_beta'] = jnp.zeros((HIDDEN,), jnp.float32)
    params['bn_node_mean'] = jax.random.normal(ks[5], (HIDDEN,), jnp.float32) * 0.1
    params['bn_node_var'] = jnp.ones((HIDDEN,), jnp.float32) + jax.random.uniform(ks[6], (HIDDEN,), dtype=jnp.float32) * 0.1
    params['W_reg'], params['b_reg'] = lin(ks[7], HIDDEN, 1)
    for i in range(N_LAYERS):
        W, b = lin(ks[8 + i], HIDDEN, HIDDEN)
        params[f'conv{i}_W'] = W
        params[f'conv{i}_b'] = b
        params[f'bn{i}_gamma'] = jnp.ones((HIDDEN,), jnp.float32)
        params[f'bn{i}_beta'] = jnp.zeros((HIDDEN,), jnp.float32)
        params[f'bn{i}_mean'] = jax.random.normal(ks[12 + i], (HIDDEN,), jnp.float32) * 0.1
        params[f'bn{i}_var'] = jnp.ones((HIDDEN,), jnp.float32) + jax.random.uniform(ks[16 + i], (HIDDEN,), dtype=jnp.float32) * 0.1
    params['W_lin1'], params['b_lin1'] = lin(ks[20], HIDDEN, LIN1_OUT)
    params['W_lin2'], params['b_lin2'] = lin(ks[21], LIN1_OUT, N_CLASSES)
    return {'x': x, 'edge_index': edge_index, 'params': params}


def _bn_eval(h, gamma, beta, mean, var):
    return (h - mean) / jnp.sqrt(var + BN_EPS) * gamma + beta


def _gcn_conv(h, src, dst, dinv, W, b, n):
    m = h @ W
    coef = (dinv[src] * dinv[dst])[:, None]
    out = jnp.zeros((n, m.shape[1]), dtype=m.dtype).at[dst].add(m[src] * coef)
    return out + b


def reference(x, edge_index, params):
    n = x.shape[0]
    loop = jnp.arange(n, dtype=edge_index.dtype)
    src = jnp.concatenate([edge_index[0], loop])
    dst = jnp.concatenate([edge_index[1], loop])
    deg = jnp.zeros((n,), dtype=jnp.float32).at[dst].add(1.0)
    dinv = jax.lax.rsqrt(jnp.maximum(deg, 1.0))
    node_features = x[:, :-1]
    loc_idx = jax.lax.stop_gradient(x[:, -1]).astype(jnp.int32) - 1
    node_pos_info = jnp.take(params['emb'], loc_idx, axis=0)
    h = node_features + node_pos_info  # F.dropout p=0.1, training=False -> identity
    # is_node_level_dataset branch
    h = h @ params['W_upd'] + params['b_upd']
    h1 = _bn_eval(h, params['bn_node_gamma'], params['bn_node_beta'], params['bn_node_mean'], params['bn_node_var'])
    h1 = jax.nn.relu(h1)
    vol_regr = jax.nn.sigmoid(h1 @ params['W_reg'] + params['b_reg'])  # computed but unused, as in torch
    for i in range(N_LAYERS):
        h = _gcn_conv(h, src, dst, dinv, params[f'conv{i}_W'], params[f'conv{i}_b'], n)
        h = jax.nn.leaky_relu(h, negative_slope=0.2)
        h = _bn_eval(h, params[f'bn{i}_gamma'], params[f'bn{i}_beta'], params[f'bn{i}_mean'], params[f'bn{i}_var'])
    batch = jnp.zeros((n,), dtype=jnp.int32)
    graph_feat = jax.ops.segment_sum(h, batch, num_segments=1)
    graph_feat = jax.nn.leaky_relu(graph_feat @ params['W_lin1'] + params['b_lin1'], negative_slope=0.2)
    # F.dropout p=0.5, training=False -> identity
    graph_label = graph_feat @ params['W_lin2'] + params['b_lin2']
    return graph_label

if __name__ == "__main__":
    import jax
    _d = setup_inputs()
    print(jax.jit(kernel)(*tuple(_d.values())))

</pallas_src>

<mosaic_0001>
#map = affine_map<(d0, d1) -> (0)>
#map1 = affine_map<(d0, d1) -> (0, 0)>
module attributes {stable_mosaic.version = 14 : i64} {
  func.func @_deg_kernel(%arg0: i32, %arg1: i32, %arg2: memref<320000xi32, #tpu.memory_space<hbm>>, %arg3: memref<32x10000xf32, #tpu.memory_space<hbm>>, %arg4: memref<2000xi32, #tpu.memory_space<vmem>>, %arg5: memref<10000xf32, #tpu.memory_space<vmem>>) attributes {dimension_semantics = [#tpu.dimension_semantics<core_parallel>, #tpu.dimension_semantics<subcore_parallel>], iteration_bounds = array<i64: 2, 16>, scalar_prefetch = 0 : i64, scratch_operands = 2 : i64, tpu.core_type = #tpu.core_type<sc_vector_subcore>, window_params = [{transform_indices = #map}, {transform_indices = #map1}]} {
    %mul3A = arith.constant 2 : i32
    %mul3A_0 = arith.muli %arg1, %mul3A : i32
    %add3A = arith.addi %mul3A_0, %arg0 : i32
    %scan3A = arith.constant 0 : i32
    %scan3A_1 = arith.constant 0 : i32
    %scan3A_2 = arith.constant 625 : i32
    %scan3A_3 = arith.addi %scan3A_1, %scan3A_2 : i32
    %scan3A_4 = arith.constant 1 : i32
    scf.for %scan3A_12 = %scan3A_1 to %scan3A_3 step %scan3A_4  : i32 {
      %broadcast_in_dim3A = arith.constant 0.000000e+00 : f32
      %broadcast_in_dim3A_13 = vector.broadcast %broadcast_in_dim3A : f32 to vector<16xf32>
      %mul3A_14 = arith.constant 16 : i32
      %mul3A_15 = arith.muli %scan3A_12, %mul3A_14 : i32
      %swap3A = arith.index_cast %mul3A_15 : i32 to index
      %swap3A_16 = tpu.vector_load %arg5[%swap3A] {strides = array<i32>} : memref<10000xf32, #tpu.memory_space<vmem>>, vector<16xf32>,
      tpu.vector_store %arg5[%swap3A], %broadcast_in_dim3A_13 {strides = array<i32>} : memref<10000xf32, #tpu.memory_space<vmem>>, vector<16xf32>,
    }
    %scan3A_5 = arith.constant 625 : i32
    %scan3A_6 = arith.constant 0 : i32
    %scan3A_7 = arith.constant 0 : i32
    %scan3A_8 = arith.constant 5 : i32
    %scan3A_9 = arith.addi %scan3A_7, %scan3A_8 : i32
    %scan3A_10 = arith.constant 1 : i32
    scf.for %scan3A_12 = %scan3A_7 to %scan3A_9 step %scan3A_10  : i32 {
      %mul3A_13 = arith.constant 10000 : i32
      %mul3A_14 = arith.muli %add3A, %mul3A_13 : i32
      %mul3A_15 = arith.constant 2000 : i32
      %mul3A_16 = arith.muli %scan3A_12, %mul3A_15 : i32
      %add3A_17 = arith.addi %mul3A_14, %mul3A_16 : i32
      "tpu.region"() ({
        %run_scoped3A = tpu.sem_alloc : memref<!tpu.dma_semaphore, #tpu.memory_space<semaphore_mem>>
        %dma_start3A = tpu.memref_slice %arg2[%add3A_17] : memref<320000xi32, #tpu.memory_space<hbm>> -> memref<2000xi32, #tpu.memory_space<hbm>>
        %dma_start3A_24 = tpu.memref_slice %arg2[%add3A_17] : memref<320000xi32, #tpu.memory_space<hbm>> -> memref<2000xi32, #tpu.memory_space<hbm>>
        tpu.enqueue_dma source(%dma_start3A_24 : memref<2000xi32, #tpu.memory_space<hbm>>) target(%arg4 : memref<2000xi32, #tpu.memory_space<vmem>>) target_semaphore(%run_scoped3A : memref<!tpu.dma_semaphore, #tpu.memory_space<semaphore_mem>>)
        %dma_wait3A = tpu.memref_slice %arg2[%add3A_17] : memref<320000xi32, #tpu.memory_space<hbm>> -> memref<2000xi32, #tpu.memory_space<hbm>>
        %dma_wait3A_25 = tpu.memref_slice %arg2[%add3A_17] : memref<320000xi32, #tpu.memory_space<hbm>> -> memref<2000xi32, #tpu.memory_space<hbm>>
        tpu.wait_dma2 semaphore(%run_scoped3A : memref<!tpu.dma_semaphore, #tpu.memory_space<semaphore_mem>>) src(%dma_wait3A_25 : memref<2000xi32, #tpu.memory_space<hbm>>) dst(%arg4 : memref<2000xi32, #tpu.memory_space<vmem>>)
        tpu.yield
      }) : () -> ()
      %scan3A_18 = arith.constant 0 : i32
      %scan3A_19 = arith.constant 0 : i32
      %scan3A_20 = arith.constant 125 : i32
      %scan3A_21 = arith.addi %scan3A_19, %scan3A_20 : i32
      %scan3A_22 = arith.constant 1 : i32
      scf.for %scan3A_24 = %scan3A_19 to %scan3A_21 step %scan3A_22  : i32 {
        %mul3A_25 = arith.constant 16 : i32
        %mul3A_26 = arith.muli %scan3A_24, %mul3A_25 : i32
        %get3A = arith.index_cast %mul3A_26 : i32 to index
        %get3A_27 = tpu.vector_load %arg4[%get3A] {strides = array<i32>} : memref<2000xi32, #tpu.memory_space<vmem>>, vector<16xi32>,
        %broadcast_in_dim3A = arith.constant 1.000000e+00 : f32
        %broadcast_in_dim3A_28 = vector.broadcast %broadcast_in_dim3A : f32 to vector<16xf32>
        tpu.vector_store_idx %arg5[%get3A_27], %broadcast_in_dim3A_28 {add = true} : memref<10000xf32, #tpu.memory_space<vmem>>[vector<16xi32>], vector<16xf32>,
      }
      %scan3A_23 = arith.constant 125 : i32
    }
    %scan3A_11 = arith.constant 5 : i32
    "tpu.region"() ({
      %run_scoped3A = tpu.sem_alloc : memref<!tpu.dma_semaphore, #tpu.memory_space<semaphore_mem>>
      %dma_start3A = arith.constant 0 : i32
      %dma_start3A_12 = tpu.memref_slice %arg3[%add3A, %dma_start3A] : memref<32x10000xf32, #tpu.memory_space<hbm>> -> memref<1x10000xf32, #tpu.memory_space<hbm>>
      %dma_start3A_13 = tpu.memref_squeeze %dma_start3A_12 : memref<1x10000xf32, #tpu.memory_space<hbm>> -> memref<10000xf32, #tpu.memory_space<hbm>>
      %dma_start3A_14 = arith.constant 0 : i32
      %dma_start3A_15 = tpu.memref_slice %arg3[%add3A, %dma_start3A_14] : memref<32x10000xf32, #tpu.memory_space<hbm>> -> memref<1x10000xf32, #tpu.memory_space<hbm>>
      %dma_start3A_16 = tpu.memref_squeeze %dma_start3A_15 : memref<1x10000xf32, #tpu.memory_space<hbm>> -> memref<10000xf32, #tpu.memory_space<hbm>>
      tpu.enqueue_dma source(%arg5 : memref<10000xf32, #tpu.memory_space<vmem>>) target(%dma_start3A_16 : memref<10000xf32, #tpu.memory_space<hbm>>) target_semaphore(%run_scoped3A : memref<!tpu.dma_semaphore, #tpu.memory_space<semaphore_mem>>)
      %dma_wait3A = arith.constant 0 : i32
      %dma_wait3A_17 = tpu.memref_slice %arg3[%add3A, %dma_wait3A] : memref<32x10000xf32, #tpu.memory_space<hbm>> -> memref<1x10000xf32, #tpu.memory_space<hbm>>
      %dma_wait3A_18 = tpu.memref_squeeze %dma_wait3A_17 : memref<1x10000xf32, #tpu.memory_space<hbm>> -> memref<10000xf32, #tpu.memory_space<hbm>>
      %dma_wait3A_19 = arith.constant 0 : i32
      %dma_wait3A_20 = tpu.memref_slice %arg3[%add3A, %dma_wait3A_19] : memref<32x10000xf32, #tpu.memory_space<hbm>> -> memref<1x10000xf32, #tpu.memory_space<hbm>>
      %dma_wait3A_21 = tpu.memref_squeeze %dma_wait3A_20 : memref<1x10000xf32, #tpu.memory_space<hbm>> -> memref<10000xf32, #tpu.memory_space<hbm>>
      tpu.wait_dma2 semaphore(%run_scoped3A : memref<!tpu.dma_semaphore, #tpu.memory_space<semaphore_mem>>) src(%arg5 : memref<10000xf32, #tpu.memory_space<vmem>>) dst(%dma_wait3A_21 : memref<10000xf32, #tpu.memory_space<hbm>>)
      tpu.yield
    }) : () -> ()
    return
  }
}

#map = affine_map<(d0, d1) -> (0, 0)>
#map1 = affine_map<(d0, d1) -> (0)>
#map2 = affine_map<(d0, d1) -> (0, 0, 0)>
module attributes {stable_mosaic.version = 14 : i64} {
  func.func @_agg_kernel(%arg0: i32, %arg1: i32, %arg2: memref<10000x128xf32, #tpu.memory_space<hbm>>, %arg3: memref<322560xi32, #tpu.memory_space<hbm>>, %arg4: memref<322560xi32, #tpu.memory_space<hbm>>, %arg5: memref<2x10240x128xf32, #tpu.memory_space<hbm>>, %arg6: memref<80xi32, #tpu.memory_space<vmem>>, %arg7: memref<80xi32, #tpu.memory_space<vmem>>, %arg8: memref<80xi32, #tpu.memory_space<vmem>>, %arg9: memref<80xi32, #tpu.memory_space<vmem>>, %arg10: memref<80xi32, #tpu.memory_space<vmem>>, %arg11: memref<80xi32, #tpu.memory_space<vmem>>, %arg12: memref<80x128xf32, #tpu.memory_space<vmem>>, %arg13: memref<80x128xf32, #tpu.memory_space<vmem>>, %arg14: memref<80x128xf32, #tpu.memory_space<vmem>>, %arg15: memref<10240x128xf32, #tpu.memory_space<vmem_shared>>, %arg16: memref<!tpu.dma_semaphore, #tpu.memory_space<semaphore_mem>>, %arg17: memref<!tpu.dma_semaphore, #tpu.memory_space<semaphore_mem>>, %arg18: memref<!tpu.dma_semaphore, #tpu.memory_space<semaphore_mem>>, %arg19: memref<!tpu.dma_semaphore, #tpu.memory_space<semaphore_mem>>, %arg20: memref<!tpu.dma_semaphore, #tpu.memory_space<semaphore_mem>>, %arg21: memref<!tpu.dma_semaphore, #tpu.memory_space<semaphore_mem>>, %arg22: memref<!tpu.dma_semaphore, #tpu.memory_space<semaphore_mem>>, %arg23: memref<!tpu.dma_semaphore, #tpu.memory_space<semaphore_mem>>, %arg24: memref<!tpu.dma_semaphore, #tpu.memory_space<semaphore_mem>>, %arg25: memref<!tpu.dma_semaphore, #tpu.memory_space<semaphore_mem>>, %arg26: memref<!tpu.dma_semaphore, #tpu.memory_space<semaphore_mem>>, %arg27: memref<!tpu.dma_semaphore, #tpu.memory_space<semaphore_mem>>, %arg28: memref<!tpu.dma_semaphore, #tpu.memory_space<semaphore_mem>>) attributes {dimension_semantics = [#tpu.dimension_semantics<core_parallel>, #tpu.dimension_semantics<subcore_parallel>], iteration_bounds = array<i64: 2, 16>, scalar_prefetch = 0 : i64, scratch_operands = 23 : i64, tpu.core_type = #tpu.core_type<sc_vector_subcore>, window_params = [{transform_indices = #map}, {transform_indices = #map1}, {transform_indices = #map1}, {transform_indices = #map2}]} {
    %mul3A = arith.constant 2 : i32
    %mul3A_0 = arith.muli %arg1, %mul3A : i32
    %add3A = arith.addi %mul3A_0, %arg0 : i32
    %mul3A_1 = arith.constant 10080 : i32
    %mul3A_2 = arith.muli %add3A, %mul3A_1 : i32
    %add3A_3 = arith.constant 0 : i32
    %add3A_4 = arith.addi %mul3A_2, %add3A_3 : i32
    %dma_start3A = tpu.memref_slice %arg3[%add3A_4] : memref<322560xi32, #tpu.memory_space<hbm>> -> memref<80xi32, #tpu.memory_space<hbm>>
    %dma_start3A_5 = tpu.memref_slice %arg3[%add3A_4] : memref<322560xi32, #tpu.memory_space<hbm>> -> memref<80xi32, #tpu.memory_space<hbm>>
    tpu.enqueue_dma source(%dma_start3A_5 : memref<80xi32, #tpu.memory_space<hbm>>) target(%arg6 : memref<80xi32, #tpu.memory_space<vmem>>) target_semaphore(%arg16 : memref<!tpu.dma_semaphore, #tpu.memory_space<semaphore_mem>>)
    %add3A_6 = arith.constant 0 : i32
    %add3A_7 = arith.addi %mul3A_2, %add3A_6 : i32
    %dma_start3A_8 = tpu.memref_slice %arg4[%add3A_7] : memref<322560xi32, #tpu.memory_space<hbm>> -> memref<80xi32, #tpu.memory_space<hbm>>
    %dma_start3A_9 = tpu.memref_slice %arg4[%add3A_7] : memref<322560xi32, #tpu.memory_space<hbm>> -> memref<80xi32, #tpu.memory_space<hbm>>
    tpu.enqueue_dma source(%dma_start3A_9 : memref<80xi32, #tpu.memory_space<hbm>>) target(%arg9 : memref<80xi32, #tpu.memory_space<vmem>>) target_semaphore(%arg17 : memref<!tpu.dma_semaphore, #tpu.memory_space<semaphore_mem>>)
    %add3A_10 = arith.constant 80 : i32
    %add3A_11 = arith.addi %mul3A_2, %add3A_10 : i32
    %dma_start3A_12 = tpu.memref_slice %arg3[%add3A_11] : memref<322560xi32, #tpu.memory_space<hbm>> -> memref<80xi32, #tpu.memory_space<hbm>>
    %dma_start3A_13 = tpu.memref_slice %arg3[%add3A_11] : memref<322560xi32, #tpu.memory_space<hbm>> -> memref<80xi32, #tpu.memory_space<hbm>>
    tpu.enqueue_dma source(%dma_start3A_13 : memref<80xi32, #tpu.memory_space<hbm>>) target(%arg7 : memref<80xi32, #tpu.memory_space<vmem>>) target_semaphore(%arg18 : memref<!tpu.dma_semaphore, #tpu.memory_space<semaphore_mem>>)
    %add3A_14 = arith.constant 80 : i32
    %add3A_15 = arith.addi %mul3A_2, %add3A_14 : i32
    %dma_start3A_16 = tpu.memref_slice %arg4[%add3A_15] : memref<322560xi32, #tpu.memory_space<hbm>> -> memref<80xi32, #tpu.memory_space<hbm>>
    %dma_start3A_17 = tpu.memref_slice %arg4[%add3A_15] : memref<322560xi32, #tpu.memory_space<hbm>> -> memref<80xi32, #tpu.memory_space<hbm>>
    tpu.enqueue_dma source(%dma_start3A_17 : memref<80xi32, #tpu.memory_space<hbm>>) target(%arg10 : memref<80xi32, #tpu.memory_space<vmem>>) target_semaphore(%arg19 : memref<!tpu.dma_semaphore, #tpu.memory_space<semaphore_mem>>)
    %add3A_18 = arith.constant 160 : i32
    %add3A_19 = arith.addi %mul3A_2, %add3A_18 : i32
    %dma_start3A_20 = tpu.memref_slice %arg3[%add3A_19] : memref<322560xi32, #tpu.memory_space<hbm>> -> memref<80xi32, #tpu.memory_space<hbm>>
    %dma_start3A_21 = tpu.memref_slice %arg3[%add3A_19] : memref<322560xi32, #tpu.memory_space<hbm>> -> memref<80xi32, #tpu.memory_space<hbm>>
    tpu.enqueue_dma source(%dma_start3A_21 : memref<80xi32, #tpu.memory_space<hbm>>) target(%arg8 : memref<80xi32, #tpu.memory_space<vmem>>) target_semaphore(%arg20 : memref<!tpu.dma_semaphore, #tpu.memory_space<semaphore_mem>>)
    %add3A_22 = arith.constant 160 : i32
    %add3A_23 = arith.addi %mul3A_2, %add3A_22 : i32
    %dma_start3A_24 = tpu.memref_slice %arg4[%add3A_23] : memref<322560xi32, #tpu.memory_space<hbm>> -> memref<80xi32, #tpu.memory_space<hbm>>
    %dma_start3A_25 = tpu.memref_slice %arg4[%add3A_23] : memref<322560xi32, #tpu.memory_space<hbm>> -> memref<80xi32, #tpu.memory_space<hbm>>
    tpu.enqueue_dma source(%dma_start3A_25 : memref<80xi32, #tpu.memory_space<hbm>>) target(%arg11 : memref<80xi32, #tpu.memory_space<vmem>>) target_semaphore(%arg21 : memref<!tpu.dma_semaphore, #tpu.memory_space<semaphore_mem>>)
    %scan3A = arith.constant 0 : i32
    %scan3A_26 = arith.constant 0 : i32
    %scan3A_27 = arith.constant 640 : i32
    %scan3A_28 = arith.addi %scan3A_26, %scan3A_27 : i32
    %scan3A_29 = arith.constant 1 : i32
    scf.for %scan3A_185 = %scan3A_26 to %scan3A_28 step %scan3A_29  : i32 {
      %jit3A = arith.constant 8 : i32
      %div3A = arith.divsi %scan3A_185, %jit3A : i32
      %sign3A = arith.constant 0 : i32
      %sign3A_186 = arith.cmpi sgt, %scan3A_185, %sign3A : i32
      %sign3A_187 = arith.extui %sign3A_186 : i1 to i32
      %sign3A_188 = arith.constant 0 : i32
      %sign3A_189 = arith.cmpi slt, %scan3A_185, %sign3A_188 : i32
      %sign3A_190 = arith.extui %sign3A_189 : i1 to i32
      %sign3A_191 = arith.subi %sign3A_187, %sign3A_190 : i32
      %sign3A_192 = arith.constant 0 : i32
      %sign3A_193 = arith.cmpi sgt, %jit3A, %sign3A_192 : i32
      %sign3A_194 = arith.extui %sign3A_193 : i1 to i32
      %sign3A_195 = arith.constant 0 : i32
      %sign3A_196 = arith.cmpi slt, %jit3A, %sign3A_195 : i32
      %sign3A_197 = arith.extui %sign3A_196 : i1 to i32
      %sign3A_198 = arith.subi %sign3A_194, %sign3A_197 : i32
      %ne3A = arith.cmpi ne, %sign3A_191, %sign3A_198 : i32
      %rem3A = arith.remsi %scan3A_185, %jit3A : i32
      %ne3A_199 = arith.constant 0 : i32
      %ne3A_200 = arith.cmpi ne, %rem3A, %ne3A_199 : i32
      %and3A = arith.andi %ne3A, %ne3A_200 : i1
      %sub3A = arith.constant 1 : i32
      %sub3A_201 = arith.subi %div3A, %sub3A : i32
      %select_n3A = arith.select %and3A, %sub3A_201, %div3A : i32
      %jit3A_202 = arith.constant 8 : i32
      %eq3A = arith.constant 0 : i32
      %eq3A_203 = arith.cmpi eq, %jit3A_202, %eq3A : i32
      %jit3A_204 = arith.constant 1 : i32
      %select_n3A_205 = arith.select %eq3A_203, %jit3A_204, %jit3A_202 : i32
      %rem3A_206 = arith.remsi %scan3A_185, %select_n3A_205 : i32
      %ne3A_207 = arith.constant 0 : i32
      %ne3A_208 = arith.cmpi ne, %rem3A_206, %ne3A_207 : i32
      %lt3A = arith.constant 0 : i32
      %lt3A_209 = arith.cmpi slt, %rem3A_206, %lt3A : i32
      %lt3A_210 = arith.constant 0 : i32
      %lt3A_211 = arith.cmpi slt, %select_n3A_205, %lt3A_210 : i32
      %ne3A_212 = arith.xori %lt3A_209, %lt3A_211 : i1
      %and3A_213 = arith.andi %ne3A_212, %ne3A_208 : i1
      %add3A_214 = arith.addi %rem3A_206, %select_n3A_205 : i32
      %select_n3A_215 = arith.select %and3A_213, %add3A_214, %rem3A_206 : i32
      %mul3A_216 = arith.constant 16 : i32
      %mul3A_217 = arith.muli %select_n3A_215, %mul3A_216 : i32
      %broadcast_in_dim3A = arith.constant 0.000000e+00 : f32
      %broadcast_in_dim3A_218 = vector.broadcast %broadcast_in_dim3A : f32 to vector<16xf32>
      %swap3A = arith.index_cast %select_n3A : i32 to index
      %swap3A_219 = arith.index_cast %mul3A_217 : i32 to index
      %swap3A_220 = tpu.vector_load %arg12[%swap3A, %swap3A_219] {strides = array<i32>} : memref<80x128xf32, #tpu.memory_space<vmem>>, vector<16xf32>,
      tpu.vector_store %arg12[%swap3A, %swap3A_219], %broadcast_in_dim3A_218 {strides = array<i32>} : memref<80x128xf32, #tpu.memory_space<vmem>>, vector<16xf32>,
    }
    %scan3A_30 = arith.constant 640 : i32
    %mul3A_31 = arith.constant 640 : i32
    %mul3A_32 = arith.muli %arg1, %mul3A_31 : i32
    %add3A_33 = arith.constant 0 : i32
    %add3A_34 = arith.addi %mul3A_32, %add3A_33 : i32
    %dma_start3A_35 = arith.constant 0 : i32
    %dma_start3A_36 = tpu.memref_slice %arg15[%add3A_34, %dma_start3A_35] : memref<10240x128xf32, #tpu.memory_space<vmem_shared>> -> memref<80x128xf32, #tpu.memory_space<vmem_shared>>
    %dma_start3A_37 = arith.constant 0 : i32
    %dma_start3A_38 = tpu.memref_slice %arg15[%add3A_34, %dma_start3A_37] : memref<10240x128xf32, #tpu.memory_space<vmem_shared>> -> memref<80x128xf32, #tpu.memory_space<vmem_shared>>
    tpu.enqueue_dma source(%arg12 : memref<80x128xf32, #tpu.memory_space<vmem>>) target(%dma_start3A_38 : memref<80x128xf32, #tpu.memory_space<vmem_shared>>) target_semaphore(%arg28 : memref<!tpu.dma_semaphore, #tpu.memory_space<semaphore_mem>>)
    %mul3A_39 = arith.constant 640 : i32
    %mul3A_40 = arith.muli %arg1, %mul3A_39 : i32
    %add3A_41 = arith.constant 80 : i32
    %add3A_42 = arith.addi %mul3A_40, %add3A_41 : i32
    %dma_start3A_43 = arith.constant 0 : i32
    %dma_start3A_44 = tpu.memref_slice %arg15[%add3A_42, %dma_start3A_43] : memref<10240x128xf32, #tpu.memory_space<vmem_shared>> -> memref<80x128xf32, #tpu.memory_space<vmem_shared>>
    %dma_start3A_45 = arith.constant 0 : i32
    %dma_start3A_46 = tpu.memref_slice %arg15[%add3A_42, %dma_start3A_45] : memref<10240x128xf32, #tpu.memory_space<vmem_shared>> -> memref<80x128xf32, #tpu.memory_space<vmem_shared>>
    tpu.enqueue_dma source(%arg12 : memref<80x128xf32, #tpu.memory_space<vmem>>) target(%dma_start3A_46 : memref<80x128xf32, #tpu.memory_space<vmem_shared>>) target_semaphore(%arg28 : memref<!tpu.dma_semaphore, #tpu.memory_space<semaphore_mem>>)
    %mul3A_47 = arith.constant 640 : i32
    %mul3A_48 = arith.muli %arg1, %mul3A_47 : i32
    %add3A_49 = arith.constant 160 : i32
    %add3A_50 = arith.addi %mul3A_48, %add3A_49 : i32
    %dma_start3A_51 = arith.constant 0 : i32
    %dma_start3A_52 = tpu.memref_slice %arg15[%add3A_50, %dma_start3A_51] : memref<10240x128xf32, #tpu.memory_space<vmem_shared>> -> memref<80x128xf32, #tpu.memory_space<vmem_shared>>
    %dma_start3A_53 = arith.constant 0 : i32
    %dma_start3A_54 = tpu.memref_slice %arg15[%add3A_50, %dma_start3A_53] : memref<10240x128xf32, #tpu.memory_space<vmem_shared>> -> memref<80x128xf32, #tpu.memory_space<vmem_shared>>
    tpu.enqueue_dma source(%arg12 : memref<80x128xf32, #tpu.memory_space<vmem>>) target(%dma_start3A_54 : memref<80x128xf32, #tpu.memory_space<vmem_shared>>) target_semaphore(%arg28 : memref<!tpu.dma_semaphore, #tpu.memory_space<semaphore_mem>>)
    %mul3A_55 = arith.constant 640 : i32
    %mul3A_56 = arith.muli %arg1, %mul3A_55 : i32
    %add3A_57 = arith.constant 240 : i32
    %add3A_58 = arith.addi %mul3A_56, %add3A_57 : i32
    %dma_start3A_59 = arith.constant 0 : i32
    %dma_start3A_60 = tpu.memref_slice %arg15[%add3A_58, %dma_start3A_59] : memref<10240x128xf32, #tpu.memory_space<vmem_shared>> -> memref<80x128xf32, #tpu.memory_space<vmem_shared>>
    %dma_start3A_61 = arith.constant 0 : i32
    %dma_start3A_62 = tpu.memref_slice %arg15[%add3A_58, %dma_start3A_61] : memref<10240x128xf32, #tpu.memory_space<vmem_shared>> -> memref<80x128xf32, #tpu.memory_space<vmem_shared>>
    tpu.enqueue_dma source(%arg12 : memref<80x128xf32, #tpu.memory_space<vmem>>) target(%dma_start3A_62 : memref<80x128xf32, #tpu.memory_space<vmem_shared>>) target_semaphore(%arg28 : memref<!tpu.dma_semaphore, #tpu.memory_space<semaphore_mem>>)
    %mul3A_63 = arith.constant 640 : i32
    %mul3A_64 = arith.muli %arg1, %mul3A_63 : i32
    %add3A_65 = arith.constant 320 : i32
    %add3A_66 = arith.addi %mul3A_64, %add3A_65 : i32
    %dma_start3A_67 = arith.constant 0 : i32
    %dma_start3A_68 = tpu.memref_slice %arg15[%add3A_66, %dma_start3A_67] : memref<10240x128xf32, #tpu.memory_space<vmem_shared>> -> memref<80x128xf32, #tpu.memory_space<vmem_shared>>
    %dma_start3A_69 = arith.constant 0 : i32
    %dma_start3A_70 = tpu.memref_slice %arg15[%add3A_66, %dma_start3A_69] : memref<10240x128xf32, #tpu.memory_space<vmem_shared>> -> memref<80x128xf32, #tpu.memory_space<vmem_shared>>
    tpu.enqueue_dma source(%arg12 : memref<80x128xf32, #tpu.memory_space<vmem>>) target(%dma_start3A_70 : memref<80x128xf32, #tpu.memory_space<vmem_shared>>) target_semaphore(%arg28 : memref<!tpu.dma_semaphore, #tpu.memory_space<semaphore_mem>>)
    %mul3A_71 = arith.constant 640 : i32
    %mul3A_72 = arith.muli %arg1, %mul3A_71 : i32
    %add3A_73 = arith.constant 400 : i32
    %add3A_74 = arith.addi %mul3A_72, %add3A_73 : i32
    %dma_start3A_75 = arith.constant 0 : i32
    %dma_start3A_76 = tpu.memref_slice %arg15[%add3A_74, %dma_start3A_75] : memref<10240x128xf32, #tpu.memory_space<vmem_shared>> -> memref<80x128xf32, #tpu.memory_space<vmem_shared>>
    %dma_start3A_77 = arith.constant 0 : i32
    %dma_start3A_78 = tpu.memref_slice %arg15[%add3A_74, %dma_start3A_77] : memref<10240x128xf32, #tpu.memory_space<vmem_shared>> -> memref<80x128xf32, #tpu.memory_space<vmem_shared>>
    tpu.enqueue_dma source(%arg12 : memref<80x128xf32, #tpu.memory_space<vmem>>) target(%dma_start3A_78 : memref<80x128xf32, #tpu.memory_space<vmem_shared>>) target_semaphore(%arg28 : memref<!tpu.dma_semaphore, #tpu.memory_space<semaphore_mem>>)
    %mul3A_79 = arith.constant 640 : i32
    %mul3A_80 = arith.muli %arg1, %mul3A_79 : i32
    %add3A_81 = arith.constant 480 : i32
    %add3A_82 = arith.addi %mul3A_80, %add3A_81 : i32
    %dma_start3A_83 = arith.constant 0 : i32
    %dma_start3A_84 = tpu.memref_slice %arg15[%add3A_82, %dma_start3A_83] : memref<10240x128xf32, #tpu.memory_space<vmem_shared>> -> memref<80x128xf32, #tpu.memory_space<vmem_shared>>
    %dma_start3A_85 = arith.constant 0 : i32
    %dma_start3A_86 = tpu.memref_slice %arg15[%add3A_82, %dma_start3A_85] : memref<10240x128xf32, #tpu.memory_space<vmem_shared>> -> memref<80x128xf32, #tpu.memory_space<vmem_shared>>
    tpu.enqueue_dma source(%arg12 : memref<80x128xf32, #tpu.memory_space<vmem>>) target(%dma_start3A_86 : memref<80x128xf32, #tpu.memory_space<vmem_shared>>) target_semaphore(%arg28 : memref<!tpu.dma_semaphore, #tpu.memory_space<semaphore_mem>>)
    %mul3A_87 = arith.constant 640 : i32
    %mul3A_88 = arith.muli %arg1, %mul3A_87 : i32
    %add3A_89 = arith.constant 560 : i32
    %add3A_90 = arith.addi %mul3A_88, %add3A_89 : i32
    %dma_start3A_91 = arith.constant 0 : i32
    %dma_start3A_92 = tpu.memref_slice %arg15[%add3A_90, %dma_start3A_91] : memref<10240x128xf32, #tpu.memory_space<vmem_shared>> -> memref<80x128xf32, #tpu.memory_space<vmem_shared>>
    %dma_start3A_93 = arith.constant 0 : i32
    %dma_start3A_94 = tpu.memref_slice %arg15[%add3A_90, %dma_start3A_93] : memref<10240x128xf32, #tpu.memory_space<vmem_shared>> -> memref<80x128xf32, #tpu.memory_space<vmem_shared>>
    tpu.enqueue_dma source(%arg12 : memref<80x128xf32, #tpu.memory_space<vmem>>) target(%dma_start3A_94 : memref<80x128xf32, #tpu.memory_space<vmem_shared>>) target_semaphore(%arg28 : memref<!tpu.dma_semaphore, #tpu.memory_space<semaphore_mem>>)
    %dma_wait3A = tpu.memref_slice %arg3[%add3A_11] : memref<322560xi32, #tpu.memory_space<hbm>> -> memref<80xi32, #tpu.memory_space<hbm>>
    %dma_wait3A_95 = tpu.memref_slice %arg3[%add3A_11] : memref<322560xi32, #tpu.memory_space<hbm>> -> memref<80xi32, #tpu.memory_space<hbm>>
    tpu.wait_dma2 semaphore(%arg18 : memref<!tpu.dma_semaphore, #tpu.memory_space<semaphore_mem>>) src(%dma_wait3A_95 : memref<80xi32, #tpu.memory_space<hbm>>) dst(%arg7 : memref<80xi32, #tpu.memory_space<vmem>>)
    %dma_start3A_96 = arith.constant 0 : i32
    %dma_start3A_97 = arith.constant 0 : i32
    %dma_start3A_98 = tpu.memref_slice %arg2[%dma_start3A_96, %dma_start3A_97] : memref<10000x128xf32, #tpu.memory_space<hbm>> -> memref<10000x128xf32, #tpu.memory_space<hbm>>
    tpu.enqueue_indirect_dma source(%dma_start3A_98 : memref<10000x128xf32, #tpu.memory_space<hbm>>) target(%arg13 : memref<80x128xf32, #tpu.memory_space<vmem>>) offsets(%arg7 : memref<80xi32, #tpu.memory_space<vmem>>) semaphore(%arg23 : memref<!tpu.dma_semaphore, #tpu.memory_space<semaphore_mem>>)
    %dma_wait3A_99 = tpu.memref_slice %arg3[%add3A_19] : memref<322560xi32, #tpu.memory_space<hbm>> -> memref<80xi32, #tpu.memory_space<hbm>>
    %dma_wait3A_100 = tpu.memref_slice %arg3[%add3A_19] : memref<322560xi32, #tpu.memory_space<hbm>> -> memref<80xi32, #tpu.memory_space<hbm>>
    tpu.wait_dma2 semaphore(%arg20 : memref<!tpu.dma_semaphore, #tpu.memory_space<semaphore_mem>>) src(%dma_wait3A_100 : memref<80xi32, #tpu.memory_space<hbm>>) dst(%arg8 : memref<80xi32, #tpu.memory_space<vmem>>)
    %dma_start3A_101 = arith.constant 0 : i32
    %dma_start3A_102 = arith.constant 0 : i32
    %dma_start3A_103 = tpu.memref_slice %arg2[%dma_start3A_101, %dma_start3A_102] : memref<10000x128xf32, #tpu.memory_space<hbm>> -> memref<10000x128xf32, #tpu.memory_space<hbm>>
    tpu.enqueue_indirect_dma source(%dma_start3A_103 : memref<10000x128xf32, #tpu.memory_space<hbm>>) target(%arg14 : memref<80x128xf32, #tpu.memory_space<vmem>>) offsets(%arg8 : memref<80xi32, #tpu.memory_space<vmem>>) semaphore(%arg24 : memref<!tpu.dma_semaphore, #tpu.memory_space<semaphore_mem>>)
    %dma_wait3A_104 = arith.constant 0 : i32
    %dma_wait3A_105 = tpu.memref_slice %arg15[%add3A_34, %dma_wait3A_104] : memref<10240x128xf32, #tpu.memory_space<vmem_shared>> -> memref<80x128xf32, #tpu.memory_space<vmem_shared>>
    %dma_wait3A_106 = arith.constant 0 : i32
    %dma_wait3A_107 = tpu.memref_slice %arg15[%add3A_34, %dma_wait3A_106] : memref<10240x128xf32, #tpu.memory_space<vmem_shared>> -> memref<80x128xf32, #tpu.memory_space<vmem_shared>>
    tpu.wait_dma2 semaphore(%arg28 : memref<!tpu.dma_semaphore, #tpu.memory_space<semaphore_mem>>) src(%arg12 : memref<80x128xf32, #tpu.memory_space<vmem>>) dst(%dma_wait3A_107 : memref<80x128xf32, #tpu.memory_space<vmem_shared>>)
    %dma_wait3A_108 = arith.constant 0 : i32
    %dma_wait3A_109 = tpu.memref_slice %arg15[%add3A_42, %dma_wait3A_108] : memref<10240x128xf32, #tpu.memory_space<vmem_shared>> -> memref<80x128xf32, #tpu.memory_space<vmem_shared>>
    %dma_wait3A_110 = arith.constant 0 : i32
    %dma_wait3A_111 = tpu.memref_slice %arg15[%add3A_42, %dma_wait3A_110] : memref<10240x128xf32, #tpu.memory_space<vmem_shared>> -> memref<80x128xf32, #tpu.memory_space<vmem_shared>>
    tpu.wait_dma2 semaphore(%arg28 : memref<!tpu.dma_semaphore, #tpu.memory_space<semaphore_mem>>) src(%arg12 : memref<80x128xf32, #tpu.memory_space<vmem>>) dst(%dma_wait3A_111 : memref<80x128xf32, #tpu.memory_space<vmem_shared>>)
    %dma_wait3A_112 = arith.constant 0 : i32
    %dma_wait3A_113 = tpu.memref_slice %arg15[%add3A_50, %dma_wait3A_112] : memref<10240x128xf32, #tpu.memory_space<vmem_shared>> -> memref<80x128xf32, #tpu.memory_space<vmem_shared>>
    %dma_wait3A_114 = arith.constant 0 : i32
    %dma_wait3A_115 = tpu.memref_slice %arg15[%add3A_50, %dma_wait3A_114] : memref<10240x128xf32, #tpu.memory_space<vmem_shared>> -> memref<80x128xf32, #tpu.memory_space<vmem_shared>>
    tpu.wait_dma2 semaphore(%arg28 : memref<!tpu.dma_semaphore, #tpu.memory_space<semaphore_mem>>) src(%arg12 : memref<80x128xf32, #tpu.memory_space<vmem>>) dst(%dma_wait3A_115 : memref<80x128xf32, #tpu.memory_space<vmem_shared>>)
    %dma_wait3A_116 = arith.constant 0 : i32
    %dma_wait3A_117 = tpu.memref_slice %arg15[%add3A_58, %dma_wait3A_116] : memref<10240x128xf32, #tpu.memory_space<vmem_shared>> -> memref<80x128xf32, #tpu.memory_space<vmem_shared>>
    %dma_wait3A_118 = arith.constant 0 : i32
    %dma_wait3A_119 = tpu.memref_slice %arg15[%add3A_58, %dma_wait3A_118] : memref<10240x128xf32, #tpu.memory_space<vmem_shared>> -> memref<80x128xf32, #tpu.memory_space<vmem_shared>>
    tpu.wait_dma2 semaphore(%arg28 : memref<!tpu.dma_semaphore, #tpu.memory_space<semaphore_mem>>) src(%arg12 : memref<80x128xf32, #tpu.memory_space<vmem>>) dst(%dma_wait3A_119 : memref<80x128xf32, #tpu.memory_space<vmem_shared>>)
    %dma_wait3A_120 = arith.constant 0 : i32
    %dma_wait3A_121 = tpu.memref_slice %arg15[%add3A_66, %dma_wait3A_120] : memref<10240x128xf32, #tpu.memory_space<vmem_shared>> -> memref<80x128xf32, #tpu.memory_space<vmem_shared>>
    %dma_wait3A_122 = arith.constant 0 : i32
    %dma_wait3A_123 = tpu.memref_slice %arg15[%add3A_66, %dma_wait3A_122] : memref<10240x128xf32, #tpu.memory_space<vmem_shared>> -> memref<80x128xf32, #tpu.memory_space<vmem_shared>>
    tpu.wait_dma2 semaphore(%arg28 : memref<!tpu.dma_semaphore, #tpu.memory_space<semaphore_mem>>) src(%arg12 : memref<80x128xf32, #tpu.memory_space<vmem>>) dst(%dma_wait3A_123 : memref<80x128xf32, #tpu.memory_space<vmem_shared>>)
    %dma_wait3A_124 = arith.constant 0 : i32
    %dma_wait3A_125 = tpu.memref_slice %arg15[%add3A_74, %dma_wait3A_124] : memref<10240x128xf32, #tpu.memory_space<vmem_shared>> -> memref<80x128xf32, #tpu.memory_space<vmem_shared>>
    %dma_wait3A_126 = arith.constant 0 : i32
    %dma_wait3A_127 = tpu.memref_slice %arg15[%add3A_74, %dma_wait3A_126] : memref<10240x128xf32, #tpu.memory_space<vmem_shared>> -> memref<80x128xf32, #tpu.memory_space<vmem_shared>>
    tpu.wait_dma2 semaphore(%arg28 : memref<!tpu.dma_semaphore, #tpu.memory_space<semaphore_mem>>) src(%arg12 : memref<80x128xf32, #tpu.memory_space<vmem>>) dst(%dma_wait3A_127 : memref<80x128xf32, #tpu.memory_space<vmem_shared>>)
    %dma_wait3A_128 = arith.constant 0 : i32
    %dma_wait3A_129 = tpu.memref_slice %arg15[%add3A_82, %dma_wait3A_128] : memref<10240x128xf32, #tpu.memory_space<vmem_shared>> -> memref<80x128xf32, #tpu.memory_space<vmem_shared>>
    %dma_wait3A_130 = arith.constant 0 : i32
    %dma_wait3A_131 = tpu.memref_slice %arg15[%add3A_82, %dma_wait3A_130] : memref<10240x128xf32, #tpu.memory_space<vmem_shared>> -> memref<80x128xf32, #tpu.memory_space<vmem_shared>>
    tpu.wait_dma2 semaphore(%arg28 : memref<!tpu.dma_semaphore, #tpu.memory_space<semaphore_mem>>) src(%arg12 : memref<80x128xf32, #tpu.memory_space<vmem>>) dst(%dma_wait3A_131 : memref<80x128xf32, #tpu.memory_space<vmem_shared>>)
    %dma_wait3A_132 = arith.constant 0 : i32
    %dma_wait3A_133 = tpu.memref_slice %arg15[%add3A_90, %dma_wait3A_132] : memref<10240x128xf32, #tpu.memory_space<vmem_shared>> -> memref<80x128xf32, #tpu.memory_space<vmem_shared>>
    %dma_wait3A_134 = arith.constant 0 : i32
    %dma_wait3A_135 = tpu.memref_slice %arg15[%add3A_90, %dma_wait3A_134] : memref<10240x128xf32, #tpu.memory_space<vmem_shared>> -> memref<80x128xf32, #tpu.memory_space<vmem_shared>>
    tpu.wait_dma2 semaphore(%arg28 : memref<!tpu.dma_semaphore, #tpu.memory_space<semaphore_mem>>) src(%arg12 : memref<80x128xf32, #tpu.memory_space<vmem>>) dst(%dma_wait3A_135 : memref<80x128xf32, #tpu.memory_space<vmem_shared>>)
    %dma_wait3A_136 = tpu.memref_slice %arg3[%add3A_4] : memref<322560xi32, #tpu.memory_space<hbm>> -> memref<80xi32, #tpu.memory_space<hbm>>
    %dma_wait3A_137 = tpu.memref_slice %arg3[%add3A_4] : memref<322560xi32, #tpu.memory_space<hbm>> -> memref<80xi32, #tpu.memory_space<hbm>>
    tpu.wait_dma2 semaphore(%arg16 : memref<!tpu.dma_semaphore, #tpu.memory_space<semaphore_mem>>) src(%dma_wait3A_137 : memref<80xi32, #tpu.memory_space<hbm>>) dst(%arg6 : memref<80xi32, #tpu.memory_space<vmem>>)
    %dma_start3A_138 = arith.constant 0 : i32
    %dma_start3A_139 = arith.constant 0 : i32
    %dma_start3A_140 = tpu.memref_slice %arg2[%dma_start3A_138, %dma_start3A_139] : memref<10000x128xf32, #tpu.memory_space<hbm>> -> memref<10000x128xf32, #tpu.memory_space<hbm>>
    tpu.enqueue_indirect_dma source(%dma_start3A_140 : memref<10000x128xf32, #tpu.memory_space<hbm>>) target(%arg12 : memref<80x128xf32, #tpu.memory_space<vmem>>) offsets(%arg6 : memref<80xi32, #tpu.memory_space<vmem>>) semaphore(%arg22 : memref<!tpu.dma_semaphore, #tpu.memory_space<semaphore_mem>>)
    %barrier3A = arith.constant 0 : index
    tpu.barrier barrier_id(%barrier3A)
    %dma_wait3A_141 = arith.constant 0 : i32
    %dma_wait3A_142 = arith.constant 0 : i32
    %dma_wait3A_143 = tpu.memref_slice %arg2[%dma_wait3A_141, %dma_wait3A_142] : memref<10000x128xf32, #tpu.memory_space<hbm>> -> memref<10000x128xf32, #tpu.memory_space<hbm>>
    tpu.wait_indirect_dma semaphore(%arg22 : memref<!tpu.dma_semaphore, #tpu.memory_space<semaphore_mem>>) src(%dma_wait3A_143 : memref<10000x128xf32, #tpu.memory_space<hbm>>) dst(%arg12 : memref<80x128xf32, #tpu.memory_space<vmem>>)
    %dma_wait3A_144 = tpu.memref_slice %arg4[%add3A_7] : memref<322560xi32, #tpu.memory_space<hbm>> -> memref<80xi32, #tpu.memory_space<hbm>>
    %dma_wait3A_145 = tpu.memref_slice %arg4[%add3A_7] : memref<322560xi32, #tpu.memory_space<hbm>> -> memref<80xi32, #tpu.memory_space<hbm>>
    tpu.wait_dma2 semaphore(%arg17 : memref<!tpu.dma_semaphore, #tpu.memory_space<semaphore_mem>>) src(%dma_wait3A_145 : memref<80xi32, #tpu.memory_space<hbm>>) dst(%arg9 : memref<80xi32, #tpu.memory_space<vmem>>)
    %dma_start3A_146 = arith.constant 0 : i32
    %dma_start3A_147 = arith.constant 0 : i32
    %dma_start3A_148 = tpu.memref_slice %arg15[%dma_start3A_146, %dma_start3A_147] : memref<10240x128xf32, #tpu.memory_space<vmem_shared>> -> memref<10240x128xf32, #tpu.memory_space<vmem_shared>>
    tpu.enqueue_indirect_dma source(%arg12 : memref<80x128xf32, #tpu.memory_space<vmem>>) target(%dma_start3A_148 : memref<10240x128xf32, #tpu.memory_space<vmem_shared>>) offsets(%arg9 : memref<80xi32, #tpu.memory_space<vmem>>) semaphore(%arg25 : memref<!tpu.dma_semaphore, #tpu.memory_space<semaphore_mem>>) {add = true}
    %dma_wait3A_149 = arith.constant 0 : i32
    %dma_wait3A_150 = arith.constant 0 : i32
    %dma_wait3A_151 = tpu.memref_slice %arg2[%dma_wait3A_149, %dma_wait3A_150] : memref<10000x128xf32, #tpu.memory_space<hbm>> -> memref<10000x128xf32, #tpu.memory_space<hbm>>
    tpu.wait_indirect_dma semaphore(%arg23 : memref<!tpu.dma_semaphore, #tpu.memory_space<semaphore_mem>>) src(%dma_wait3A_151 : memref<10000x128xf32, #tpu.memory_space<hbm>>) dst(%arg13 : memref<80x128xf32, #tpu.memory_space<vmem>>)
    %dma_wait3A_152 = tpu.memref_slice %arg4[%add3A_15] : memref<322560xi32, #tpu.memory_space<hbm>> -> memref<80xi32, #tpu.memory_space<hbm>>
    %dma_wait3A_153 = tpu.memref_slice %arg4[%add3A_15] : memref<322560xi32, #tpu.memory_space<hbm>> -> memref<80xi32, #tpu.memory_space<hbm>>
    tpu.wait_dma2 semaphore(%arg19 : memref<!tpu.dma_semaphore, #tpu.memory_space<semaphore_mem>>) src(%dma_wait3A_153 : memref<80xi32, #tpu.memory_space<hbm>>) dst(%arg10 : memref<80xi32, #tpu.memory_space<vmem>>)
    %dma_start3A_154 = arith.constant 0 : i32
    %dma_start3A_155 = arith.constant 0 : i32
    %dma_start3A_156 = tpu.memref_slice %arg15[%dma_start3A_154, %dma_start3A_155] : memref<10240x128xf32, #tpu.memory_space<vmem_shared>> -> memref<10240x128xf32, #tpu.memory_space<vmem_shared>>
    tpu.enqueue_indirect_dma source(%arg13 : memref<80x128xf32, #tpu.memory_space<vmem>>) target(%dma_start3A_156 : memref<10240x128xf32, #tpu.memory_space<vmem_shared>>) offsets(%arg10 : memref<80xi32, #tpu.memory_space<vmem>>) semaphore(%arg26 : memref<!tpu.dma_semaphore, #tpu.memory_space<semaphore_mem>>) {add = true}
    %dma_wait3A_157 = arith.constant 0 : i32
    %dma_wait3A_158 = arith.constant 0 : i32
    %dma_wait3A_159 = tpu.memref_slice %arg2[%dma_wait3A_157, %dma_wait3A_158] : memref<10000x128xf32, #tpu.memory_space<hbm>> -> memref<10000x128xf32, #tpu.memory_space<hbm>>
    tpu.wait_indirect_dma semaphore(%arg24 : memref<!tpu.dma_semaphore, #tpu.memory_space<semaphore_mem>>) src(%dma_wait3A_159 : memref<10000x128xf32, #tpu.memory_space<hbm>>) dst(%arg14 : memref<80x128xf32, #tpu.memory_space<vmem>>)
    %dma_wait3A_160 = tpu.memref_slice %arg4[%add3A_23] : memref<322560xi32, #tpu.memory_space<hbm>> -> memref<80xi32, #tpu.memory_space<hbm>>
    %dma_wait3A_161 = tpu.memref_slice %arg4[%add3A_23] : memref<322560xi32, #tpu.memory_space<hbm>> -> memref<80xi32, #tpu.memory_space<hbm>>
    tpu.wait_dma2 semaphore(%arg21 : memref<!tpu.dma_semaphore, #tpu.memory_space<semaphore_mem>>) src(%dma_wait3A_161 : memref<80xi32, #tpu.memory_space<hbm>>) dst(%arg11 : memref<80xi32, #tpu.memory_space<vmem>>)
    %dma_start3A_162 = arith.constant 0 : i32
    %dma_start3A_163 = arith.constant 0 : i32
    %dma_start3A_164 = tpu.memref_slice %arg15[%dma_start3A_162, %dma_start3A_163] : memref<10240x128xf32, #tpu.memory_space<vmem_shared>> -> memref<10240x128xf32, #tpu.memory_space<vmem_shared>>
    tpu.enqueue_indirect_dma source(%arg14 : memref<80x128xf32, #tpu.memory_space<vmem>>) target(%dma_start3A_164 : memref<10240x128xf32, #tpu.memory_space<vmem_shared>>) offsets(%arg11 : memref<80xi32, #tpu.memory_space<vmem>>) semaphore(%arg27 : memref<!tpu.dma_semaphore, #tpu.memory_space<semaphore_mem>>) {add = true}
    %scan3A_165 = arith.constant 0 : i32
    %scan3A_166 = arith.constant 1 : i32
    %scan3A_167 = arith.constant 41 : i32
    %scan3A_168 = arith.addi %scan3A_166, %scan3A_167 : i32
    %scan3A_169 = arith.constant 1 : i32
    scf.for %scan3A_185 = %scan3A_166 to %scan3A_168 step %scan3A_169  : i32 {
      %mul3A_186 = arith.constant 10080 : i32
      %mul3A_187 = arith.muli %add3A, %mul3A_186 : i32
      %mul3A_188 = arith.constant 3 : i32
      %mul3A_189 = arith.muli %mul3A_188, %scan3A_185 : i32
      %mul3A_190 = arith.constant 80 : i32
      %mul3A_191 = arith.muli %mul3A_189, %mul3A_190 : i32
      %add3A_192 = arith.addi %mul3A_187, %mul3A_191 : i32
      %dma_wait3A_193 = arith.constant 0 : i32
      %dma_wait3A_194 = arith.constant 0 : i32
      %dma_wait3A_195 = tpu.memref_slice %arg15[%dma_wait3A_193, %dma_wait3A_194] : memref<10240x128xf32, #tpu.memory_space<vmem_shared>> -> memref<10240x128xf32, #tpu.memory_space<vmem_shared>>
      tpu.wait_indirect_dma semaphore(%arg25 : memref<!tpu.dma_semaphore, #tpu.memory_space<semaphore_mem>>) src(%arg12 : memref<80x128xf32, #tpu.memory_space<vmem>>) dst(%dma_wait3A_195 : memref<10240x128xf32, #tpu.memory_space<vmem_shared>>)
      %add3A_196 = arith.constant 0 : i32
      %add3A_197 = arith.addi %add3A_192, %add3A_196 : i32
      %dma_start3A_198 = tpu.memref_slice %arg3[%add3A_197] : memref<322560xi32, #tpu.memory_space<hbm>> -> memref<80xi32, #tpu.memory_space<hbm>>
      %dma_start3A_199 = tpu.memref_slice %arg3[%add3A_197] : memref<322560xi32, #tpu.memory_space<hbm>> -> memref<80xi32, #tpu.memory_space<hbm>>
      tpu.enqueue_dma source(%dma_start3A_199 : memref<80xi32, #tpu.memory_space<hbm>>) target(%arg6 : memref<80xi32, #tpu.memory_space<vmem>>) target_semaphore(%arg16 : memref<!tpu.dma_semaphore, #tpu.memory_space<semaphore_mem>>)
      %add3A_200 = arith.constant 0 : i32
      %add3A_201 = arith.addi %add3A_192, %add3A_200 : i32
      %dma_start3A_202 = tpu.memref_slice %arg4[%add3A_201] : memref<322560xi32, #tpu.memory_space<hbm>> -> memref<80xi32, #tpu.memory_space<hbm>>
      %dma_start3A_203 = tpu.memref_slice %arg4[%add3A_201] : memref<322560xi32, #tpu.memory_space<hbm>> -> memref<80xi32, #tpu.memory_space<hbm>>
      tpu.enqueue_dma source(%dma_start3A_203 : memref<80xi32, #tpu.memory_space<hbm>>) target(%arg9 : memref<80xi32, #tpu.memory_space<vmem>>) target_semaphore(%arg17 : memref<!tpu.dma_semaphore, #tpu.memory_space<semaphore_mem>>)
      %dma_wait3A_204 = arith.constant 0 : i32
      %dma_wait3A_205 = arith.constant 0 : i32
      %dma_wait3A_206 = tpu.memref_slice %arg15[%dma_wait3A_204, %dma_wait3A_205] : memref<10240x128xf32, #tpu.memory_space<vmem_shared>> -> memref<10240x128xf32, #tpu.memory_space<vmem_shared>>
      tpu.wait_indirect_dma semaphore(%arg26 : memref<!tpu.dma_semaphore, #tpu.memory_space<semaphore_mem>>) src(%arg13 : memref<80x128xf32, #tpu.memory_space<vmem>>) dst(%dma_wait3A_206 : memref<10240x128xf32, #tpu.memory_space<vmem_shared>>)
      %add3A_207 = arith.constant 80 : i32
      %add3A_208 = arith.addi %add3A_192, %add3A_207 : i32
      %dma_start3A_209 = tpu.memref_slice %arg3[%add3A_208] : memref<322560xi32, #tpu.memory_space<hbm>> -> memref<80xi32, #tpu.memory_space<hbm>>
      %dma_start3A_210 = tpu.memref_slice %arg3[%add3A_208] : memref<322560xi32, #tpu.memory_space<hbm>> -> memref<80xi32, #tpu.memory_space<hbm>>
      tpu.enqueue_dma source(%dma_start3A_210 : memref<80xi32, #tpu.memory_space<hbm>>) target(%arg7 : memref<80xi32, #tpu.memory_space<vmem>>) target_semaphore(%arg18 : memref<!tpu.dma_semaphore, #tpu.memory_space<semaphore_mem>>)
      %add3A_211 = arith.constant 80 : i32
      %add3A_212 = arith.addi %add3A_192, %add3A_211 : i32
      %dma_start3A_213 = tpu.memref_slice %arg4[%add3A_212] : memref<322560xi32, #tpu.memory_space<hbm>> -> memref<80xi32, #tpu.memory_space<hbm>>
      %dma_start3A_214 = tpu.memref_slice %arg4[%add3A_212] : memref<322560xi32, #tpu.memory_space<hbm>> -> memref<80xi32, #tpu.memory_space<hbm>>
      tpu.enqueue_dma source(%dma_start3A_214 : memref<80xi32, #tpu.memory_space<hbm>>) target(%arg10 : memref<80xi32, #tpu.memory_space<vmem>>) target_semaphore(%arg19 : memref<!tpu.dma_semaphore, #tpu.memory_space<semaphore_mem>>)
      %dma_wait3A_215 = arith.constant 0 : i32
      %dma_wait3A_216 = arith.constant 0 : i32
      %dma_wait3A_217 = tpu.memref_slice %arg15[%dma_wait3A_215, %dma_wait3A_216] : memref<10240x128xf32, #tpu.memory_space<vmem_shared>> -> memref<10240x128xf32, #tpu.memory_space<vmem_shared>>
      tpu.wait_indirect_dma semaphore(%arg27 : memref<!tpu.dma_semaphore, #tpu.memory_space<semaphore_mem>>) src(%arg14 : memref<80x128xf32, #tpu.memory_space<vmem>>) dst(%dma_wait3A_217 : memref<10240x128xf32, #tpu.memory_space<vmem_shared>>)
      %add3A_218 = arith.constant 160 : i32
      %add3A_219 = arith.addi %add3A_192, %add3A_218 : i32
      %dma_start3A_220 = tpu.memref_slice %arg3[%add3A_219] : memref<322560xi32, #tpu.memory_space<hbm>> -> memref<80xi32, #tpu.memory_space<hbm>>
      %dma_start3A_221 = tpu.memref_slice %arg3[%add3A_219] : memref<322560xi32, #tpu.memory_space<hbm>> -> memref<80xi32, #tpu.memory_space<hbm>>
      tpu.enqueue_dma source(%dma_start3A_221 : memref<80xi32, #tpu.memory_space<hbm>>) target(%arg8 : memref<80xi32, #tpu.memory_space<vmem>>) target_semaphore(%arg20 : memref<!tpu.dma_semaphore, #tpu.memory_space<semaphore_mem>>)
      %add3A_222 = arith.constant 160 : i32
      %add3A_223 = arith.addi %add3A_192, %add3A_222 : i32
      %dma_start3A_224 = tpu.memref_slice %arg4[%add3A_223] : memref<322560xi32, #tpu.memory_space<hbm>> -> memref<80xi32, #tpu.memory_space<hbm>>
      %dma_start3A_225 = tpu.memref_slice %arg4[%add3A_223] : memref<322560xi32, #tpu.memory_space<hbm>> -> memref<80xi32, #tpu.memory_space<hbm>>
      tpu.enqueue_dma source(%dma_start3A_225 : memref<80xi32, #tpu.memory_space<hbm>>) target(%arg11 : memref<80xi32, #tpu.memory_space<vmem>>) target_semaphore(%arg21 : memref<!tpu.dma_semaphore, #tpu.memory_space<semaphore_mem>>)
      %dma_wait3A_226 = tpu.memref_slice %arg3[%add3A_197] : memref<322560xi32, #tpu.memory_space<hbm>> -> memref<80xi32, #tpu.memory_space<hbm>>
      %dma_wait3A_227 = tpu.memref_slice %arg3[%add3A_197] : memref<322560xi32, #tpu.memory_space<hbm>> -> memref<80xi32, #tpu.memory_space<hbm>>
      tpu.wait_dma2 semaphore(%arg16 : memref<!tpu.dma_semaphore, #tpu.memory_space<semaphore_mem>>) src(%dma_wait3A_227 : memref<80xi32, #tpu.memory_space<hbm>>) dst(%arg6 : memref<80xi32, #tpu.memory_space<vmem>>)
      %dma_start3A_228 = arith.constant 0 : i32
      %dma_start3A_229 = arith.constant 0 : i32
      %dma_start3A_230 = tpu.memref_slice %arg2[%dma_start3A_228, %dma_start3A_229] : memref<10000x128xf32, #tpu.memory_space<hbm>> -> memref<10000x128xf32, #tpu.memory_space<hbm>>
      tpu.enqueue_indirect_dma source(%dma_start3A_230 : memref<10000x128xf32, #tpu.memory_space<hbm>>) target(%arg12 : memref<80x128xf32, #tpu.memory_space<vmem>>) offsets(%arg6 : memref<80xi32, #tpu.memory_space<vmem>>) semaphore(%arg22 : memref<!tpu.dma_semaphore, #tpu.memory_space<semaphore_mem>>)
      %dma_wait3A_231 = tpu.memref_slice %arg3[%add3A_208] : memref<322560xi32, #tpu.memory_space<hbm>> -> memref<80xi32, #tpu.memory_space<hbm>>
      %dma_wait3A_232 = tpu.memref_slice %arg3[%add3A_208] : memref<322560xi32, #tpu.memory_space<hbm>> -> memref<80xi32, #tpu.memory_space<hbm>>
      tpu.wait_dma2 semaphore(%arg18 : memref<!tpu.dma_semaphore, #tpu.memory_space<semaphore_mem>>) src(%dma_wait3A_232 : memref<80xi32, #tpu.memory_space<hbm>>) dst(%arg7 : memref<80xi32, #tpu.memory_space<vmem>>)
      %dma_start3A_233 = arith.constant 0 : i32
      %dma_start3A_234 = arith.constant 0 : i32
      %dma_start3A_235 = tpu.memref_slice %arg2[%dma_start3A_233, %dma_start3A_234] : memref<10000x128xf32, #tpu.memory_space<hbm>> -> memref<10000x128xf32, #tpu.memory_space<hbm>>
      tpu.enqueue_indirect_dma source(%dma_start3A_235 : memref<10000x128xf32, #tpu.memory_space<hbm>>) target(%arg13 : memref<80x128xf32, #tpu.memory_space<vmem>>) offsets(%arg7 : memref<80xi32, #tpu.memory_space<vmem>>) semaphore(%arg23 : memref<!tpu.dma_semaphore, #tpu.memory_space<semaphore_mem>>)
      %dma_wait3A_236 = tpu.memref_slice %arg3[%add3A_219] : memref<322560xi32, #tpu.memory_space<hbm>> -> memref<80xi32, #tpu.memory_space<hbm>>
      %dma_wait3A_237 = tpu.memref_slice %arg3[%add3A_219] : memref<322560xi32, #tpu.memory_space<hbm>> -> memref<80xi32, #tpu.memory_space<hbm>>
      tpu.wait_dma2 semaphore(%arg20 : memref<!tpu.dma_semaphore, #tpu.memory_space<semaphore_mem>>) src(%dma_wait3A_237 : memref<80xi32, #tpu.memory_space<hbm>>) dst(%arg8 : memref<80xi32, #tpu.memory_space<vmem>>)
      %dma_start3A_238 = arith.constant 0 : i32
      %dma_start3A_239 = arith.constant 0 : i32
      %dma_start3A_240 = tpu.memref_slice %arg2[%dma_start3A_238, %dma_start3A_239] : memref<10000x128xf32, #tpu.memory_space<hbm>> -> memref<10000x128xf32, #tpu.memory_space<hbm>>
      tpu.enqueue_indirect_dma source(%dma_start3A_240 : memref<10000x128xf32, #tpu.memory_space<hbm>>) target(%arg14 : memref<80x128xf32, #tpu.memory_space<vmem>>) offsets(%arg8 : memref<80xi32, #tpu.memory_space<vmem>>) semaphore(%arg24 : memref<!tpu.dma_semaphore, #tpu.memory_space<semaphore_mem>>)
      %dma_wait3A_241 = arith.constant 0 : i32
      %dma_wait3A_242 = arith.constant 0 : i32
      %dma_wait3A_243 = tpu.memref_slice %arg2[%dma_wait3A_241, %dma_wait3A_242] : memref<10000x128xf32, #tpu.memory_space<hbm>> -> memref<10000x128xf32, #tpu.memory_space<hbm>>
      tpu.wait_indirect_dma semaphore(%arg22 : memref<!tpu.dma_semaphore, #tpu.memory_space<semaphore_mem>>) src(%dma_wait3A_243 : memref<10000x128xf32, #tpu.memory_space<hbm>>) dst(%arg12 : memref<80x128xf32, #tpu.memory_space<vmem>>)
      %dma_wait3A_244 = tpu.memref_slice %arg4[%add3A_201] : memref<322560xi32, #tpu.memory_space<hbm>> -> memref<80xi32, #tpu.memory_space<hbm>>
      %dma_wait3A_245 = tpu.memref_slice %arg4[%add3A_201] : memref<322560xi32, #tpu.memory_space<hbm>> -> memref<80xi32, #tpu.memory_space<hbm>>
      tpu.wait_dma2 semaphore(%arg17 : memref<!tpu.dma_semaphore, #tpu.memory_space<semaphore_mem>>) src(%dma_wait3A_245 : memref<80xi32, #tpu.memory_space<hbm>>) dst(%arg9 : memref<80xi32, #tpu.memory_space<vmem>>)
      %dma_start3A_246 = arith.constant 0 : i32
      %dma_start3A_247 = arith.constant 0 : i32
      %dma_start3A_248 = tpu.memref_slice %arg15[%dma_start3A_246, %dma_start3A_247] : memref<10240x128xf32, #tpu.memory_space<vmem_shared>> -> memref<10240x128xf32, #tpu.memory_space<vmem_shared>>
      tpu.enqueue_indirect_dma source(%arg12 : memref<80x128xf32, #tpu.memory_space<vmem>>) target(%dma_start3A_248 : memref<10240x128xf32, #tpu.memory_space<vmem_shared>>) offsets(%arg9 : memref<80xi32, #tpu.memory_space<vmem>>) semaphore(%arg25 : memref<!tpu.dma_semaphore, #tpu.memory_space<semaphore_mem>>) {add = true}
      %dma_wait3A_249 = arith.constant 0 : i32
      %dma_wait3A_250 = arith.constant 0 : i32
      %dma_wait3A_251 = tpu.memref_slice %arg2[%dma_wait3A_249, %dma_wait3A_250] : memref<10000x128xf32, #tpu.memory_space<hbm>> -> memref<10000x128xf32, #tpu.memory_space<hbm>>
      tpu.wait_indirect_dma semaphore(%arg23 : memref<!tpu.dma_semaphore, #tpu.memory_space<semaphore_mem>>) src(%dma_wait3A_251 : memref<10000x128xf32, #tpu.memory_space<hbm>>) dst(%arg13 : memref<80x128xf32, #tpu.memory_space<vmem>>)
      %dma_wait3A_252 = tpu.memref_slice %arg4[%add3A_212] : memref<322560xi32, #tpu.memory_space<hbm>> -> memref<80xi32, #tpu.memory_space<hbm>>
      %dma_wait3A_253 = tpu.memref_slice %arg4[%add3A_212] : memref<322560xi32, #tpu.memory_space<hbm>> -> memref<80xi32, #tpu.memory_space<hbm>>
      tpu.wait_dma2 semaphore(%arg19 : memref<!tpu.dma_semaphore, #tpu.memory_space<semaphore_mem>>) src(%dma_wait3A_253 : memref<80xi32, #tpu.memory_space<hbm>>) dst(%arg10 : memref<80xi32, #tpu.memory_space<vmem>>)
      %dma_start3A_254 = arith.constant 0 : i32
      %dma_start3A_255 = arith.constant 0 : i32
      %dma_start3A_256 = tpu.memref_slice %arg15[%dma_start3A_254, %dma_start3A_255] : memref<10240x128xf32, #tpu.memory_space<vmem_shared>> -> memref<10240x128xf32, #tpu.memory_space<vmem_shared>>
      tpu.enqueue_indirect_dma source(%arg13 : memref<80x128xf32, #tpu.memory_space<vmem>>) target(%dma_start3A_256 : memref<10240x128xf32, #tpu.memory_space<vmem_shared>>) offsets(%arg10 : memref<80xi32, #tpu.memory_space<vmem>>) semaphore(%arg26 : memref<!tpu.dma_semaphore, #tpu.memory_space<semaphore_mem>>) {add = true}
      %dma_wait3A_257 = arith.constant 0 : i32
      %dma_wait3A_258 = arith.constant 0 : i32
      %dma_wait3A_259 = tpu.memref_slice %arg2[%dma_wait3A_257, %dma_wait3A_258] : memref<10000x128xf32, #tpu.memory_space<hbm>> -> memref<10000x128xf32, #tpu.memory_space<hbm>>
      tpu.wait_indirect_dma semaphore(%arg24 : memref<!tpu.dma_semaphore, #tpu.memory_space<semaphore_mem>>) src(%dma_wait3A_259 : memref<10000x128xf32, #tpu.memory_space<hbm>>) dst(%arg14 : memref<80x128xf32, #tpu.memory_space<vmem>>)
      %dma_wait3A_260 = tpu.memref_slice %arg4[%add3A_223] : memref<322560xi32, #tpu.memory_space<hbm>> -> memref<80xi32, #tpu.memory_space<hbm>>
      %dma_wait3A_261 = tpu.memref_slice %arg4[%add3A_223] : memref<322560xi32, #tpu.memory_space<hbm>> -> memref<80xi32, #tpu.memory_space<hbm>>
      tpu.wait_dma2 semaphore(%arg21 : memref<!tpu.dma_semaphore, #tpu.memory_space<semaphore_mem>>) src(%dma_wait3A_261 : memref<80xi32, #tpu.memory_space<hbm>>) dst(%arg11 : memref<80xi32, #tpu.memory_space<vmem>>)
      %dma_start3A_262 = arith.constant 0 : i32
      %dma_start3A_263 = arith.constant 0 : i32
      %dma_start3A_264 = tpu.memref_slice %arg15[%dma_start3A_262, %dma_start3A_263] : memref<10240x128xf32, #tpu.memory_space<vmem_shared>> -> memref<10240x128xf32, #tpu.memory_space<vmem_shared>>
      tpu.enqueue_indirect_dma source(%arg14 : memref<80x128xf32, #tpu.memory_space<vmem>>) target(%dma_start3A_264 : memref<10240x128xf32, #tpu.memory_space<vmem_shared>>) offsets(%arg11 : memref<80xi32, #tpu.memory_space<vmem>>) semaphore(%arg27 : memref<!tpu.dma_semaphore, #tpu.memory_space<semaphore_mem>>) {add = true}
    }
    %scan3A_170 = arith.constant 41 : i32
    %dma_wait3A_171 = arith.constant 0 : i32
    %dma_wait3A_172 = arith.constant 0 : i32
    %dma_wait3A_173 = tpu.memref_slice %arg15[%dma_wait3A_171, %dma_wait3A_172] : memref<10240x128xf32, #tpu.memory_space<vmem_shared>> -> memref<10240x128xf32, #tpu.memory_space<vmem_shared>>
    tpu.wait_indirect_dma semaphore(%arg25 : memref<!tpu.dma_semaphore, #tpu.memory_space<semaphore_mem>>) src(%arg12 : memref<80x128xf32, #tpu.memory_space<vmem>>) dst(%dma_wait3A_173 : memref<10240x128xf32, #tpu.memory_space<vmem_shared>>)
    %dma_wait3A_174 = arith.constant 0 : i32
    %dma_wait3A_175 = arith.constant 0 : i32
    %dma_wait3A_176 = tpu.memref_slice %arg15[%dma_wait3A_174, %dma_wait3A_175] : memref<10240x128xf32, #tpu.memory_space<vmem_shared>> -> memref<10240x128xf32, #tpu.memory_space<vmem_shared>>
    tpu.wait_indirect_dma semaphore(%arg26 : memref<!tpu.dma_semaphore, #tpu.memory_space<semaphore_mem>>) src(%arg13 : memref<80x128xf32, #tpu.memory_space<vmem>>) dst(%dma_wait3A_176 : memref<10240x128xf32, #tpu.memory_space<vmem_shared>>)
    %dma_wait3A_177 = arith.constant 0 : i32
    %dma_wait3A_178 = arith.constant 0 : i32
    %dma_wait3A_179 = tpu.memref_slice %arg15[%dma_wait3A_177, %dma_wait3A_178] : memref<10240x128xf32, #tpu.memory_space<vmem_shared>> -> memref<10240x128xf32, #tpu.memory_space<vmem_shared>>
    tpu.wait_indirect_dma semaphore(%arg27 : memref<!tpu.dma_semaphore, #tpu.memory_space<semaphore_mem>>) src(%arg14 : memref<80x128xf32, #tpu.memory_space<vmem>>) dst(%dma_wait3A_179 : memref<10240x128xf32, #tpu.memory_space<vmem_shared>>)
    %barrier3A_180 = arith.constant 0 : index
    tpu.barrier barrier_id(%barrier3A_180)
    %mul3A_181 = arith.constant 640 : i32
    %mul3A_182 = arith.muli %arg1, %mul3A_181 : i32
    %mul3A_183 = arith.constant 640 : i32
    %mul3A_184 = arith.muli %arg1, %mul3A_183 : i32
    "tpu.region"() ({
      %run_scoped3A = tpu.sem_alloc : memref<!tpu.dma_semaphore, #tpu.memory_space<semaphore_mem>>
      %dma_start3A_185 = arith.constant 0 : i32
      %dma_start3A_186 = tpu.memref_slice %arg5[%arg0, %mul3A_184, %dma_start3A_185] : memref<2x10240x128xf32, #tpu.memory_space<hbm>> -> memref<1x640x128xf32, #tpu.memory_space<hbm>>
      %dma_start3A_187 = tpu.memref_squeeze %dma_start3A_186 : memref<1x640x128xf32, #tpu.memory_space<hbm>> -> memref<640x128xf32, #tpu.memory_space<hbm>>
      %dma_start3A_188 = arith.constant 0 : i32
      %dma_start3A_189 = tpu.memref_slice %arg15[%mul3A_182, %dma_start3A_188] : memref<10240x128xf32, #tpu.memory_space<vmem_shared>> -> memref<640x128xf32, #tpu.memory_space<vmem_shared>>
      tpu.enqueue_dma source(%dma_start3A_189 : memref<640x128xf32, #tpu.memory_space<vmem_shared>>) target(%dma_start3A_187 : memref<640x128xf32, #tpu.memory_space<hbm>>) target_semaphore(%run_scoped3A : memref<!tpu.dma_semaphore, #tpu.memory_space<semaphore_mem>>)
      %dma_wait3A_190 = arith.constant 0 : i32
      %dma_wait3A_191 = tpu.memref_slice %arg5[%arg0, %mul3A_184, %dma_wait3A_190] : memref<2x10240x128xf32, #tpu.memory_space<hbm>> -> memref<1x640x128xf32, #tpu.memory_space<hbm>>
      %dma_wait3A_192 = tpu.memref_squeeze %dma_wait3A_191 : memref<1x640x128xf32, #tpu.memory_space<hbm>> -> memref<640x128xf32, #tpu.memory_space<hbm>>
      %dma_wait3A_193 = arith.constant 0 : i32
      %dma_wait3A_194 = tpu.memref_slice %arg15[%mul3A_182, %dma_wait3A_193] : memref<10240x128xf32, #tpu.memory_space<vmem_shared>> -> memref<640x128xf32, #tpu.memory_space<vmem_shared>>
      tpu.wait_dma2 semaphore(%run_scoped3A : memref<!tpu.dma_semaphore, #tpu.memory_space<semaphore_mem>>) src(%dma_wait3A_194 : memref<640x128xf32, #tpu.memory_space<vmem_shared>>) dst(%dma_wait3A_192 : memref<640x128xf32, #tpu.memory_space<hbm>>)
      tpu.yield
    }) : () -> ()
    return
  }
}

#map = affine_map<(d0, d1) -> (0, 0)>
#map1 = affine_map<(d0, d1) -> (0)>
#map2 = affine_map<(d0, d1) -> (0, 0, 0)>
module attributes {stable_mosaic.version = 14 : i64} {
  func.func @_agg_kernel(%arg0: i32, %arg1: i32, %arg2: memref<10000x128xf32, #tpu.memory_space<hbm>>, %arg3: memref<322560xi32, #tpu.memory_space<hbm>>, %arg4: memref<322560xi32, #tpu.memory_space<hbm>>, %arg5: memref<2x10240x128xf32, #tpu.memory_space<hbm>>, %arg6: memref<80xi32, #tpu.memory_space<vmem>>, %arg7: memref<80xi32, #tpu.memory_space<vmem>>, %arg8: memref<80xi32, #tpu.memory_space<vmem>>, %arg9: memref<80xi32, #tpu.memory_space<vmem>>, %arg10: memref<80xi32, #tpu.memory_space<vmem>>, %arg11: memref<80xi32, #tpu.memory_space<vmem>>, %arg12: memref<80x128xf32, #tpu.memory_space<vmem>>, %arg13: memref<80x128xf32, #tpu.memory_space<vmem>>, %arg14: memref<80x128xf32, #tpu.memory_space<vmem>>, %arg15: memref<10240x128xf32, #tpu.memory_space<vmem_shared>>, %arg16: memref<!tpu.dma_semaphore, #tpu.memory_space<semaphore_mem>>, %arg17: memref<!tpu.dma_semaphore, #tpu.memory_space<semaphore_mem>>, %arg18: memref<!tpu.dma_semaphore, #tpu.memory_space<semaphore_mem>>, %arg19: memref<!tpu.dma_semaphore, #tpu.memory_space<semaphore_mem>>, %arg20: memref<!tpu.dma_semaphore, #tpu.memory_space<semaphore_mem>>, %arg21: memref<!tpu.dma_semaphore, #tpu.memory_space<semaphore_mem>>, %arg22: memref<!tpu.dma_semaphore, #tpu.memory_space<semaphore_mem>>, %arg23: memref<!tpu.dma_semaphore, #tpu.memory_space<semaphore_mem>>, %arg24: memref<!tpu.dma_semaphore, #tpu.memory_space<semaphore_mem>>, %arg25: memref<!tpu.dma_semaphore, #tpu.memory_space<semaphore_mem>>, %arg26: memref<!tpu.dma_semaphore, #tpu.memory_space<semaphore_mem>>, %arg27: memref<!tpu.dma_semaphore, #tpu.memory_space<semaphore_mem>>, %arg28: memref<!tpu.dma_semaphore, #tpu.memory_space<semaphore_mem>>) attributes {dimension_semantics = [#tpu.dimension_semantics<core_parallel>, #tpu.dimension_semantics<subcore_parallel>], iteration_bounds = array<i64: 2, 16>, scalar_prefetch = 0 : i64, scratch_operands = 23 : i64, tpu.core_type = #tpu.core_type<sc_vector_subcore>, window_params = [{transform_indices = #map}, {transform_indices = #map1}, {transform_indices = #map1}, {transform_indices = #map2}]} {
    %mul3A = arith.constant 2 : i32
    %mul3A_0 = arith.muli %arg1, %mul3A : i32
    %add3A = arith.addi %mul3A_0, %arg0 : i32
    %mul3A_1 = arith.constant 10080 : i32
    %mul3A_2 = arith.muli %add3A, %mul3A_1 : i32
    %add3A_3 = arith.constant 0 : i32
    %add3A_4 = arith.addi %mul3A_2, %add3A_3 : i32
    %dma_start3A = tpu.memref_slice %arg3[%add3A_4] : memref<322560xi32, #tpu.memory_space<hbm>> -> memref<80xi32, #tpu.memory_space<hbm>>
    %dma_start3A_5 = tpu.memref_slice %arg3[%add3A_4] : memref<322560xi32, #tpu.memory_space<hbm>> -> memref<80xi32, #tpu.memory_space<hbm>>
    tpu.enqueue_dma source(%dma_start3A_5 : memref<80xi32, #tpu.memory_space<hbm>>) target(%arg6 : memref<80xi32, #tpu.memory_space<vmem>>) target_semaphore(%arg16 : memref<!tpu.dma_semaphore, #tpu.memory_space<semaphore_mem>>)
    %add3A_6 = arith.constant 0 : i32
    %add3A_7 = arith.addi %mul3A_2, %add3A_6 : i32
    %dma_start3A_8 = tpu.memref_slice %arg4[%add3A_7] : memref<322560xi32, #tpu.memory_space<hbm>> -> memref<80xi32, #tpu.memory_space<hbm>>
    %dma_start3A_9 = tpu.memref_slice %arg4[%add3A_7] : memref<322560xi32, #tpu.memory_space<hbm>> -> memref<80xi32, #tpu.memory_space<hbm>>
    tpu.enqueue_dma source(%dma_start3A_9 : memref<80xi32, #tpu.memory_space<hbm>>) target(%arg9 : memref<80xi32, #tpu.memory_space<vmem>>) target_semaphore(%arg17 : memref<!tpu.dma_semaphore, #tpu.memory_space<semaphore_mem>>)
    %add3A_10 = arith.constant 80 : i32
    %add3A_11 = arith.addi %mul3A_2, %add3A_10 : i32
    %dma_start3A_12 = tpu.memref_slice %arg3[%add3A_11] : memref<322560xi32, #tpu.memory_space<hbm>> -> memref<80xi32, #tpu.memory_space<hbm>>
    %dma_start3A_13 = tpu.memref_slice %arg3[%add3A_11] : memref<322560xi32, #tpu.memory_space<hbm>> -> memref<80xi32, #tpu.memory_space<hbm>>
    tpu.enqueue_dma source(%dma_start3A_13 : memref<80xi32, #tpu.memory_space<hbm>>) target(%arg7 : memref<80xi32, #tpu.memory_space<vmem>>) target_semaphore(%arg18 : memref<!tpu.dma_semaphore, #tpu.memory_space<semaphore_mem>>)
    %add3A_14 = arith.constant 80 : i32
    %add3A_15 = arith.addi %mul3A_2, %add3A_14 : i32
    %dma_start3A_16 = tpu.memref_slice %arg4[%add3A_15] : memref<322560xi32, #tpu.memory_space<hbm>> -> memref<80xi32, #tpu.memory_space<hbm>>
    %dma_start3A_17 = tpu.memref_slice %arg4[%add3A_15] : memref<322560xi32, #tpu.memory_space<hbm>> -> memref<80xi32, #tpu.memory_space<hbm>>
    tpu.enqueue_dma source(%dma_start3A_17 : memref<80xi32, #tpu.memory_space<hbm>>) target(%arg10 : memref<80xi32, #tpu.memory_space<vmem>>) target_semaphore(%arg19 : memref<!tpu.dma_semaphore, #tpu.memory_space<semaphore_mem>>)
    %add3A_18 = arith.constant 160 : i32
    %add3A_19 = arith.addi %mul3A_2, %add3A_18 : i32
    %dma_start3A_20 = tpu.memref_slice %arg3[%add3A_19] : memref<322560xi32, #tpu.memory_space<hbm>> -> memref<80xi32, #tpu.memory_space<hbm>>
    %dma_start3A_21 = tpu.memref_slice %arg3[%add3A_19] : memref<322560xi32, #tpu.memory_space<hbm>> -> memref<80xi32, #tpu.memory_space<hbm>>
    tpu.enqueue_dma source(%dma_start3A_21 : memref<80xi32, #tpu.memory_space<hbm>>) target(%arg8 : memref<80xi32, #tpu.memory_space<vmem>>) target_semaphore(%arg20 : memref<!tpu.dma_semaphore, #tpu.memory_space<semaphore_mem>>)
    %add3A_22 = arith.constant 160 : i32
    %add3A_23 = arith.addi %mul3A_2, %add3A_22 : i32
    %dma_start3A_24 = tpu.memref_slice %arg4[%add3A_23] : memref<322560xi32, #tpu.memory_space<hbm>> -> memref<80xi32, #tpu.memory_space<hbm>>
    %dma_start3A_25 = tpu.memref_slice %arg4[%add3A_23] : memref<322560xi32, #tpu.memory_space<hbm>> -> memref<80xi32, #tpu.memory_space<hbm>>
    tpu.enqueue_dma source(%dma_start3A_25 : memref<80xi32, #tpu.memory_space<hbm>>) target(%arg11 : memref<80xi32, #tpu.memory_space<vmem>>) target_semaphore(%arg21 : memref<!tpu.dma_semaphore, #tpu.memory_space<semaphore_mem>>)
    %scan3A = arith.constant 0 : i32
    %scan3A_26 = arith.constant 0 : i32
    %scan3A_27 = arith.constant 640 : i32
    %scan3A_28 = arith.addi %scan3A_26, %scan3A_27 : i32
    %scan3A_29 = arith.constant 1 : i32
    scf.for %scan3A_185 = %scan3A_26 to %scan3A_28 step %scan3A_29  : i32 {
      %jit3A = arith.constant 8 : i32
      %div3A = arith.divsi %scan3A_185, %jit3A : i32
      %sign3A = arith.constant 0 : i32
      %sign3A_186 = arith.cmpi sgt, %scan3A_185, %sign3A : i32
      %sign3A_187 = arith.extui %sign3A_186 : i1 to i32
      %sign3A_188 = arith.constant 0 : i32
      %sign3A_189 = arith.cmpi slt, %scan3A_185, %sign3A_188 : i32
      %sign3A_190 = arith.extui %sign3A_189 : i1 to i32
      %sign3A_191 = arith.subi %sign3A_187, %sign3A_190 : i32
      %sign3A_192 = arith.constant 0 : i32
      %sign3A_193 = arith.cmpi sgt, %jit3A, %sign3A_192 : i32
      %sign3A_194 = arith.extui %sign3A_193 : i1 to i32
      %sign3A_195 = arith.constant 0 : i32
      %sign3A_196 = arith.cmpi slt, %jit3A, %sign3A_195 : i32
      %sign3A_197 = arith.extui %sign3A_196 : i1 to i32
      %sign3A_198 = arith.subi %sign3A_194, %sign3A_197 : i32
      %ne3A = arith.cmpi ne, %sign3A_191, %sign3A_198 : i32
      %rem3A = arith.remsi %scan3A_185, %jit3A : i32
      %ne3A_199 = arith.constant 0 : i32
      %ne3A_200 = arith.cmpi ne, %rem3A, %ne3A_199 : i32
      %and3A = arith.andi %ne3A, %ne3A_200 : i1
      %sub3A = arith.constant 1 : i32
      %sub3A_201 = arith.subi %div3A, %sub3A : i32
      %select_n3A = arith.select %and3A, %sub3A_201, %div3A : i32
      %jit3A_202 = arith.constant 8 : i32
      %eq3A = arith.constant 0 : i32
      %eq3A_203 = arith.cmpi eq, %jit3A_202, %eq3A : i32
      %jit3A_204 = arith.constant 1 : i32
      %select_n3A_205 = arith.select %eq3A_203, %jit3A_204, %jit3A_202 : i32
      %rem3A_206 = arith.remsi %scan3A_185, %select_n3A_205 : i32
      %ne3A_207 = arith.constant 0 : i32
      %ne3A_208 = arith.cmpi ne, %rem3A_206, %ne3A_207 : i32
      %lt3A = arith.constant 0 : i32
      %lt3A_209 = arith.cmpi slt, %rem3A_206, %lt3A : i32
      %lt3A_210 = arith.constant 0 : i32
      %lt3A_211 = arith.cmpi slt, %select_n3A_205, %lt3A_210 : i32
      %ne3A_212 = arith.xori %lt3A_209, %lt3A_211 : i1
      %and3A_213 = arith.andi %ne3A_212, %ne3A_208 : i1
      %add3A_214 = arith.addi %rem3A_206, %select_n3A_205 : i32
      %select_n3A_215 = arith.select %and3A_213, %add3A_214, %rem3A_206 : i32
      %mul3A_216 = arith.constant 16 : i32
      %mul3A_217 = arith.muli %select_n3A_215, %mul3A_216 : i32
      %broadcast_in_dim3A = arith.constant 0.000000e+00 : f32
      %broadcast_in_dim3A_218 = vector.broadcast %broadcast_in_dim3A : f32 to vector<16xf32>
      %swap3A = arith.index_cast %select_n3A : i32 to index
      %swap3A_219 = arith.index_cast %mul3A_217 : i32 to index
      %swap3A_220 = tpu.vector_load %arg12[%swap3A, %swap3A_219] {strides = array<i32>} : memref<80x128xf32, #tpu.memory_space<vmem>>, vector<16xf32>,
      tpu.vector_store %arg12[%swap3A, %swap3A_219], %broadcast_in_dim3A_218 {strides = array<i32>} : memref<80x128xf32, #tpu.memory_space<vmem>>, vector<16xf32>,
    }
    %scan3A_30 = arith.constant 640 : i32
    %mul3A_31 = arith.constant 640 : i32
    %mul3A_32 = arith.muli %arg1, %mul3A_31 : i32
    %add3A_33 = arith.constant 0 : i32
    %add3A_34 = arith.addi %mul3A_32, %add3A_33 : i32
    %dma_start3A_35 = arith.constant 0 : i32
    %dma_start3A_36 = tpu.memref_slice %arg15[%add3A_34, %dma_start3A_35] : memref<10240x128xf32, #tpu.memory_space<vmem_shared>> -> memref<80x128xf32, #tpu.memory_space<vmem_shared>>
    %dma_start3A_37 = arith.constant 0 : i32
    %dma_start3A_38 = tpu.memref_slice %arg15[%add3A_34, %dma_start3A_37] : memref<10240x128xf32, #tpu.memory_space<vmem_shared>> -> memref<80x128xf32, #tpu.memory_space<vmem_shared>>
    tpu.enqueue_dma source(%arg12 : memref<80x128xf32, #tpu.memory_space<vmem>>) target(%dma_start3A_38 : memref<80x128xf32, #tpu.memory_space<vmem_shared>>) target_semaphore(%arg28 : memref<!tpu.dma_semaphore, #tpu.memory_space<semaphore_mem>>)
    %mul3A_39 = arith.constant 640 : i32
    %mul3A_40 = arith.muli %arg1, %mul3A_39 : i32
    %add3A_41 = arith.constant 80 : i32
    %add3A_42 = arith.addi %mul3A_40, %add3A_41 : i32
    %dma_start3A_43 = arith.constant 0 : i32
    %dma_start3A_44 = tpu.memref_slice %arg15[%add3A_42, %dma_start3A_43] : memref<10240x128xf32, #tpu.memory_space<vmem_shared>> -> memref<80x128xf32, #tpu.memory_space<vmem_shared>>
    %dma_start3A_45 = arith.constant 0 : i32
    %dma_start3A_46 = tpu.memref_slice %arg15[%add3A_42, %dma_start3A_45] : memref<10240x128xf32, #tpu.memory_space<vmem_shared>> -> memref<80x128xf32, #tpu.memory_space<vmem_shared>>
    tpu.enqueue_dma source(%arg12 : memref<80x128xf32, #tpu.memory_space<vmem>>) target(%dma_start3A_46 : memref<80x128xf32, #tpu.memory_space<vmem_shared>>) target_semaphore(%arg28 : memref<!tpu.dma_semaphore, #tpu.memory_space<semaphore_mem>>)
    %mul3A_47 = arith.constant 640 : i32
    %mul3A_48 = arith.muli %arg1, %mul3A_47 : i32
    %add3A_49 = arith.constant 160 : i32
    %add3A_50 = arith.addi %mul3A_48, %add3A_49 : i32
    %dma_start3A_51 = arith.constant 0 : i32
    %dma_start3A_52 = tpu.memref_slice %arg15[%add3A_50, %dma_start3A_51] : memref<10240x128xf32, #tpu.memory_space<vmem_shared>> -> memref<80x128xf32, #tpu.memory_space<vmem_shared>>
    %dma_start3A_53 = arith.constant 0 : i32
    %dma_start3A_54 = tpu.memref_slice %arg15[%add3A_50, %dma_start3A_53] : memref<10240x128xf32, #tpu.memory_space<vmem_shared>> -> memref<80x128xf32, #tpu.memory_space<vmem_shared>>
    tpu.enqueue_dma source(%arg12 : memref<80x128xf32, #tpu.memory_space<vmem>>) target(%dma_start3A_54 : memref<80x128xf32, #tpu.memory_space<vmem_shared>>) target_semaphore(%arg28 : memref<!tpu.dma_semaphore, #tpu.memory_space<semaphore_mem>>)
    %mul3A_55 = arith.constant 640 : i32
    %mul3A_56 = arith.muli %arg1, %mul3A_55 : i32
    %add3A_57 = arith.constant 240 : i32
    %add3A_58 = arith.addi %mul3A_56, %add3A_57 : i32
    %dma_start3A_59 = arith.constant 0 : i32
    %dma_start3A_60 = tpu.memref_slice %arg15[%add3A_58, %dma_start3A_59] : memref<10240x128xf32, #tpu.memory_space<vmem_shared>> -> memref<80x128xf32, #tpu.memory_space<vmem_shared>>
    %dma_start3A_61 = arith.constant 0 : i32
    %dma_start3A_62 = tpu.memref_slice %arg15[%add3A_58, %dma_start3A_61] : memref<10240x128xf32, #tpu.memory_space<vmem_shared>> -> memref<80x128xf32, #tpu.memory_space<vmem_shared>>
    tpu.enqueue_dma source(%arg12 : memref<80x128xf32, #tpu.memory_space<vmem>>) target(%dma_start3A_62 : memref<80x128xf32, #tpu.memory_space<vmem_shared>>) target_semaphore(%arg28 : memref<!tpu.dma_semaphore, #tpu.memory_space<semaphore_mem>>)
    %mul3A_63 = arith.constant 640 : i32
    %mul3A_64 = arith.muli %arg1, %mul3A_63 : i32
    %add3A_65 = arith.constant 320 : i32
    %add3A_66 = arith.addi %mul3A_64, %add3A_65 : i32
    %dma_start3A_67 = arith.constant 0 : i32
    %dma_start3A_68 = tpu.memref_slice %arg15[%add3A_66, %dma_start3A_67] : memref<10240x128xf32, #tpu.memory_space<vmem_shared>> -> memref<80x128xf32, #tpu.memory_space<vmem_shared>>
    %dma_start3A_69 = arith.constant 0 : i32
    %dma_start3A_70 = tpu.memref_slice %arg15[%add3A_66, %dma_start3A_69] : memref<10240x128xf32, #tpu.memory_space<vmem_shared>> -> memref<80x128xf32, #tpu.memory_space<vmem_shared>>
    tpu.enqueue_dma source(%arg12 : memref<80x128xf32, #tpu.memory_space<vmem>>) target(%dma_start3A_70 : memref<80x128xf32, #tpu.memory_space<vmem_shared>>) target_semaphore(%arg28 : memref<!tpu.dma_semaphore, #tpu.memory_space<semaphore_mem>>)
    %mul3A_71 = arith.constant 640 : i32
    %mul3A_72 = arith.muli %arg1, %mul3A_71 : i32
    %add3A_73 = arith.constant 400 : i32
    %add3A_74 = arith.addi %mul3A_72, %add3A_73 : i32
    %dma_start3A_75 = arith.constant 0 : i32
    %dma_start3A_76 = tpu.memref_slice %arg15[%add3A_74, %dma_start3A_75] : memref<10240x128xf32, #tpu.memory_space<vmem_shared>> -> memref<80x128xf32, #tpu.memory_space<vmem_shared>>
    %dma_start3A_77 = arith.constant 0 : i32
    %dma_start3A_78 = tpu.memref_slice %arg15[%add3A_74, %dma_start3A_77] : memref<10240x128xf32, #tpu.memory_space<vmem_shared>> -> memref<80x128xf32, #tpu.memory_space<vmem_shared>>
    tpu.enqueue_dma source(%arg12 : memref<80x128xf32, #tpu.memory_space<vmem>>) target(%dma_start3A_78 : memref<80x128xf32, #tpu.memory_space<vmem_shared>>) target_semaphore(%arg28 : memref<!tpu.dma_semaphore, #tpu.memory_space<semaphore_mem>>)
    %mul3A_79 = arith.constant 640 : i32
    %mul3A_80 = arith.muli %arg1, %mul3A_79 : i32
    %add3A_81 = arith.constant 480 : i32
    %add3A_82 = arith.addi %mul3A_80, %add3A_81 : i32
    %dma_start3A_83 = arith.constant 0 : i32
    %dma_start3A_84 = tpu.memref_slice %arg15[%add3A_82, %dma_start3A_83] : memref<10240x128xf32, #tpu.memory_space<vmem_shared>> -> memref<80x128xf32, #tpu.memory_space<vmem_shared>>
    %dma_start3A_85 = arith.constant 0 : i32
    %dma_start3A_86 = tpu.memref_slice %arg15[%add3A_82, %dma_start3A_85] : memref<10240x128xf32, #tpu.memory_space<vmem_shared>> -> memref<80x128xf32, #tpu.memory_space<vmem_shared>>
    tpu.enqueue_dma source(%arg12 : memref<80x128xf32, #tpu.memory_space<vmem>>) target(%dma_start3A_86 : memref<80x128xf32, #tpu.memory_space<vmem_shared>>) target_semaphore(%arg28 : memref<!tpu.dma_semaphore, #tpu.memory_space<semaphore_mem>>)
    %mul3A_87 = arith.constant 640 : i32
    %mul3A_88 = arith.muli %arg1, %mul3A_87 : i32
    %add3A_89 = arith.constant 560 : i32
    %add3A_90 = arith.addi %mul3A_88, %add3A_89 : i32
    %dma_start3A_91 = arith.constant 0 : i32
    %dma_start3A_92 = tpu.memref_slice %arg15[%add3A_90, %dma_start3A_91] : memref<10240x128xf32, #tpu.memory_space<vmem_shared>> -> memref<80x128xf32, #tpu.memory_space<vmem_shared>>
    %dma_start3A_93 = arith.constant 0 : i32
    %dma_start3A_94 = tpu.memref_slice %arg15[%add3A_90, %dma_start3A_93] : memref<10240x128xf32, #tpu.memory_space<vmem_shared>> -> memref<80x128xf32, #tpu.memory_space<vmem_shared>>
    tpu.enqueue_dma source(%arg12 : memref<80x128xf32, #tpu.memory_space<vmem>>) target(%dma_start3A_94 : memref<80x128xf32, #tpu.memory_space<vmem_shared>>) target_semaphore(%arg28 : memref<!tpu.dma_semaphore, #tpu.memory_space<semaphore_mem>>)
    %dma_wait3A = tpu.memref_slice %arg3[%add3A_11] : memref<322560xi32, #tpu.memory_space<hbm>> -> memref<80xi32, #tpu.memory_space<hbm>>
    %dma_wait3A_95 = tpu.memref_slice %arg3[%add3A_11] : memref<322560xi32, #tpu.memory_space<hbm>> -> memref<80xi32, #tpu.memory_space<hbm>>
    tpu.wait_dma2 semaphore(%arg18 : memref<!tpu.dma_semaphore, #tpu.memory_space<semaphore_mem>>) src(%dma_wait3A_95 : memref<80xi32, #tpu.memory_space<hbm>>) dst(%arg7 : memref<80xi32, #tpu.memory_space<vmem>>)
    %dma_start3A_96 = arith.constant 0 : i32
    %dma_start3A_97 = arith.constant 0 : i32
    %dma_start3A_98 = tpu.memref_slice %arg2[%dma_start3A_96, %dma_start3A_97] : memref<10000x128xf32, #tpu.memory_space<hbm>> -> memref<10000x128xf32, #tpu.memory_space<hbm>>
    tpu.enqueue_indirect_dma source(%dma_start3A_98 : memref<10000x128xf32, #tpu.memory_space<hbm>>) target(%arg13 : memref<80x128xf32, #tpu.memory_space<vmem>>) offsets(%arg7 : memref<80xi32, #tpu.memory_space<vmem>>) semaphore(%arg23 : memref<!tpu.dma_semaphore, #tpu.memory_space<semaphore_mem>>)
    %dma_wait3A_99 = tpu.memref_slice %arg3[%add3A_19] : memref<322560xi32, #tpu.memory_space<hbm>> -> memref<80xi32, #tpu.memory_space<hbm>>
    %dma_wait3A_100 = tpu.memref_slice %arg3[%add3A_19] : memref<322560xi32, #tpu.memory_space<hbm>> -> memref<80xi32, #tpu.memory_space<hbm>>
    tpu.wait_dma2 semaphore(%arg20 : memref<!tpu.dma_semaphore, #tpu.memory_space<semaphore_mem>>) src(%dma_wait3A_100 : memref<80xi32, #tpu.memory_space<hbm>>) dst(%arg8 : memref<80xi32, #tpu.memory_space<vmem>>)
    %dma_start3A_101 = arith.constant 0 : i32
    %dma_start3A_102 = arith.constant 0 : i32
    %dma_start3A_103 = tpu.memref_slice %arg2[%dma_start3A_101, %dma_start3A_102] : memref<10000x128xf32, #tpu.memory_space<hbm>> -> memref<10000x128xf32, #tpu.memory_space<hbm>>
    tpu.enqueue_indirect_dma source(%dma_start3A_103 : memref<10000x128xf32, #tpu.memory_space<hbm>>) target(%arg14 : memref<80x128xf32, #tpu.memory_space<vmem>>) offsets(%arg8 : memref<80xi32, #tpu.memory_space<vmem>>) semaphore(%arg24 : memref<!tpu.dma_semaphore, #tpu.memory_space<semaphore_mem>>)
    %dma_wait3A_104 = arith.constant 0 : i32
    %dma_wait3A_105 = tpu.memref_slice %arg15[%add3A_34, %dma_wait3A_104] : memref<10240x128xf32, #tpu.memory_space<vmem_shared>> -> memref<80x128xf32, #tpu.memory_space<vmem_shared>>
    %dma_wait3A_106 = arith.constant 0 : i32
    %dma_wait3A_107 = tpu.memref_slice %arg15[%add3A_34, %dma_wait3A_106] : memref<10240x128xf32, #tpu.memory_space<vmem_shared>> -> memref<80x128xf32, #tpu.memory_space<vmem_shared>>
    tpu.wait_dma2 semaphore(%arg28 : memref<!tpu.dma_semaphore, #tpu.memory_space<semaphore_mem>>) src(%arg12 : memref<80x128xf32, #tpu.memory_space<vmem>>) dst(%dma_wait3A_107 : memref<80x128xf32, #tpu.memory_space<vmem_shared>>)
    %dma_wait3A_108 = arith.constant 0 : i32
    %dma_wait3A_109 = tpu.memref_slice %arg15[%add3A_42, %dma_wait3A_108] : memref<10240x128xf32, #tpu.memory_space<vmem_shared>> -> memref<80x128xf32, #tpu.memory_space<vmem_shared>>
    %dma_wait3A_110 = arith.constant 0 : i32
    %dma_wait3A_111 = tpu.memref_slice %arg15[%add3A_42, %dma_wait3A_110] : memref<10240x128xf32, #tpu.memory_space<vmem_shared>> -> memref<80x128xf32, #tpu.memory_space<vmem_shared>>
    tpu.wait_dma2 semaphore(%arg28 : memref<!tpu.dma_semaphore, #tpu.memory_space<semaphore_mem>>) src(%arg12 : memref<80x128xf32, #tpu.memory_space<vmem>>) dst(%dma_wait3A_111 : memref<80x128xf32, #tpu.memory_space<vmem_shared>>)
    %dma_wait3A_112 = arith.constant 0 : i32
    %dma_wait3A_113 = tpu.memref_slice %arg15[%add3A_50, %dma_wait3A_112] : memref<10240x128xf32, #tpu.memory_space<vmem_shared>> -> memref<80x128xf32, #tpu.memory_space<vmem_shared>>
    %dma_wait3A_114 = arith.constant 0 : i32
    %dma_wait3A_115 = tpu.memref_slice %arg15[%add3A_50, %dma_wait3A_114] : memref<10240x128xf32, #tpu.memory_space<vmem_shared>> -> memref<80x128xf32, #tpu.memory_space<vmem_shared>>
    tpu.wait_dma2 semaphore(%arg28 : memref<!tpu.dma_semaphore, #tpu.memory_space<semaphore_mem>>) src(%arg12 : memref<80x128xf32, #tpu.memory_space<vmem>>) dst(%dma_wait3A_115 : memref<80x128xf32, #tpu.memory_space<vmem_shared>>)
    %dma_wait3A_116 = arith.constant 0 : i32
    %dma_wait3A_117 = tpu.memref_slice %arg15[%add3A_58, %dma_wait3A_116] : memref<10240x128xf32, #tpu.memory_space<vmem_shared>> -> memref<80x128xf32, #tpu.memory_space<vmem_shared>>
    %dma_wait3A_118 = arith.constant 0 : i32
    %dma_wait3A_119 = tpu.memref_slice %arg15[%add3A_58, %dma_wait3A_118] : memref<10240x128xf32, #tpu.memory_space<vmem_shared>> -> memref<80x128xf32, #tpu.memory_space<vmem_shared>>
    tpu.wait_dma2 semaphore(%arg28 : memref<!tpu.dma_semaphore, #tpu.memory_space<semaphore_mem>>) src(%arg12 : memref<80x128xf32, #tpu.memory_space<vmem>>) dst(%dma_wait3A_119 : memref<80x128xf32, #tpu.memory_space<vmem_shared>>)
    %dma_wait3A_120 = arith.constant 0 : i32
    %dma_wait3A_121 = tpu.memref_slice %arg15[%add3A_66, %dma_wait3A_120] : memref<10240x128xf32, #tpu.memory_space<vmem_shared>> -> memref<80x128xf32, #tpu.memory_space<vmem_shared>>
    %dma_wait3A_122 = arith.constant 0 : i32
    %dma_wait3A_123 = tpu.memref_slice %arg15[%add3A_66, %dma_wait3A_122] : memref<10240x128xf32, #tpu.memory_space<vmem_shared>> -> memref<80x128xf32, #tpu.memory_space<vmem_shared>>
    tpu.wait_dma2 semaphore(%arg28 : memref<!tpu.dma_semaphore, #tpu.memory_space<semaphore_mem>>) src(%arg12 : memref<80x128xf32, #tpu.memory_space<vmem>>) dst(%dma_wait3A_123 : memref<80x128xf32, #tpu.memory_space<vmem_shared>>)
    %dma_wait3A_124 = arith.constant 0 : i32
    %dma_wait3A_125 = tpu.memref_slice %arg15[%add3A_74, %dma_wait3A_124] : memref<10240x128xf32, #tpu.memory_space<vmem_shared>> -> memref<80x128xf32, #tpu.memory_space<vmem_shared>>
    %dma_wait3A_126 = arith.constant 0 : i32
    %dma_wait3A_127 = tpu.memref_slice %arg15[%add3A_74, %dma_wait3A_126] : memref<10240x128xf32, #tpu.memory_space<vmem_shared>> -> memref<80x128xf32, #tpu.memory_space<vmem_shared>>
    tpu.wait_dma2 semaphore(%arg28 : memref<!tpu.dma_semaphore, #tpu.memory_space<semaphore_mem>>) src(%arg12 : memref<80x128xf32, #tpu.memory_space<vmem>>) dst(%dma_wait3A_127 : memref<80x128xf32, #tpu.memory_space<vmem_shared>>)
    %dma_wait3A_128 = arith.constant 0 : i32
    %dma_wait3A_129 = tpu.memref_slice %arg15[%add3A_82, %dma_wait3A_128] : memref<10240x128xf32, #tpu.memory_space<vmem_shared>> -> memref<80x128xf32, #tpu.memory_space<vmem_shared>>
    %dma_wait3A_130 = arith.constant 0 : i32
    %dma_wait3A_131 = tpu.memref_slice %arg15[%add3A_82, %dma_wait3A_130] : memref<10240x128xf32, #tpu.memory_space<vmem_shared>> -> memref<80x128xf32, #tpu.memory_space<vmem_shared>>
    tpu.wait_dma2 semaphore(%arg28 : memref<!tpu.dma_semaphore, #tpu.memory_space<semaphore_mem>>) src(%arg12 : memref<80x128xf32, #tpu.memory_space<vmem>>) dst(%dma_wait3A_131 : memref<80x128xf32, #tpu.memory_space<vmem_shared>>)
    %dma_wait3A_132 = arith.constant 0 : i32
    %dma_wait3A_133 = tpu.memref_slice %arg15[%add3A_90, %dma_wait3A_132] : memref<10240x128xf32, #tpu.memory_space<vmem_shared>> -> memref<80x128xf32, #tpu.memory_space<vmem_shared>>
    %dma_wait3A_134 = arith.constant 0 : i32
    %dma_wait3A_135 = tpu.memref_slice %arg15[%add3A_90, %dma_wait3A_134] : memref<10240x128xf32, #tpu.memory_space<vmem_shared>> -> memref<80x128xf32, #tpu.memory_space<vmem_shared>>
    tpu.wait_dma2 semaphore(%arg28 : memref<!tpu.dma_semaphore, #tpu.memory_space<semaphore_mem>>) src(%arg12 : memref<80x128xf32, #tpu.memory_space<vmem>>) dst(%dma_wait3A_135 : memref<80x128xf32, #tpu.memory_space<vmem_shared>>)
    %dma_wait3A_136 = tpu.memref_slice %arg3[%add3A_4] : memref<322560xi32, #tpu.memory_space<hbm>> -> memref<80xi32, #tpu.memory_space<hbm>>
    %dma_wait3A_137 = tpu.memref_slice %arg3[%add3A_4] : memref<322560xi32, #tpu.memory_space<hbm>> -> memref<80xi32, #tpu.memory_space<hbm>>
    tpu.wait_dma2 semaphore(%arg16 : memref<!tpu.dma_semaphore, #tpu.memory_space<semaphore_mem>>) src(%dma_wait3A_137 : memref<80xi32, #tpu.memory_space<hbm>>) dst(%arg6 : memref<80xi32, #tpu.memory_space<vmem>>)
    %dma_start3A_138 = arith.constant 0 : i32
    %dma_start3A_139 = arith.constant 0 : i32
    %dma_start3A_140 = tpu.memref_slice %arg2[%dma_start3A_138, %dma_start3A_139] : memref<10000x128xf32, #tpu.memory_space<hbm>> -> memref<10000x128xf32, #tpu.memory_space<hbm>>
    tpu.enqueue_indirect_dma source(%dma_start3A_140 : memref<10000x128xf32, #tpu.memory_space<hbm>>) target(%arg12 : memref<80x128xf32, #tpu.memory_space<vmem>>) offsets(%arg6 : memref<80xi32, #tpu.memory_space<vmem>>) semaphore(%arg22 : memref<!tpu.dma_semaphore, #tpu.memory_space<semaphore_mem>>)
    %barrier3A = arith.constant 0 : index
    tpu.barrier barrier_id(%barrier3A)
    %dma_wait3A_141 = arith.constant 0 : i32
    %dma_wait3A_142 = arith.constant 0 : i32
    %dma_wait3A_143 = tpu.memref_slice %arg2[%dma_wait3A_141, %dma_wait3A_142] : memref<10000x128xf32, #tpu.memory_space<hbm>> -> memref<10000x128xf32, #tpu.memory_space<hbm>>
    tpu.wait_indirect_dma semaphore(%arg22 : memref<!tpu.dma_semaphore, #tpu.memory_space<semaphore_mem>>) src(%dma_wait3A_143 : memref<10000x128xf32, #tpu.memory_space<hbm>>) dst(%arg12 : memref<80x128xf32, #tpu.memory_space<vmem>>)
    %dma_wait3A_144 = tpu.memref_slice %arg4[%add3A_7] : memref<322560xi32, #tpu.memory_space<hbm>> -> memref<80xi32, #tpu.memory_space<hbm>>
    %dma_wait3A_145 = tpu.memref_slice %arg4[%add3A_7] : memref<322560xi32, #tpu.memory_space<hbm>> -> memref<80xi32, #tpu.memory_space<hbm>>
    tpu.wait_dma2 semaphore(%arg17 : memref<!tpu.dma_semaphore, #tpu.memory_space<semaphore_mem>>) src(%dma_wait3A_145 : memref<80xi32, #tpu.memory_space<hbm>>) dst(%arg9 : memref<80xi32, #tpu.memory_space<vmem>>)
    %dma_start3A_146 = arith.constant 0 : i32
    %dma_start3A_147 = arith.constant 0 : i32
    %dma_start3A_148 = tpu.memref_slice %arg15[%dma_start3A_146, %dma_start3A_147] : memref<10240x128xf32, #tpu.memory_space<vmem_shared>> -> memref<10240x128xf32, #tpu.memory_space<vmem_shared>>
    tpu.enqueue_indirect_dma source(%arg12 : memref<80x128xf32, #tpu.memory_space<vmem>>) target(%dma_start3A_148 : memref<10240x128xf32, #tpu.memory_space<vmem_shared>>) offsets(%arg9 : memref<80xi32, #tpu.memory_space<vmem>>) semaphore(%arg25 : memref<!tpu.dma_semaphore, #tpu.memory_space<semaphore_mem>>) {add = true}
    %dma_wait3A_149 = arith.constant 0 : i32
    %dma_wait3A_150 = arith.constant 0 : i32
    %dma_wait3A_151 = tpu.memref_slice %arg2[%dma_wait3A_149, %dma_wait3A_150] : memref<10000x128xf32, #tpu.memory_space<hbm>> -> memref<10000x128xf32, #tpu.memory_space<hbm>>
    tpu.wait_indirect_dma semaphore(%arg23 : memref<!tpu.dma_semaphore, #tpu.memory_space<semaphore_mem>>) src(%dma_wait3A_151 : memref<10000x128xf32, #tpu.memory_space<hbm>>) dst(%arg13 : memref<80x128xf32, #tpu.memory_space<vmem>>)
    %dma_wait3A_152 = tpu.memref_slice %arg4[%add3A_15] : memref<322560xi32, #tpu.memory_space<hbm>> -> memref<80xi32, #tpu.memory_space<hbm>>
    %dma_wait3A_153 = tpu.memref_slice %arg4[%add3A_15] : memref<322560xi32, #tpu.memory_space<hbm>> -> memref<80xi32, #tpu.memory_space<hbm>>
    tpu.wait_dma2 semaphore(%arg19 : memref<!tpu.dma_semaphore, #tpu.memory_space<semaphore_mem>>) src(%dma_wait3A_153 : memref<80xi32, #tpu.memory_space<hbm>>) dst(%arg10 : memref<80xi32, #tpu.memory_space<vmem>>)
    %dma_start3A_154 = arith.constant 0 : i32
    %dma_start3A_155 = arith.constant 0 : i32
    %dma_start3A_156 = tpu.memref_slice %arg15[%dma_start3A_154, %dma_start3A_155] : memref<10240x128xf32, #tpu.memory_space<vmem_shared>> -> memref<10240x128xf32, #tpu.memory_space<vmem_shared>>
    tpu.enqueue_indirect_dma source(%arg13 : memref<80x128xf32, #tpu.memory_space<vmem>>) target(%dma_start3A_156 : memref<10240x128xf32, #tpu.memory_space<vmem_shared>>) offsets(%arg10 : memref<80xi32, #tpu.memory_space<vmem>>) semaphore(%arg26 : memref<!tpu.dma_semaphore, #tpu.memory_space<semaphore_mem>>) {add = true}
    %dma_wait3A_157 = arith.constant 0 : i32
    %dma_wait3A_158 = arith.constant 0 : i32
    %dma_wait3A_159 = tpu.memref_slice %arg2[%dma_wait3A_157, %dma_wait3A_158] : memref<10000x128xf32, #tpu.memory_space<hbm>> -> memref<10000x128xf32, #tpu.memory_space<hbm>>
    tpu.wait_indirect_dma semaphore(%arg24 : memref<!tpu.dma_semaphore, #tpu.memory_space<semaphore_mem>>) src(%dma_wait3A_159 : memref<10000x128xf32, #tpu.memory_space<hbm>>) dst(%arg14 : memref<80x128xf32, #tpu.memory_space<vmem>>)
    %dma_wait3A_160 = tpu.memref_slice %arg4[%add3A_23] : memref<322560xi32, #tpu.memory_space<hbm>> -> memref<80xi32, #tpu.memory_space<hbm>>
    %dma_wait3A_161 = tpu.memref_slice %arg4[%add3A_23] : memref<322560xi32, #tpu.memory_space<hbm>> -> memref<80xi32, #tpu.memory_space<hbm>>
    tpu.wait_dma2 semaphore(%arg21 : memref<!tpu.dma_semaphore, #tpu.memory_space<semaphore_mem>>) src(%dma_wait3A_161 : memref<80xi32, #tpu.memory_space<hbm>>) dst(%arg11 : memref<80xi32, #tpu.memory_space<vmem>>)
    %dma_start3A_162 = arith.constant 0 : i32
    %dma_start3A_163 = arith.constant 0 : i32
    %dma_start3A_164 = tpu.memref_slice %arg15[%dma_start3A_162, %dma_start3A_163] : memref<10240x128xf32, #tpu.memory_space<vmem_shared>> -> memref<10240x128xf32, #tpu.memory_space<vmem_shared>>
    tpu.enqueue_indirect_dma source(%arg14 : memref<80x128xf32, #tpu.memory_space<vmem>>) target(%dma_start3A_164 : memref<10240x128xf32, #tpu.memory_space<vmem_shared>>) offsets(%arg11 : memref<80xi32, #tpu.memory_space<vmem>>) semaphore(%arg27 : memref<!tpu.dma_semaphore, #tpu.memory_space<semaphore_mem>>) {add = true}
    %scan3A_165 = arith.constant 0 : i32
    %scan3A_166 = arith.constant 1 : i32
    %scan3A_167 = arith.constant 41 : i32
    %scan3A_168 = arith.addi %scan3A_166, %scan3A_167 : i32
    %scan3A_169 = arith.constant 1 : i32
    scf.for %scan3A_185 = %scan3A_166 to %scan3A_168 step %scan3A_169  : i32 {
      %mul3A_186 = arith.constant 10080 : i32
      %mul3A_187 = arith.muli %add3A, %mul3A_186 : i32
      %mul3A_188 = arith.constant 3 : i32
      %mul3A_189 = arith.muli %mul3A_188, %scan3A_185 : i32
      %mul3A_190 = arith.constant 80 : i32
      %mul3A_191 = arith.muli %mul3A_189, %mul3A_190 : i32
      %add3A_192 = arith.addi %mul3A_187, %mul3A_191 : i32
      %dma_wait3A_193 = arith.constant 0 : i32
      %dma_wait3A_194 = arith.constant 0 : i32
      %dma_wait3A_195 = tpu.memref_slice %arg15[%dma_wait3A_193, %dma_wait3A_194] : memref<10240x128xf32, #tpu.memory_space<vmem_shared>> -> memref<10240x128xf32, #tpu.memory_space<vmem_shared>>
      tpu.wait_indirect_dma semaphore(%arg25 : memref<!tpu.dma_semaphore, #tpu.memory_space<semaphore_mem>>) src(%arg12 : memref<80x128xf32, #tpu.memory_space<vmem>>) dst(%dma_wait3A_195 : memref<10240x128xf32, #tpu.memory_space<vmem_shared>>)
      %add3A_196 = arith.constant 0 : i32
      %add3A_197 = arith.addi %add3A_192, %add3A_196 : i32
      %dma_start3A_198 = tpu.memref_slice %arg3[%add3A_197] : memref<322560xi32, #tpu.memory_space<hbm>> -> memref<80xi32, #tpu.memory_space<hbm>>
      %dma_start3A_199 = tpu.memref_slice %arg3[%add3A_197] : memref<322560xi32, #tpu.memory_space<hbm>> -> memref<80xi32, #tpu.memory_space<hbm>>
      tpu.enqueue_dma source(%dma_start3A_199 : memref<80xi32, #tpu.memory_space<hbm>>) target(%arg6 : memref<80xi32, #tpu.memory_space<vmem>>) target_semaphore(%arg16 : memref<!tpu.dma_semaphore, #tpu.memory_space<semaphore_mem>>)
      %add3A_200 = arith.constant 0 : i32
      %add3A_201 = arith.addi %add3A_192, %add3A_200 : i32
      %dma_start3A_202 = tpu.memref_slice %arg4[%add3A_201] : memref<322560xi32, #tpu.memory_space<hbm>> -> memref<80xi32, #tpu.memory_space<hbm>>
      %dma_start3A_203 = tpu.memref_slice %arg4[%add3A_201] : memref<322560xi32, #tpu.memory_space<hbm>> -> memref<80xi32, #tpu.memory_space<hbm>>
      tpu.enqueue_dma source(%dma_start3A_203 : memref<80xi32, #tpu.memory_space<hbm>>) target(%arg9 : memref<80xi32, #tpu.memory_space<vmem>>) target_semaphore(%arg17 : memref<!tpu.dma_semaphore, #tpu.memory_space<semaphore_mem>>)
      %dma_wait3A_204 = arith.constant 0 : i32
      %dma_wait3A_205 = arith.constant 0 : i32
      %dma_wait3A_206 = tpu.memref_slice %arg15[%dma_wait3A_204, %dma_wait3A_205] : memref<10240x128xf32, #tpu.memory_space<vmem_shared>> -> memref<10240x128xf32, #tpu.memory_space<vmem_shared>>
      tpu.wait_indirect_dma semaphore(%arg26 : memref<!tpu.dma_semaphore, #tpu.memory_space<semaphore_mem>>) src(%arg13 : memref<80x128xf32, #tpu.memory_space<vmem>>) dst(%dma_wait3A_206 : memref<10240x128xf32, #tpu.memory_space<vmem_shared>>)
      %add3A_207 = arith.constant 80 : i32
      %add3A_208 = arith.addi %add3A_192, %add3A_207 : i32
      %dma_start3A_209 = tpu.memref_slice %arg3[%add3A_208] : memref<322560xi32, #tpu.memory_space<hbm>> -> memref<80xi32, #tpu.memory_space<hbm>>
      %dma_start3A_210 = tpu.memref_slice %arg3[%add3A_208] : memref<322560xi32, #tpu.memory_space<hbm>> -> memref<80xi32, #tpu.memory_space<hbm>>
      tpu.enqueue_dma source(%dma_start3A_210 : memref<80xi32, #tpu.memory_space<hbm>>) target(%arg7 : memref<80xi32, #tpu.memory_space<vmem>>) target_semaphore(%arg18 : memref<!tpu.dma_semaphore, #tpu.memory_space<semaphore_mem>>)
      %add3A_211 = arith.constant 80 : i32
      %add3A_212 = arith.addi %add3A_192, %add3A_211 : i32
      %dma_start3A_213 = tpu.memref_slice %arg4[%add3A_212] : memref<322560xi32, #tpu.memory_space<hbm>> -> memref<80xi32, #tpu.memory_space<hbm>>
      %dma_start3A_214 = tpu.memref_slice %arg4[%add3A_212] : memref<322560xi32, #tpu.memory_space<hbm>> -> memref<80xi32, #tpu.memory_space<hbm>>
      tpu.enqueue_dma source(%dma_start3A_214 : memref<80xi32, #tpu.memory_space<hbm>>) target(%arg10 : memref<80xi32, #tpu.memory_space<vmem>>) target_semaphore(%arg19 : memref<!tpu.dma_semaphore, #tpu.memory_space<semaphore_mem>>)
      %dma_wait3A_215 = arith.constant 0 : i32
      %dma_wait3A_216 = arith.constant 0 : i32
      %dma_wait3A_217 = tpu.memref_slice %arg15[%dma_wait3A_215, %dma_wait3A_216] : memref<10240x128xf32, #tpu.memory_space<vmem_shared>> -> memref<10240x128xf32, #tpu.memory_space<vmem_shared>>
      tpu.wait_indirect_dma semaphore(%arg27 : memref<!tpu.dma_semaphore, #tpu.memory_space<semaphore_mem>>) src(%arg14 : memref<80x128xf32, #tpu.memory_space<vmem>>) dst(%dma_wait3A_217 : memref<10240x128xf32, #tpu.memory_space<vmem_shared>>)
      %add3A_218 = arith.constant 160 : i32
      %add3A_219 = arith.addi %add3A_192, %add3A_218 : i32
      %dma_start3A_220 = tpu.memref_slice %arg3[%add3A_219] : memref<322560xi32, #tpu.memory_space<hbm>> -> memref<80xi32, #tpu.memory_space<hbm>>
      %dma_start3A_221 = tpu.memref_slice %arg3[%add3A_219] : memref<322560xi32, #tpu.memory_space<hbm>> -> memref<80xi32, #tpu.memory_space<hbm>>
      tpu.enqueue_dma source(%dma_start3A_221 : memref<80xi32, #tpu.memory_space<hbm>>) target(%arg8 : memref<80xi32, #tpu.memory_space<vmem>>) target_semaphore(%arg20 : memref<!tpu.dma_semaphore, #tpu.memory_space<semaphore_mem>>)
      %add3A_222 = arith.constant 160 : i32
      %add3A_223 = arith.addi %add3A_192, %add3A_222 : i32
      %dma_start3A_224 = tpu.memref_slice %arg4[%add3A_223] : memref<322560xi32, #tpu.memory_space<hbm>> -> memref<80xi32, #tpu.memory_space<hbm>>
      %dma_start3A_225 = tpu.memref_slice %arg4[%add3A_223] : memref<322560xi32, #tpu.memory_space<hbm>> -> memref<80xi32, #tpu.memory_space<hbm>>
      tpu.enqueue_dma source(%dma_start3A_225 : memref<80xi32, #tpu.memory_space<hbm>>) target(%arg11 : memref<80xi32, #tpu.memory_space<vmem>>) target_semaphore(%arg21 : memref<!tpu.dma_semaphore, #tpu.memory_space<semaphore_mem>>)
      %dma_wait3A_226 = tpu.memref_slice %arg3[%add3A_197] : memref<322560xi32, #tpu.memory_space<hbm>> -> memref<80xi32, #tpu.memory_space<hbm>>
      %dma_wait3A_227 = tpu.memref_slice %arg3[%add3A_197] : memref<322560xi32, #tpu.memory_space<hbm>> -> memref<80xi32, #tpu.memory_space<hbm>>
      tpu.wait_dma2 semaphore(%arg16 : memref<!tpu.dma_semaphore, #tpu.memory_space<semaphore_mem>>) src(%dma_wait3A_227 : memref<80xi32, #tpu.memory_space<hbm>>) dst(%arg6 : memref<80xi32, #tpu.memory_space<vmem>>)
      %dma_start3A_228 = arith.constant 0 : i32
      %dma_start3A_229 = arith.constant 0 : i32
      %dma_start3A_230 = tpu.memref_slice %arg2[%dma_start3A_228, %dma_start3A_229] : memref<10000x128xf32, #tpu.memory_space<hbm>> -> memref<10000x128xf32, #tpu.memory_space<hbm>>
      tpu.enqueue_indirect_dma source(%dma_start3A_230 : memref<10000x128xf32, #tpu.memory_space<hbm>>) target(%arg12 : memref<80x128xf32, #tpu.memory_space<vmem>>) offsets(%arg6 : memref<80xi32, #tpu.memory_space<vmem>>) semaphore(%arg22 : memref<!tpu.dma_semaphore, #tpu.memory_space<semaphore_mem>>)
      %dma_wait3A_231 = tpu.memref_slice %arg3[%add3A_208] : memref<322560xi32, #tpu.memory_space<hbm>> -> memref<80xi32, #tpu.memory_space<hbm>>
      %dma_wait3A_232 = tpu.memref_slice %arg3[%add3A_208] : memref<322560xi32, #tpu.memory_space<hbm>> -> memref<80xi32, #tpu.memory_space<hbm>>
      tpu.wait_dma2 semaphore(%arg18 : memref<!tpu.dma_semaphore, #tpu.memory_space<semaphore_mem>>) src(%dma_wait3A_232 : memref<80xi32, #tpu.memory_space<hbm>>) dst(%arg7 : memref<80xi32, #tpu.memory_space<vmem>>)
      %dma_start3A_233 = arith.constant 0 : i32
      %dma_start3A_234 = arith.constant 0 : i32
      %dma_start3A_235 = tpu.memref_slice %arg2[%dma_start3A_233, %dma_start3A_234] : memref<10000x128xf32, #tpu.memory_space<hbm>> -> memref<10000x128xf32, #tpu.memory_space<hbm>>
      tpu.enqueue_indirect_dma source(%dma_start3A_235 : memref<10000x128xf32, #tpu.memory_space<hbm>>) target(%arg13 : memref<80x128xf32, #tpu.memory_space<vmem>>) offsets(%arg7 : memref<80xi32, #tpu.memory_space<vmem>>) semaphore(%arg23 : memref<!tpu.dma_semaphore, #tpu.memory_space<semaphore_mem>>)
      %dma_wait3A_236 = tpu.memref_slice %arg3[%add3A_219] : memref<322560xi32, #tpu.memory_space<hbm>> -> memref<80xi32, #tpu.memory_space<hbm>>
      %dma_wait3A_237 = tpu.memref_slice %arg3[%add3A_219] : memref<322560xi32, #tpu.memory_space<hbm>> -> memref<80xi32, #tpu.memory_space<hbm>>
      tpu.wait_dma2 semaphore(%arg20 : memref<!tpu.dma_semaphore, #tpu.memory_space<semaphore_mem>>) src(%dma_wait3A_237 : memref<80xi32, #tpu.memory_space<hbm>>) dst(%arg8 : memref<80xi32, #tpu.memory_space<vmem>>)
      %dma_start3A_238 = arith.constant 0 : i32
      %dma_start3A_239 = arith.constant 0 : i32
      %dma_start3A_240 = tpu.memref_slice %arg2[%dma_start3A_238, %dma_start3A_239] : memref<10000x128xf32, #tpu.memory_space<hbm>> -> memref<10000x128xf32, #tpu.memory_space<hbm>>
      tpu.enqueue_indirect_dma source(%dma_start3A_240 : memref<10000x128xf32, #tpu.memory_space<hbm>>) target(%arg14 : memref<80x128xf32, #tpu.memory_space<vmem>>) offsets(%arg8 : memref<80xi32, #tpu.memory_space<vmem>>) semaphore(%arg24 : memref<!tpu.dma_semaphore, #tpu.memory_space<semaphore_mem>>)
      %dma_wait3A_241 = arith.constant 0 : i32
      %dma_wait3A_242 = arith.constant 0 : i32
      %dma_wait3A_243 = tpu.memref_slice %arg2[%dma_wait3A_241, %dma_wait3A_242] : memref<10000x128xf32, #tpu.memory_space<hbm>> -> memref<10000x128xf32, #tpu.memory_space<hbm>>
      tpu.wait_indirect_dma semaphore(%arg22 : memref<!tpu.dma_semaphore, #tpu.memory_space<semaphore_mem>>) src(%dma_wait3A_243 : memref<10000x128xf32, #tpu.memory_space<hbm>>) dst(%arg12 : memref<80x128xf32, #tpu.memory_space<vmem>>)
      %dma_wait3A_244 = tpu.memref_slice %arg4[%add3A_201] : memref<322560xi32, #tpu.memory_space<hbm>> -> memref<80xi32, #tpu.memory_space<hbm>>
      %dma_wait3A_245 = tpu.memref_slice %arg4[%add3A_201] : memref<322560xi32, #tpu.memory_space<hbm>> -> memref<80xi32, #tpu.memory_space<hbm>>
      tpu.wait_dma2 semaphore(%arg17 : memref<!tpu.dma_semaphore, #tpu.memory_space<semaphore_mem>>) src(%dma_wait3A_245 : memref<80xi32, #tpu.memory_space<hbm>>) dst(%arg9 : memref<80xi32, #tpu.memory_space<vmem>>)
      %dma_start3A_246 = arith.constant 0 : i32
      %dma_start3A_247 = arith.constant 0 : i32
      %dma_start3A_248 = tpu.memref_slice %arg15[%dma_start3A_246, %dma_start3A_247] : memref<10240x128xf32, #tpu.memory_space<vmem_shared>> -> memref<10240x128xf32, #tpu.memory_space<vmem_shared>>
      tpu.enqueue_indirect_dma source(%arg12 : memref<80x128xf32, #tpu.memory_space<vmem>>) target(%dma_start3A_248 : memref<10240x128xf32, #tpu.memory_space<vmem_shared>>) offsets(%arg9 : memref<80xi32, #tpu.memory_space<vmem>>) semaphore(%arg25 : memref<!tpu.dma_semaphore, #tpu.memory_space<semaphore_mem>>) {add = true}
      %dma_wait3A_249 = arith.constant 0 : i32
      %dma_wait3A_250 = arith.constant 0 : i32
      %dma_wait3A_251 = tpu.memref_slice %arg2[%dma_wait3A_249, %dma_wait3A_250] : memref<10000x128xf32, #tpu.memory_space<hbm>> -> memref<10000x128xf32, #tpu.memory_space<hbm>>
      tpu.wait_indirect_dma semaphore(%arg23 : memref<!tpu.dma_semaphore, #tpu.memory_space<semaphore_mem>>) src(%dma_wait3A_251 : memref<10000x128xf32, #tpu.memory_space<hbm>>) dst(%arg13 : memref<80x128xf32, #tpu.memory_space<vmem>>)
      %dma_wait3A_252 = tpu.memref_slice %arg4[%add3A_212] : memref<322560xi32, #tpu.memory_space<hbm>> -> memref<80xi32, #tpu.memory_space<hbm>>
      %dma_wait3A_253 = tpu.memref_slice %arg4[%add3A_212] : memref<322560xi32, #tpu.memory_space<hbm>> -> memref<80xi32, #tpu.memory_space<hbm>>
      tpu.wait_dma2 semaphore(%arg19 : memref<!tpu.dma_semaphore, #tpu.memory_space<semaphore_mem>>) src(%dma_wait3A_253 : memref<80xi32, #tpu.memory_space<hbm>>) dst(%arg10 : memref<80xi32, #tpu.memory_space<vmem>>)
      %dma_start3A_254 = arith.constant 0 : i32
      %dma_start3A_255 = arith.constant 0 : i32
      %dma_start3A_256 = tpu.memref_slice %arg15[%dma_start3A_254, %dma_start3A_255] : memref<10240x128xf32, #tpu.memory_space<vmem_shared>> -> memref<10240x128xf32, #tpu.memory_space<vmem_shared>>
      tpu.enqueue_indirect_dma source(%arg13 : memref<80x128xf32, #tpu.memory_space<vmem>>) target(%dma_start3A_256 : memref<10240x128xf32, #tpu.memory_space<vmem_shared>>) offsets(%arg10 : memref<80xi32, #tpu.memory_space<vmem>>) semaphore(%arg26 : memref<!tpu.dma_semaphore, #tpu.memory_space<semaphore_mem>>) {add = true}
      %dma_wait3A_257 = arith.constant 0 : i32
      %dma_wait3A_258 = arith.constant 0 : i32
      %dma_wait3A_259 = tpu.memref_slice %arg2[%dma_wait3A_257, %dma_wait3A_258] : memref<10000x128xf32, #tpu.memory_space<hbm>> -> memref<10000x128xf32, #tpu.memory_space<hbm>>
      tpu.wait_indirect_dma semaphore(%arg24 : memref<!tpu.dma_semaphore, #tpu.memory_space<semaphore_mem>>) src(%dma_wait3A_259 : memref<10000x128xf32, #tpu.memory_space<hbm>>) dst(%arg14 : memref<80x128xf32, #tpu.memory_space<vmem>>)
      %dma_wait3A_260 = tpu.memref_slice %arg4[%add3A_223] : memref<322560xi32, #tpu.memory_space<hbm>> -> memref<80xi32, #tpu.memory_space<hbm>>
      %dma_wait3A_261 = tpu.memref_slice %arg4[%add3A_223] : memref<322560xi32, #tpu.memory_space<hbm>> -> memref<80xi32, #tpu.memory_space<hbm>>
      tpu.wait_dma2 semaphore(%arg21 : memref<!tpu.dma_semaphore, #tpu.memory_space<semaphore_mem>>) src(%dma_wait3A_261 : memref<80xi32, #tpu.memory_space<hbm>>) dst(%arg11 : memref<80xi32, #tpu.memory_space<vmem>>)
      %dma_start3A_262 = arith.constant 0 : i32
      %dma_start3A_263 = arith.constant 0 : i32
      %dma_start3A_264 = tpu.memref_slice %arg15[%dma_start3A_262, %dma_start3A_263] : memref<10240x128xf32, #tpu.memory_space<vmem_shared>> -> memref<10240x128xf32, #tpu.memory_space<vmem_shared>>
      tpu.enqueue_indirect_dma source(%arg14 : memref<80x128xf32, #tpu.memory_space<vmem>>) target(%dma_start3A_264 : memref<10240x128xf32, #tpu.memory_space<vmem_shared>>) offsets(%arg11 : memref<80xi32, #tpu.memory_space<vmem>>) semaphore(%arg27 : memref<!tpu.dma_semaphore, #tpu.memory_space<semaphore_mem>>) {add = true}
    }
    %scan3A_170 = arith.constant 41 : i32
    %dma_wait3A_171 = arith.constant 0 : i32
    %dma_wait3A_172 = arith.constant 0 : i32
    %dma_wait3A_173 = tpu.memref_slice %arg15[%dma_wait3A_171, %dma_wait3A_172] : memref<10240x128xf32, #tpu.memory_space<vmem_shared>> -> memref<10240x128xf32, #tpu.memory_space<vmem_shared>>
    tpu.wait_indirect_dma semaphore(%arg25 : memref<!tpu.dma_semaphore, #tpu.memory_space<semaphore_mem>>) src(%arg12 : memref<80x128xf32, #tpu.memory_space<vmem>>) dst(%dma_wait3A_173 : memref<10240x128xf32, #tpu.memory_space<vmem_shared>>)
    %dma_wait3A_174 = arith.constant 0 : i32
    %dma_wait3A_175 = arith.constant 0 : i32
    %dma_wait3A_176 = tpu.memref_slice %arg15[%dma_wait3A_174, %dma_wait3A_175] : memref<10240x128xf32, #tpu.memory_space<vmem_shared>> -> memref<10240x128xf32, #tpu.memory_space<vmem_shared>>
    tpu.wait_indirect_dma semaphore(%arg26 : memref<!tpu.dma_semaphore, #tpu.memory_space<semaphore_mem>>) src(%arg13 : memref<80x128xf32, #tpu.memory_space<vmem>>) dst(%dma_wait3A_176 : memref<10240x128xf32, #tpu.memory_space<vmem_shared>>)
    %dma_wait3A_177 = arith.constant 0 : i32
    %dma_wait3A_178 = arith.constant 0 : i32
    %dma_wait3A_179 = tpu.memref_slice %arg15[%dma_wait3A_177, %dma_wait3A_178] : memref<10240x128xf32, #tpu.memory_space<vmem_shared>> -> memref<10240x128xf32, #tpu.memory_space<vmem_shared>>
    tpu.wait_indirect_dma semaphore(%arg27 : memref<!tpu.dma_semaphore, #tpu.memory_space<semaphore_mem>>) src(%arg14 : memref<80x128xf32, #tpu.memory_space<vmem>>) dst(%dma_wait3A_179 : memref<10240x128xf32, #tpu.memory_space<vmem_shared>>)
    %barrier3A_180 = arith.constant 0 : index
    tpu.barrier barrier_id(%barrier3A_180)
    %mul3A_181 = arith.constant 640 : i32
    %mul3A_182 = arith.muli %arg1, %mul3A_181 : i32
    %mul3A_183 = arith.constant 640 : i32
    %mul3A_184 = arith.muli %arg1, %mul3A_183 : i32
    "tpu.region"() ({
      %run_scoped3A = tpu.sem_alloc : memref<!tpu.dma_semaphore, #tpu.memory_space<semaphore_mem>>
      %dma_start3A_185 = arith.constant 0 : i32
      %dma_start3A_186 = tpu.memref_slice %arg5[%arg0, %mul3A_184, %dma_start3A_185] : memref<2x10240x128xf32, #tpu.memory_space<hbm>> -> memref<1x640x128xf32, #tpu.memory_space<hbm>>
      %dma_start3A_187 = tpu.memref_squeeze %dma_start3A_186 : memref<1x640x128xf32, #tpu.memory_space<hbm>> -> memref<640x128xf32, #tpu.memory_space<hbm>>
      %dma_start3A_188 = arith.constant 0 : i32
      %dma_start3A_189 = tpu.memref_slice %arg15[%mul3A_182, %dma_start3A_188] : memref<10240x128xf32, #tpu.memory_space<vmem_shared>> -> memref<640x128xf32, #tpu.memory_space<vmem_shared>>
      tpu.enqueue_dma source(%dma_start3A_189 : memref<640x128xf32, #tpu.memory_space<vmem_shared>>) target(%dma_start3A_187 : memref<640x128xf32, #tpu.memory_space<hbm>>) target_semaphore(%run_scoped3A : memref<!tpu.dma_semaphore, #tpu.memory_space<semaphore_mem>>)
      %dma_wait3A_190 = arith.constant 0 : i32
      %dma_wait3A_191 = tpu.memref_slice %arg5[%arg0, %mul3A_184, %dma_wait3A_190] : memref<2x10240x128xf32, #tpu.memory_space<hbm>> -> memref<1x640x128xf32, #tpu.memory_space<hbm>>
      %dma_wait3A_192 = tpu.memref_squeeze %dma_wait3A_191 : memref<1x640x128xf32, #tpu.memory_space<hbm>> -> memref<640x128xf32, #tpu.memory_space<hbm>>
      %dma_wait3A_193 = arith.constant 0 : i32
      %dma_wait3A_194 = tpu.memref_slice %arg15[%mul3A_182, %dma_wait3A_193] : memref<10240x128xf32, #tpu.memory_space<vmem_shared>> -> memref<640x128xf32, #tpu.memory_space<vmem_shared>>
      tpu.wait_dma2 semaphore(%run_scoped3A : memref<!tpu.dma_semaphore, #tpu.memory_space<semaphore_mem>>) src(%dma_wait3A_194 : memref<640x128xf32, #tpu.memory_space<vmem_shared>>) dst(%dma_wait3A_192 : memref<640x128xf32, #tpu.memory_space<hbm>>)
      tpu.yield
    }) : () -> ()
    return
  }
}

#map = affine_map<(d0, d1) -> (0, 0)>
#map1 = affine_map<(d0, d1) -> (0)>
#map2 = affine_map<(d0, d1) -> (0, 0, 0)>
module attributes {stable_mosaic.version = 14 : i64} {
  func.func @_agg_kernel(%arg0: i32, %arg1: i32, %arg2: memref<10000x128xf32, #tpu.memory_space<hbm>>, %arg3: memref<322560xi32, #tpu.memory_space<hbm>>, %arg4: memref<322560xi32, #tpu.memory_space<hbm>>, %arg5: memref<2x10240x128xf32, #tpu.memory_space<hbm>>, %arg6: memref<80xi32, #tpu.memory_space<vmem>>, %arg7: memref<80xi32, #tpu.memory_space<vmem>>, %arg8: memref<80xi32, #tpu.memory_space<vmem>>, %arg9: memref<80xi32, #tpu.memory_space<vmem>>, %arg10: memref<80xi32, #tpu.memory_space<vmem>>, %arg11: memref<80xi32, #tpu.memory_space<vmem>>, %arg12: memref<80x128xf32, #tpu.memory_space<vmem>>, %arg13: memref<80x128xf32, #tpu.memory_space<vmem>>, %arg14: memref<80x128xf32, #tpu.memory_space<vmem>>, %arg15: memref<10240x128xf32, #tpu.memory_space<vmem_shared>>, %arg16: memref<!tpu.dma_semaphore, #tpu.memory_space<semaphore_mem>>, %arg17: memref<!tpu.dma_semaphore, #tpu.memory_space<semaphore_mem>>, %arg18: memref<!tpu.dma_semaphore, #tpu.memory_space<semaphore_mem>>, %arg19: memref<!tpu.dma_semaphore, #tpu.memory_space<semaphore_mem>>, %arg20: memref<!tpu.dma_semaphore, #tpu.memory_space<semaphore_mem>>, %arg21: memref<!tpu.dma_semaphore, #tpu.memory_space<semaphore_mem>>, %arg22: memref<!tpu.dma_semaphore, #tpu.memory_space<semaphore_mem>>, %arg23: memref<!tpu.dma_semaphore, #tpu.memory_space<semaphore_mem>>, %arg24: memref<!tpu.dma_semaphore, #tpu.memory_space<semaphore_mem>>, %arg25: memref<!tpu.dma_semaphore, #tpu.memory_space<semaphore_mem>>, %arg26: memref<!tpu.dma_semaphore, #tpu.memory_space<semaphore_mem>>, %arg27: memref<!tpu.dma_semaphore, #tpu.memory_space<semaphore_mem>>, %arg28: memref<!tpu.dma_semaphore, #tpu.memory_space<semaphore_mem>>) attributes {dimension_semantics = [#tpu.dimension_semantics<core_parallel>, #tpu.dimension_semantics<subcore_parallel>], iteration_bounds = array<i64: 2, 16>, scalar_prefetch = 0 : i64, scratch_operands = 23 : i64, tpu.core_type = #tpu.core_type<sc_vector_subcore>, window_params = [{transform_indices = #map}, {transform_indices = #map1}, {transform_indices = #map1}, {transform_indices = #map2}]} {
    %mul3A = arith.constant 2 : i32
    %mul3A_0 = arith.muli %arg1, %mul3A : i32
    %add3A = arith.addi %mul3A_0, %arg0 : i32
    %mul3A_1 = arith.constant 10080 : i32
    %mul3A_2 = arith.muli %add3A, %mul3A_1 : i32
    %add3A_3 = arith.constant 0 : i32
    %add3A_4 = arith.addi %mul3A_2, %add3A_3 : i32
    %dma_start3A = tpu.memref_slice %arg3[%add3A_4] : memref<322560xi32, #tpu.memory_space<hbm>> -> memref<80xi32, #tpu.memory_space<hbm>>
    %dma_start3A_5 = tpu.memref_slice %arg3[%add3A_4] : memref<322560xi32, #tpu.memory_space<hbm>> -> memref<80xi32, #tpu.memory_space<hbm>>
    tpu.enqueue_dma source(%dma_start3A_5 : memref<80xi32, #tpu.memory_space<hbm>>) target(%arg6 : memref<80xi32, #tpu.memory_space<vmem>>) target_semaphore(%arg16 : memref<!tpu.dma_semaphore, #tpu.memory_space<semaphore_mem>>)
    %add3A_6 = arith.constant 0 : i32
    %add3A_7 = arith.addi %mul3A_2, %add3A_6 : i32
    %dma_start3A_8 = tpu.memref_slice %arg4[%add3A_7] : memref<322560xi32, #tpu.memory_space<hbm>> -> memref<80xi32, #tpu.memory_space<hbm>>
    %dma_start3A_9 = tpu.memref_slice %arg4[%add3A_7] : memref<322560xi32, #tpu.memory_space<hbm>> -> memref<80xi32, #tpu.memory_space<hbm>>
    tpu.enqueue_dma source(%dma_start3A_9 : memref<80xi32, #tpu.memory_space<hbm>>) target(%arg9 : memref<80xi32, #tpu.memory_space<vmem>>) target_semaphore(%arg17 : memref<!tpu.dma_semaphore, #tpu.memory_space<semaphore_mem>>)
    %add3A_10 = arith.constant 80 : i32
    %add3A_11 = arith.addi %mul3A_2, %add3A_10 : i32
    %dma_start3A_12 = tpu.memref_slice %arg3[%add3A_11] : memref<322560xi32, #tpu.memory_space<hbm>> -> memref<80xi32, #tpu.memory_space<hbm>>
    %dma_start3A_13 = tpu.memref_slice %arg3[%add3A_11] : memref<322560xi32, #tpu.memory_space<hbm>> -> memref<80xi32, #tpu.memory_space<hbm>>
    tpu.enqueue_dma source(%dma_start3A_13 : memref<80xi32, #tpu.memory_space<hbm>>) target(%arg7 : memref<80xi32, #tpu.memory_space<vmem>>) target_semaphore(%arg18 : memref<!tpu.dma_semaphore, #tpu.memory_space<semaphore_mem>>)
    %add3A_14 = arith.constant 80 : i32
    %add3A_15 = arith.addi %mul3A_2, %add3A_14 : i32
    %dma_start3A_16 = tpu.memref_slice %arg4[%add3A_15] : memref<322560xi32, #tpu.memory_space<hbm>> -> memref<80xi32, #tpu.memory_space<hbm>>
    %dma_start3A_17 = tpu.memref_slice %arg4[%add3A_15] : memref<322560xi32, #tpu.memory_space<hbm>> -> memref<80xi32, #tpu.memory_space<hbm>>
    tpu.enqueue_dma source(%dma_start3A_17 : memref<80xi32, #tpu.memory_space<hbm>>) target(%arg10 : memref<80xi32, #tpu.memory_space<vmem>>) target_semaphore(%arg19 : memref<!tpu.dma_semaphore, #tpu.memory_space<semaphore_mem>>)
    %add3A_18 = arith.constant 160 : i32
    %add3A_19 = arith.addi %mul3A_2, %add3A_18 : i32
    %dma_start3A_20 = tpu.memref_slice %arg3[%add3A_19] : memref<322560xi32, #tpu.memory_space<hbm>> -> memref<80xi32, #tpu.memory_space<hbm>>
    %dma_start3A_21 = tpu.memref_slice %arg3[%add3A_19] : memref<322560xi32, #tpu.memory_space<hbm>> -> memref<80xi32, #tpu.memory_space<hbm>>
    tpu.enqueue_dma source(%dma_start3A_21 : memref<80xi32, #tpu.memory_space<hbm>>) target(%arg8 : memref<80xi32, #tpu.memory_space<vmem>>) target_semaphore(%arg20 : memref<!tpu.dma_semaphore, #tpu.memory_space<semaphore_mem>>)
    %add3A_22 = arith.constant 160 : i32
    %add3A_23 = arith.addi %mul3A_2, %add3A_22 : i32
    %dma_start3A_24 = tpu.memref_slice %arg4[%add3A_23] : memref<322560xi32, #tpu.memory_space<hbm>> -> memref<80xi32, #tpu.memory_space<hbm>>
    %dma_start3A_25 = tpu.memref_slice %arg4[%add3A_23] : memref<322560xi32, #tpu.memory_space<hbm>> -> memref<80xi32, #tpu.memory_space<hbm>>
    tpu.enqueue_dma source(%dma_start3A_25 : memref<80xi32, #tpu.memory_space<hbm>>) target(%arg11 : memref<80xi32, #tpu.memory_space<vmem>>) target_semaphore(%arg21 : memref<!tpu.dma_semaphore, #tpu.memory_space<semaphore_mem>>)
    %scan3A = arith.constant 0 : i32
    %scan3A_26 = arith.constant 0 : i32
    %scan3A_27 = arith.constant 640 : i32
    %scan3A_28 = arith.addi %scan3A_26, %scan3A_27 : i32
    %scan3A_29 = arith.constant 1 : i32
    scf.for %scan3A_185 = %scan3A_26 to %scan3A_28 step %scan3A_29  : i32 {
      %jit3A = arith.constant 8 : i32
      %div3A = arith.divsi %scan3A_185, %jit3A : i32
      %sign3A = arith.constant 0 : i32
      %sign3A_186 = arith.cmpi sgt, %scan3A_185, %sign3A : i32
      %sign3A_187 = arith.extui %sign3A_186 : i1 to i32
      %sign3A_188 = arith.constant 0 : i32
      %sign3A_189 = arith.cmpi slt, %scan3A_185, %sign3A_188 : i32
      %sign3A_190 = arith.extui %sign3A_189 : i1 to i32
      %sign3A_191 = arith.subi %sign3A_187, %sign3A_190 : i32
      %sign3A_192 = arith.constant 0 : i32
      %sign3A_193 = arith.cmpi sgt, %jit3A, %sign3A_192 : i32
      %sign3A_194 = arith.extui %sign3A_193 : i1 to i32
      %sign3A_195 = arith.constant 0 : i32
      %sign3A_196 = arith.cmpi slt, %jit3A, %sign3A_195 : i32
      %sign3A_197 = arith.extui %sign3A_196 : i1 to i32
      %sign3A_198 = arith.subi %sign3A_194, %sign3A_197 : i32
      %ne3A = arith.cmpi ne, %sign3A_191, %sign3A_198 : i32
      %rem3A = arith.remsi %scan3A_185, %jit3A : i32
      %ne3A_199 = arith.constant 0 : i32
      %ne3A_200 = arith.cmpi ne, %rem3A, %ne3A_199 : i32
      %and3A = arith.andi %ne3A, %ne3A_200 : i1
      %sub3A = arith.constant 1 : i32
      %sub3A_201 = arith.subi %div3A, %sub3A : i32
      %select_n3A = arith.select %and3A, %sub3A_201, %div3A : i32
      %jit3A_202 = arith.constant 8 : i32
      %eq3A = arith.constant 0 : i32
      %eq3A_203 = arith.cmpi eq, %jit3A_202, %eq3A : i32
      %jit3A_204 = arith.constant 1 : i32
      %select_n3A_205 = arith.select %eq3A_203, %jit3A_204, %jit3A_202 : i32
      %rem3A_206 = arith.remsi %scan3A_185, %select_n3A_205 : i32
      %ne3A_207 = arith.constant 0 : i32
      %ne3A_208 = arith.cmpi ne, %rem3A_206, %ne3A_207 : i32
      %lt3A = arith.constant 0 : i32
      %lt3A_209 = arith.cmpi slt, %rem3A_206, %lt3A : i32
      %lt3A_210 = arith.constant 0 : i32
      %lt3A_211 = arith.cmpi slt, %select_n3A_205, %lt3A_210 : i32
      %ne3A_212 = arith.xori %lt3A_209, %lt3A_211 : i1
      %and3A_213 = arith.andi %ne3A_212, %ne3A_208 : i1
      %add3A_214 = arith.addi %rem3A_206, %select_n3A_205 : i32
      %select_n3A_215 = arith.select %and3A_213, %add3A_214, %rem3A_206 : i32
      %mul3A_216 = arith.constant 16 : i32
      %mul3A_217 = arith.muli %select_n3A_215, %mul3A_216 : i32
      %broadcast_in_dim3A = arith.constant 0.000000e+00 : f32
      %broadcast_in_dim3A_218 = vector.broadcast %broadcast_in_dim3A : f32 to vector<16xf32>
      %swap3A = arith.index_cast %select_n3A : i32 to index
      %swap3A_219 = arith.index_cast %mul3A_217 : i32 to index
      %swap3A_220 = tpu.vector_load %arg12[%swap3A, %swap3A_219] {strides = array<i32>} : memref<80x128xf32, #tpu.memory_space<vmem>>, vector<16xf32>,
      tpu.vector_store %arg12[%swap3A, %swap3A_219], %broadcast_in_dim3A_218 {strides = array<i32>} : memref<80x128xf32, #tpu.memory_space<vmem>>, vector<16xf32>,
    }
    %scan3A_30 = arith.constant 640 : i32
    %mul3A_31 = arith.constant 640 : i32
    %mul3A_32 = arith.muli %arg1, %mul3A_31 : i32
    %add3A_33 = arith.constant 0 : i32
    %add3A_34 = arith.addi %mul3A_32, %add3A_33 : i32
    %dma_start3A_35 = arith.constant 0 : i32
    %dma_start3A_36 = tpu.memref_slice %arg15[%add3A_34, %dma_start3A_35] : memref<10240x128xf32, #tpu.memory_space<vmem_shared>> -> memref<80x128xf32, #tpu.memory_space<vmem_shared>>
    %dma_start3A_37 = arith.constant 0 : i32
    %dma_start3A_38 = tpu.memref_slice %arg15[%add3A_34, %dma_start3A_37] : memref<10240x128xf32, #tpu.memory_space<vmem_shared>> -> memref<80x128xf32, #tpu.memory_space<vmem_shared>>
    tpu.enqueue_dma source(%arg12 : memref<80x128xf32, #tpu.memory_space<vmem>>) target(%dma_start3A_38 : memref<80x128xf32, #tpu.memory_space<vmem_shared>>) target_semaphore(%arg28 : memref<!tpu.dma_semaphore, #tpu.memory_space<semaphore_mem>>)
    %mul3A_39 = arith.constant 640 : i32
    %mul3A_40 = arith.muli %arg1, %mul3A_39 : i32
    %add3A_41 = arith.constant 80 : i32
    %add3A_42 = arith.addi %mul3A_40, %add3A_41 : i32
    %dma_start3A_43 = arith.constant 0 : i32
    %dma_start3A_44 = tpu.memref_slice %arg15[%add3A_42, %dma_start3A_43] : memref<10240x128xf32, #tpu.memory_space<vmem_shared>> -> memref<80x128xf32, #tpu.memory_space<vmem_shared>>
    %dma_start3A_45 = arith.constant 0 : i32
    %dma_start3A_46 = tpu.memref_slice %arg15[%add3A_42, %dma_start3A_45] : memref<10240x128xf32, #tpu.memory_space<vmem_shared>> -> memref<80x128xf32, #tpu.memory_space<vmem_shared>>
    tpu.enqueue_dma source(%arg12 : memref<80x128xf32, #tpu.memory_space<vmem>>) target(%dma_start3A_46 : memref<80x128xf32, #tpu.memory_space<vmem_shared>>) target_semaphore(%arg28 : memref<!tpu.dma_semaphore, #tpu.memory_space<semaphore_mem>>)
    %mul3A_47 = arith.constant 640 : i32
    %mul3A_48 = arith.muli %arg1, %mul3A_47 : i32
    %add3A_49 = arith.constant 160 : i32
    %add3A_50 = arith.addi %mul3A_48, %add3A_49 : i32
    %dma_start3A_51 = arith.constant 0 : i32
    %dma_start3A_52 = tpu.memref_slice %arg15[%add3A_50, %dma_start3A_51] : memref<10240x128xf32, #tpu.memory_space<vmem_shared>> -> memref<80x128xf32, #tpu.memory_space<vmem_shared>>
    %dma_start3A_53 = arith.constant 0 : i32
    %dma_start3A_54 = tpu.memref_slice %arg15[%add3A_50, %dma_start3A_53] : memref<10240x128xf32, #tpu.memory_space<vmem_shared>> -> memref<80x128xf32, #tpu.memory_space<vmem_shared>>
    tpu.enqueue_dma source(%arg12 : memref<80x128xf32, #tpu.memory_space<vmem>>) target(%dma_start3A_54 : memref<80x128xf32, #tpu.memory_space<vmem_shared>>) target_semaphore(%arg28 : memref<!tpu.dma_semaphore, #tpu.memory_space<semaphore_mem>>)
    %mul3A_55 = arith.constant 640 : i32
    %mul3A_56 = arith.muli %arg1, %mul3A_55 : i32
    %add3A_57 = arith.constant 240 : i32
    %add3A_58 = arith.addi %mul3A_56, %add3A_57 : i32
    %dma_start3A_59 = arith.constant 0 : i32
    %dma_start3A_60 = tpu.memref_slice %arg15[%add3A_58, %dma_start3A_59] : memref<10240x128xf32, #tpu.memory_space<vmem_shared>> -> memref<80x128xf32, #tpu.memory_space<vmem_shared>>
    %dma_start3A_61 = arith.constant 0 : i32
    %dma_start3A_62 = tpu.memref_slice %arg15[%add3A_58, %dma_start3A_61] : memref<10240x128xf32, #tpu.memory_space<vmem_shared>> -> memref<80x128xf32, #tpu.memory_space<vmem_shared>>
    tpu.enqueue_dma source(%arg12 : memref<80x128xf32, #tpu.memory_space<vmem>>) target(%dma_start3A_62 : memref<80x128xf32, #tpu.memory_space<vmem_shared>>) target_semaphore(%arg28 : memref<!tpu.dma_semaphore, #tpu.memory_space<semaphore_mem>>)
    %mul3A_63 = arith.constant 640 : i32
    %mul3A_64 = arith.muli %arg1, %mul3A_63 : i32
    %add3A_65 = arith.constant 320 : i32
    %add3A_66 = arith.addi %mul3A_64, %add3A_65 : i32
    %dma_start3A_67 = arith.constant 0 : i32
    %dma_start3A_68 = tpu.memref_slice %arg15[%add3A_66, %dma_start3A_67] : memref<10240x128xf32, #tpu.memory_space<vmem_shared>> -> memref<80x128xf32, #tpu.memory_space<vmem_shared>>
    %dma_start3A_69 = arith.constant 0 : i32
    %dma_start3A_70 = tpu.memref_slice %arg15[%add3A_66, %dma_start3A_69] : memref<10240x128xf32, #tpu.memory_space<vmem_shared>> -> memref<80x128xf32, #tpu.memory_space<vmem_shared>>
    tpu.enqueue_dma source(%arg12 : memref<80x128xf32, #tpu.memory_space<vmem>>) target(%dma_start3A_70 : memref<80x128xf32, #tpu.memory_space<vmem_shared>>) target_semaphore(%arg28 : memref<!tpu.dma_semaphore, #tpu.memory_space<semaphore_mem>>)
    %mul3A_71 = arith.constant 640 : i32
    %mul3A_72 = arith.muli %arg1, %mul3A_71 : i32
    %add3A_73 = arith.constant 400 : i32
    %add3A_74 = arith.addi %mul3A_72, %add3A_73 : i32
    %dma_start3A_75 = arith.constant 0 : i32
    %dma_start3A_76 = tpu.memref_slice %arg15[%add3A_74, %dma_start3A_75] : memref<10240x128xf32, #tpu.memory_space<vmem_shared>> -> memref<80x128xf32, #tpu.memory_space<vmem_shared>>
    %dma_start3A_77 = arith.constant 0 : i32
    %dma_start3A_78 = tpu.memref_slice %arg15[%add3A_74, %dma_start3A_77] : memref<10240x128xf32, #tpu.memory_space<vmem_shared>> -> memref<80x128xf32, #tpu.memory_space<vmem_shared>>
    tpu.enqueue_dma source(%arg12 : memref<80x128xf32, #tpu.memory_space<vmem>>) target(%dma_start3A_78 : memref<80x128xf32, #tpu.memory_space<vmem_shared>>) target_semaphore(%arg28 : memref<!tpu.dma_semaphore, #tpu.memory_space<semaphore_mem>>)
    %mul3A_79 = arith.constant 640 : i32
    %mul3A_80 = arith.muli %arg1, %mul3A_79 : i32
    %add3A_81 = arith.constant 480 : i32
    %add3A_82 = arith.addi %mul3A_80, %add3A_81 : i32
    %dma_start3A_83 = arith.constant 0 : i32
    %dma_start3A_84 = tpu.memref_slice %arg15[%add3A_82, %dma_start3A_83] : memref<10240x128xf32, #tpu.memory_space<vmem_shared>> -> memref<80x128xf32, #tpu.memory_space<vmem_shared>>
    %dma_start3A_85 = arith.constant 0 : i32
    %dma_start3A_86 = tpu.memref_slice %arg15[%add3A_82, %dma_start3A_85] : memref<10240x128xf32, #tpu.memory_space<vmem_shared>> -> memref<80x128xf32, #tpu.memory_space<vmem_shared>>
    tpu.enqueue_dma source(%arg12 : memref<80x128xf32, #tpu.memory_space<vmem>>) target(%dma_start3A_86 : memref<80x128xf32, #tpu.memory_space<vmem_shared>>) target_semaphore(%arg28 : memref<!tpu.dma_semaphore, #tpu.memory_space<semaphore_mem>>)
    %mul3A_87 = arith.constant 640 : i32
    %mul3A_88 = arith.muli %arg1, %mul3A_87 : i32
    %add3A_89 = arith.constant 560 : i32
    %add3A_90 = arith.addi %mul3A_88, %add3A_89 : i32
    %dma_start3A_91 = arith.constant 0 : i32
    %dma_start3A_92 = tpu.memref_slice %arg15[%add3A_90, %dma_start3A_91] : memref<10240x128xf32, #tpu.memory_space<vmem_shared>> -> memref<80x128xf32, #tpu.memory_space<vmem_shared>>
    %dma_start3A_93 = arith.constant 0 : i32
    %dma_start3A_94 = tpu.memref_slice %arg15[%add3A_90, %dma_start3A_93] : memref<10240x128xf32, #tpu.memory_space<vmem_shared>> -> memref<80x128xf32, #tpu.memory_space<vmem_shared>>
    tpu.enqueue_dma source(%arg12 : memref<80x128xf32, #tpu.memory_space<vmem>>) target(%dma_start3A_94 : memref<80x128xf32, #tpu.memory_space<vmem_shared>>) target_semaphore(%arg28 : memref<!tpu.dma_semaphore, #tpu.memory_space<semaphore_mem>>)
    %dma_wait3A = tpu.memref_slice %arg3[%add3A_11] : memref<322560xi32, #tpu.memory_space<hbm>> -> memref<80xi32, #tpu.memory_space<hbm>>
    %dma_wait3A_95 = tpu.memref_slice %arg3[%add3A_11] : memref<322560xi32, #tpu.memory_space<hbm>> -> memref<80xi32, #tpu.memory_space<hbm>>
    tpu.wait_dma2 semaphore(%arg18 : memref<!tpu.dma_semaphore, #tpu.memory_space<semaphore_mem>>) src(%dma_wait3A_95 : memref<80xi32, #tpu.memory_space<hbm>>) dst(%arg7 : memref<80xi32, #tpu.memory_space<vmem>>)
    %dma_start3A_96 = arith.constant 0 : i32
    %dma_start3A_97 = arith.constant 0 : i32
    %dma_start3A_98 = tpu.memref_slice %arg2[%dma_start3A_96, %dma_start3A_97] : memref<10000x128xf32, #tpu.memory_space<hbm>> -> memref<10000x128xf32, #tpu.memory_space<hbm>>
    tpu.enqueue_indirect_dma source(%dma_start3A_98 : memref<10000x128xf32, #tpu.memory_space<hbm>>) target(%arg13 : memref<80x128xf32, #tpu.memory_space<vmem>>) offsets(%arg7 : memref<80xi32, #tpu.memory_space<vmem>>) semaphore(%arg23 : memref<!tpu.dma_semaphore, #tpu.memory_space<semaphore_mem>>)
    %dma_wait3A_99 = tpu.memref_slice %arg3[%add3A_19] : memref<322560xi32, #tpu.memory_space<hbm>> -> memref<80xi32, #tpu.memory_space<hbm>>
    %dma_wait3A_100 = tpu.memref_slice %arg3[%add3A_19] : memref<322560xi32, #tpu.memory_space<hbm>> -> memref<80xi32, #tpu.memory_space<hbm>>
    tpu.wait_dma2 semaphore(%arg20 : memref<!tpu.dma_semaphore, #tpu.memory_space<semaphore_mem>>) src(%dma_wait3A_100 : memref<80xi32, #tpu.memory_space<hbm>>) dst(%arg8 : memref<80xi32, #tpu.memory_space<vmem>>)
    %dma_start3A_101 = arith.constant 0 : i32
    %dma_start3A_102 = arith.constant 0 : i32
    %dma_start3A_103 = tpu.memref_slice %arg2[%dma_start3A_101, %dma_start3A_102] : memref<10000x128xf32, #tpu.memory_space<hbm>> -> memref<10000x128xf32, #tpu.memory_space<hbm>>
    tpu.enqueue_indirect_dma source(%dma_start3A_103 : memref<10000x128xf32, #tpu.memory_space<hbm>>) target(%arg14 : memref<80x128xf32, #tpu.memory_space<vmem>>) offsets(%arg8 : memref<80xi32, #tpu.memory_space<vmem>>) semaphore(%arg24 : memref<!tpu.dma_semaphore, #tpu.memory_space<semaphore_mem>>)
    %dma_wait3A_104 = arith.constant 0 : i32
    %dma_wait3A_105 = tpu.memref_slice %arg15[%add3A_34, %dma_wait3A_104] : memref<10240x128xf32, #tpu.memory_space<vmem_shared>> -> memref<80x128xf32, #tpu.memory_space<vmem_shared>>
    %dma_wait3A_106 = arith.constant 0 : i32
    %dma_wait3A_107 = tpu.memref_slice %arg15[%add3A_34, %dma_wait3A_106] : memref<10240x128xf32, #tpu.memory_space<vmem_shared>> -> memref<80x128xf32, #tpu.memory_space<vmem_shared>>
    tpu.wait_dma2 semaphore(%arg28 : memref<!tpu.dma_semaphore, #tpu.memory_space<semaphore_mem>>) src(%arg12 : memref<80x128xf32, #tpu.memory_space<vmem>>) dst(%dma_wait3A_107 : memref<80x128xf32, #tpu.memory_space<vmem_shared>>)
    %dma_wait3A_108 = arith.constant 0 : i32
    %dma_wait3A_109 = tpu.memref_slice %arg15[%add3A_42, %dma_wait3A_108] : memref<10240x128xf32, #tpu.memory_space<vmem_shared>> -> memref<80x128xf32, #tpu.memory_space<vmem_shared>>
    %dma_wait3A_110 = arith.constant 0 : i32
    %dma_wait3A_111 = tpu.memref_slice %arg15[%add3A_42, %dma_wait3A_110] : memref<10240x128xf32, #tpu.memory_space<vmem_shared>> -> memref<80x128xf32, #tpu.memory_space<vmem_shared>>
    tpu.wait_dma2 semaphore(%arg28 : memref<!tpu.dma_semaphore, #tpu.memory_space<semaphore_mem>>) src(%arg12 : memref<80x128xf32, #tpu.memory_space<vmem>>) dst(%dma_wait3A_111 : memref<80x128xf32, #tpu.memory_space<vmem_shared>>)
    %dma_wait3A_112 = arith.constant 0 : i32
    %dma_wait3A_113 = tpu.memref_slice %arg15[%add3A_50, %dma_wait3A_112] : memref<10240x128xf32, #tpu.memory_space<vmem_shared>> -> memref<80x128xf32, #tpu.memory_space<vmem_shared>>
    %dma_wait3A_114 = arith.constant 0 : i32
    %dma_wait3A_115 = tpu.memref_slice %arg15[%add3A_50, %dma_wait3A_114] : memref<10240x128xf32, #tpu.memory_space<vmem_shared>> -> memref<80x128xf32, #tpu.memory_space<vmem_shared>>
    tpu.wait_dma2 semaphore(%arg28 : memref<!tpu.dma_semaphore, #tpu.memory_space<semaphore_mem>>) src(%arg12 : memref<80x128xf32, #tpu.memory_space<vmem>>) dst(%dma_wait3A_115 : memref<80x128xf32, #tpu.memory_space<vmem_shared>>)
    %dma_wait3A_116 = arith.constant 0 : i32
    %dma_wait3A_117 = tpu.memref_slice %arg15[%add3A_58, %dma_wait3A_116] : memref<10240x128xf32, #tpu.memory_space<vmem_shared>> -> memref<80x128xf32, #tpu.memory_space<vmem_shared>>
    %dma_wait3A_118 = arith.constant 0 : i32
    %dma_wait3A_119 = tpu.memref_slice %arg15[%add3A_58, %dma_wait3A_118] : memref<10240x128xf32, #tpu.memory_space<vmem_shared>> -> memref<80x128xf32, #tpu.memory_space<vmem_shared>>
    tpu.wait_dma2 semaphore(%arg28 : memref<!tpu.dma_semaphore, #tpu.memory_space<semaphore_mem>>) src(%arg12 : memref<80x128xf32, #tpu.memory_space<vmem>>) dst(%dma_wait3A_119 : memref<80x128xf32, #tpu.memory_space<vmem_shared>>)
    %dma_wait3A_120 = arith.constant 0 : i32
    %dma_wait3A_121 = tpu.memref_slice %arg15[%add3A_66, %dma_wait3A_120] : memref<10240x128xf32, #tpu.memory_space<vmem_shared>> -> memref<80x128xf32, #tpu.memory_space<vmem_shared>>
    %dma_wait3A_122 = arith.constant 0 : i32
    %dma_wait3A_123 = tpu.memref_slice %arg15[%add3A_66, %dma_wait3A_122] : memref<10240x128xf32, #tpu.memory_space<vmem_shared>> -> memref<80x128xf32, #tpu.memory_space<vmem_shared>>
    tpu.wait_dma2 semaphore(%arg28 : memref<!tpu.dma_semaphore, #tpu.memory_space<semaphore_mem>>) src(%arg12 : memref<80x128xf32, #tpu.memory_space<vmem>>) dst(%dma_wait3A_123 : memref<80x128xf32, #tpu.memory_space<vmem_shared>>)
    %dma_wait3A_124 = arith.constant 0 : i32
    %dma_wait3A_125 = tpu.memref_slice %arg15[%add3A_74, %dma_wait3A_124] : memref<10240x128xf32, #tpu.memory_space<vmem_shared>> -> memref<80x128xf32, #tpu.memory_space<vmem_shared>>
    %dma_wait3A_126 = arith.constant 0 : i32
    %dma_wait3A_127 = tpu.memref_slice %arg15[%add3A_74, %dma_wait3A_126] : memref<10240x128xf32, #tpu.memory_space<vmem_shared>> -> memref<80x128xf32, #tpu.memory_space<vmem_shared>>
    tpu.wait_dma2 semaphore(%arg28 : memref<!tpu.dma_semaphore, #tpu.memory_space<semaphore_mem>>) src(%arg12 : memref<80x128xf32, #tpu.memory_space<vmem>>) dst(%dma_wait3A_127 : memref<80x128xf32, #tpu.memory_space<vmem_shared>>)
    %dma_wait3A_128 = arith.constant 0 : i32
    %dma_wait3A_129 = tpu.memref_slice %arg15[%add3A_82, %dma_wait3A_128] : memref<10240x128xf32, #tpu.memory_space<vmem_shared>> -> memref<80x128xf32, #tpu.memory_space<vmem_shared>>
    %dma_wait3A_130 = arith.constant 0 : i32
    %dma_wait3A_131 = tpu.memref_slice %arg15[%add3A_82, %dma_wait3A_130] : memref<10240x128xf32, #tpu.memory_space<vmem_shared>> -> memref<80x128xf32, #tpu.memory_space<vmem_shared>>
    tpu.wait_dma2 semaphore(%arg28 : memref<!tpu.dma_semaphore, #tpu.memory_space<semaphore_mem>>) src(%arg12 : memref<80x128xf32, #tpu.memory_space<vmem>>) dst(%dma_wait3A_131 : memref<80x128xf32, #tpu.memory_space<vmem_shared>>)
    %dma_wait3A_132 = arith.constant 0 : i32
    %dma_wait3A_133 = tpu.memref_slice %arg15[%add3A_90, %dma_wait3A_132] : memref<10240x128xf32, #tpu.memory_space<vmem_shared>> -> memref<80x128xf32, #tpu.memory_space<vmem_shared>>
    %dma_wait3A_134 = arith.constant 0 : i32
    %dma_wait3A_135 = tpu.memref_slice %arg15[%add3A_90, %dma_wait3A_134] : memref<10240x128xf32, #tpu.memory_space<vmem_shared>> -> memref<80x128xf32, #tpu.memory_space<vmem_shared>>
    tpu.wait_dma2 semaphore(%arg28 : memref<!tpu.dma_semaphore, #tpu.memory_space<semaphore_mem>>) src(%arg12 : memref<80x128xf32, #tpu.memory_space<vmem>>) dst(%dma_wait3A_135 : memref<80x128xf32, #tpu.memory_space<vmem_shared>>)
    %dma_wait3A_136 = tpu.memref_slice %arg3[%add3A_4] : memref<322560xi32, #tpu.memory_space<hbm>> -> memref<80xi32, #tpu.memory_space<hbm>>
    %dma_wait3A_137 = tpu.memref_slice %arg3[%add3A_4] : memref<322560xi32, #tpu.memory_space<hbm>> -> memref<80xi32, #tpu.memory_space<hbm>>
    tpu.wait_dma2 semaphore(%arg16 : memref<!tpu.dma_semaphore, #tpu.memory_space<semaphore_mem>>) src(%dma_wait3A_137 : memref<80xi32, #tpu.memory_space<hbm>>) dst(%arg6 : memref<80xi32, #tpu.memory_space<vmem>>)
    %dma_start3A_138 = arith.constant 0 : i32
    %dma_start3A_139 = arith.constant 0 : i32
    %dma_start3A_140 = tpu.memref_slice %arg2[%dma_start3A_138, %dma_start3A_139] : memref<10000x128xf32, #tpu.memory_space<hbm>> -> memref<10000x128xf32, #tpu.memory_space<hbm>>
    tpu.enqueue_indirect_dma source(%dma_start3A_140 : memref<10000x128xf32, #tpu.memory_space<hbm>>) target(%arg12 : memref<80x128xf32, #tpu.memory_space<vmem>>) offsets(%arg6 : memref<80xi32, #tpu.memory_space<vmem>>) semaphore(%arg22 : memref<!tpu.dma_semaphore, #tpu.memory_space<semaphore_mem>>)
    %barrier3A = arith.constant 0 : index
    tpu.barrier barrier_id(%barrier3A)
    %dma_wait3A_141 = arith.constant 0 : i32
    %dma_wait3A_142 = arith.constant 0 : i32
    %dma_wait3A_143 = tpu.memref_slice %arg2[%dma_wait3A_141, %dma_wait3A_142] : memref<10000x128xf32, #tpu.memory_space<hbm>> -> memref<10000x128xf32, #tpu.memory_space<hbm>>
    tpu.wait_indirect_dma semaphore(%arg22 : memref<!tpu.dma_semaphore, #tpu.memory_space<semaphore_mem>>) src(%dma_wait3A_143 : memref<10000x128xf32, #tpu.memory_space<hbm>>) dst(%arg12 : memref<80x128xf32, #tpu.memory_space<vmem>>)
    %dma_wait3A_144 = tpu.memref_slice %arg4[%add3A_7] : memref<322560xi32, #tpu.memory_space<hbm>> -> memref<80xi32, #tpu.memory_space<hbm>>
    %dma_wait3A_145 = tpu.memref_slice %arg4[%add3A_7] : memref<322560xi32, #tpu.memory_space<hbm>> -> memref<80xi32, #tpu.memory_space<hbm>>
    tpu.wait_dma2 semaphore(%arg17 : memref<!tpu.dma_semaphore, #tpu.memory_space<semaphore_mem>>) src(%dma_wait3A_145 : memref<80xi32, #tpu.memory_space<hbm>>) dst(%arg9 : memref<80xi32, #tpu.memory_space<vmem>>)
    %dma_start3A_146 = arith.constant 0 : i32
    %dma_start3A_147 = arith.constant 0 : i32
    %dma_start3A_148 = tpu.memref_slice %arg15[%dma_start3A_146, %dma_start3A_147] : memref<10240x128xf32, #tpu.memory_space<vmem_shared>> -> memref<10240x128xf32, #tpu.memory_space<vmem_shared>>
    tpu.enqueue_indirect_dma source(%arg12 : memref<80x128xf32, #tpu.memory_space<vmem>>) target(%dma_start3A_148 : memref<10240x128xf32, #tpu.memory_space<vmem_shared>>) offsets(%arg9 : memref<80xi32, #tpu.memory_space<vmem>>) semaphore(%arg25 : memref<!tpu.dma_semaphore, #tpu.memory_space<semaphore_mem>>) {add = true}
    %dma_wait3A_149 = arith.constant 0 : i32
    %dma_wait3A_150 = arith.constant 0 : i32
    %dma_wait3A_151 = tpu.memref_slice %arg2[%dma_wait3A_149, %dma_wait3A_150] : memref<10000x128xf32, #tpu.memory_space<hbm>> -> memref<10000x128xf32, #tpu.memory_space<hbm>>
    tpu.wait_indirect_dma semaphore(%arg23 : memref<!tpu.dma_semaphore, #tpu.memory_space<semaphore_mem>>) src(%dma_wait3A_151 : memref<10000x128xf32, #tpu.memory_space<hbm>>) dst(%arg13 : memref<80x128xf32, #tpu.memory_space<vmem>>)
    %dma_wait3A_152 = tpu.memref_slice %arg4[%add3A_15] : memref<322560xi32, #tpu.memory_space<hbm>> -> memref<80xi32, #tpu.memory_space<hbm>>
    %dma_wait3A_153 = tpu.memref_slice %arg4[%add3A_15] : memref<322560xi32, #tpu.memory_space<hbm>> -> memref<80xi32, #tpu.memory_space<hbm>>
    tpu.wait_dma2 semaphore(%arg19 : memref<!tpu.dma_semaphore, #tpu.memory_space<semaphore_mem>>) src(%dma_wait3A_153 : memref<80xi32, #tpu.memory_space<hbm>>) dst(%arg10 : memref<80xi32, #tpu.memory_space<vmem>>)
    %dma_start3A_154 = arith.constant 0 : i32
    %dma_start3A_155 = arith.constant 0 : i32
    %dma_start3A_156 = tpu.memref_slice %arg15[%dma_start3A_154, %dma_start3A_155] : memref<10240x128xf32, #tpu.memory_space<vmem_shared>> -> memref<10240x128xf32, #tpu.memory_space<vmem_shared>>
    tpu.enqueue_indirect_dma source(%arg13 : memref<80x128xf32, #tpu.memory_space<vmem>>) target(%dma_start3A_156 : memref<10240x128xf32, #tpu.memory_space<vmem_shared>>) offsets(%arg10 : memref<80xi32, #tpu.memory_space<vmem>>) semaphore(%arg26 : memref<!tpu.dma_semaphore, #tpu.memory_space<semaphore_mem>>) {add = true}
    %dma_wait3A_157 = arith.constant 0 : i32
    %dma_wait3A_158 = arith.constant 0 : i32
    %dma_wait3A_159 = tpu.memref_slice %arg2[%dma_wait3A_157, %dma_wait3A_158] : memref<10000x128xf32, #tpu.memory_space<hbm>> -> memref<10000x128xf32, #tpu.memory_space<hbm>>
    tpu.wait_indirect_dma semaphore(%arg24 : memref<!tpu.dma_semaphore, #tpu.memory_space<semaphore_mem>>) src(%dma_wait3A_159 : memref<10000x128xf32, #tpu.memory_space<hbm>>) dst(%arg14 : memref<80x128xf32, #tpu.memory_space<vmem>>)
    %dma_wait3A_160 = tpu.memref_slice %arg4[%add3A_23] : memref<322560xi32, #tpu.memory_space<hbm>> -> memref<80xi32, #tpu.memory_space<hbm>>
    %dma_wait3A_161 = tpu.memref_slice %arg4[%add3A_23] : memref<322560xi32, #tpu.memory_space<hbm>> -> memref<80xi32, #tpu.memory_space<hbm>>
    tpu.wait_dma2 semaphore(%arg21 : memref<!tpu.dma_semaphore, #tpu.memory_space<semaphore_mem>>) src(%dma_wait3A_161 : memref<80xi32, #tpu.memory_space<hbm>>) dst(%arg11 : memref<80xi32, #tpu.memory_space<vmem>>)
    %dma_start3A_162 = arith.constant 0 : i32
    %dma_start3A_163 = arith.constant 0 : i32
    %dma_start3A_164 = tpu.memref_slice %arg15[%dma_start3A_162, %dma_start3A_163] : memref<10240x128xf32, #tpu.memory_space<vmem_shared>> -> memref<10240x128xf32, #tpu.memory_space<vmem_shared>>
    tpu.enqueue_indirect_dma source(%arg14 : memref<80x128xf32, #tpu.memory_space<vmem>>) target(%dma_start3A_164 : memref<10240x128xf32, #tpu.memory_space<vmem_shared>>) offsets(%arg11 : memref<80xi32, #tpu.memory_space<vmem>>) semaphore(%arg27 : memref<!tpu.dma_semaphore, #tpu.memory_space<semaphore_mem>>) {add = true}
    %scan3A_165 = arith.constant 0 : i32
    %scan3A_166 = arith.constant 1 : i32
    %scan3A_167 = arith.constant 41 : i32
    %scan3A_168 = arith.addi %scan3A_166, %scan3A_167 : i32
    %scan3A_169 = arith.constant 1 : i32
    scf.for %scan3A_185 = %scan3A_166 to %scan3A_168 step %scan3A_169  : i32 {
      %mul3A_186 = arith.constant 10080 : i32
      %mul3A_187 = arith.muli %add3A, %mul3A_186 : i32
      %mul3A_188 = arith.constant 3 : i32
      %mul3A_189 = arith.muli %mul3A_188, %scan3A_185 : i32
      %mul3A_190 = arith.constant 80 : i32
      %mul3A_191 = arith.muli %mul3A_189, %mul3A_190 : i32
      %add3A_192 = arith.addi %mul3A_187, %mul3A_191 : i32
      %dma_wait3A_193 = arith.constant 0 : i32
      %dma_wait3A_194 = arith.constant 0 : i32
      %dma_wait3A_195 = tpu.memref_slice %arg15[%dma_wait3A_193, %dma_wait3A_194] : memref<10240x128xf32, #tpu.memory_space<vmem_shared>> -> memref<10240x128xf32, #tpu.memory_space<vmem_shared>>
      tpu.wait_indirect_dma semaphore(%arg25 : memref<!tpu.dma_semaphore, #tpu.memory_space<semaphore_mem>>) src(%arg12 : memref<80x128xf32, #tpu.memory_space<vmem>>) dst(%dma_wait3A_195 : memref<10240x128xf32, #tpu.memory_space<vmem_shared>>)
      %add3A_196 = arith.constant 0 : i32
      %add3A_197 = arith.addi %add3A_192, %add3A_196 : i32
      %dma_start3A_198 = tpu.memref_slice %arg3[%add3A_197] : memref<322560xi32, #tpu.memory_space<hbm>> -> memref<80xi32, #tpu.memory_space<hbm>>
      %dma_start3A_199 = tpu.memref_slice %arg3[%add3A_197] : memref<322560xi32, #tpu.memory_space<hbm>> -> memref<80xi32, #tpu.memory_space<hbm>>
      tpu.enqueue_dma source(%dma_start3A_199 : memref<80xi32, #tpu.memory_space<hbm>>) target(%arg6 : memref<80xi32, #tpu.memory_space<vmem>>) target_semaphore(%arg16 : memref<!tpu.dma_semaphore, #tpu.memory_space<semaphore_mem>>)
      %add3A_200 = arith.constant 0 : i32
      %add3A_201 = arith.addi %add3A_192, %add3A_200 : i32
      %dma_start3A_202 = tpu.memref_slice %arg4[%add3A_201] : memref<322560xi32, #tpu.memory_space<hbm>> -> memref<80xi32, #tpu.memory_space<hbm>>
      %dma_start3A_203 = tpu.memref_slice %arg4[%add3A_201] : memref<322560xi32, #tpu.memory_space<hbm>> -> memref<80xi32, #tpu.memory_space<hbm>>
      tpu.enqueue_dma source(%dma_start3A_203 : memref<80xi32, #tpu.memory_space<hbm>>) target(%arg9 : memref<80xi32, #tpu.memory_space<vmem>>) target_semaphore(%arg17 : memref<!tpu.dma_semaphore, #tpu.memory_space<semaphore_mem>>)
      %dma_wait3A_204 = arith.constant 0 : i32
      %dma_wait3A_205 = arith.constant 0 : i32
      %dma_wait3A_206 = tpu.memref_slice %arg15[%dma_wait3A_204, %dma_wait3A_205] : memref<10240x128xf32, #tpu.memory_space<vmem_shared>> -> memref<10240x128xf32, #tpu.memory_space<vmem_shared>>
      tpu.wait_indirect_dma semaphore(%arg26 : memref<!tpu.dma_semaphore, #tpu.memory_space<semaphore_mem>>) src(%arg13 : memref<80x128xf32, #tpu.memory_space<vmem>>) dst(%dma_wait3A_206 : memref<10240x128xf32, #tpu.memory_space<vmem_shared>>)
      %add3A_207 = arith.constant 80 : i32
      %add3A_208 = arith.addi %add3A_192, %add3A_207 : i32
      %dma_start3A_209 = tpu.memref_slice %arg3[%add3A_208] : memref<322560xi32, #tpu.memory_space<hbm>> -> memref<80xi32, #tpu.memory_space<hbm>>
      %dma_start3A_210 = tpu.memref_slice %arg3[%add3A_208] : memref<322560xi32, #tpu.memory_space<hbm>> -> memref<80xi32, #tpu.memory_space<hbm>>
      tpu.enqueue_dma source(%dma_start3A_210 : memref<80xi32, #tpu.memory_space<hbm>>) target(%arg7 : memref<80xi32, #tpu.memory_space<vmem>>) target_semaphore(%arg18 : memref<!tpu.dma_semaphore, #tpu.memory_space<semaphore_mem>>)
      %add3A_211 = arith.constant 80 : i32
      %add3A_212 = arith.addi %add3A_192, %add3A_211 : i32
      %dma_start3A_213 = tpu.memref_slice %arg4[%add3A_212] : memref<322560xi32, #tpu.memory_space<hbm>> -> memref<80xi32, #tpu.memory_space<hbm>>
      %dma_start3A_214 = tpu.memref_slice %arg4[%add3A_212] : memref<322560xi32, #tpu.memory_space<hbm>> -> memref<80xi32, #tpu.memory_space<hbm>>
      tpu.enqueue_dma source(%dma_start3A_214 : memref<80xi32, #tpu.memory_space<hbm>>) target(%arg10 : memref<80xi32, #tpu.memory_space<vmem>>) target_semaphore(%arg19 : memref<!tpu.dma_semaphore, #tpu.memory_space<semaphore_mem>>)
      %dma_wait3A_215 = arith.constant 0 : i32
      %dma_wait3A_216 = arith.constant 0 : i32
      %dma_wait3A_217 = tpu.memref_slice %arg15[%dma_wait3A_215, %dma_wait3A_216] : memref<10240x128xf32, #tpu.memory_space<vmem_shared>> -> memref<10240x128xf32, #tpu.memory_space<vmem_shared>>
      tpu.wait_indirect_dma semaphore(%arg27 : memref<!tpu.dma_semaphore, #tpu.memory_space<semaphore_mem>>) src(%arg14 : memref<80x128xf32, #tpu.memory_space<vmem>>) dst(%dma_wait3A_217 : memref<10240x128xf32, #tpu.memory_space<vmem_shared>>)
      %add3A_218 = arith.constant 160 : i32
      %add3A_219 = arith.addi %add3A_192, %add3A_218 : i32
      %dma_start3A_220 = tpu.memref_slice %arg3[%add3A_219] : memref<322560xi32, #tpu.memory_space<hbm>> -> memref<80xi32, #tpu.memory_space<hbm>>
      %dma_start3A_221 = tpu.memref_slice %arg3[%add3A_219] : memref<322560xi32, #tpu.memory_space<hbm>> -> memref<80xi32, #tpu.memory_space<hbm>>
      tpu.enqueue_dma source(%dma_start3A_221 : memref<80xi32, #tpu.memory_space<hbm>>) target(%arg8 : memref<80xi32, #tpu.memory_space<vmem>>) target_semaphore(%arg20 : memref<!tpu.dma_semaphore, #tpu.memory_space<semaphore_mem>>)
      %add3A_222 = arith.constant 160 : i32
      %add3A_223 = arith.addi %add3A_192, %add3A_222 : i32
      %dma_start3A_224 = tpu.memref_slice %arg4[%add3A_223] : memref<322560xi32, #tpu.memory_space<hbm>> -> memref<80xi32, #tpu.memory_space<hbm>>
      %dma_start3A_225 = tpu.memref_slice %arg4[%add3A_223] : memref<322560xi32, #tpu.memory_space<hbm>> -> memref<80xi32, #tpu.memory_space<hbm>>
      tpu.enqueue_dma source(%dma_start3A_225 : memref<80xi32, #tpu.memory_space<hbm>>) target(%arg11 : memref<80xi32, #tpu.memory_space<vmem>>) target_semaphore(%arg21 : memref<!tpu.dma_semaphore, #tpu.memory_space<semaphore_mem>>)
      %dma_wait3A_226 = tpu.memref_slice %arg3[%add3A_197] : memref<322560xi32, #tpu.memory_space<hbm>> -> memref<80xi32, #tpu.memory_space<hbm>>
      %dma_wait3A_227 = tpu.memref_slice %arg3[%add3A_197] : memref<322560xi32, #tpu.memory_space<hbm>> -> memref<80xi32, #tpu.memory_space<hbm>>
      tpu.wait_dma2 semaphore(%arg16 : memref<!tpu.dma_semaphore, #tpu.memory_space<semaphore_mem>>) src(%dma_wait3A_227 : memref<80xi32, #tpu.memory_space<hbm>>) dst(%arg6 : memref<80xi32, #tpu.memory_space<vmem>>)
      %dma_start3A_228 = arith.constant 0 : i32
      %dma_start3A_229 = arith.constant 0 : i32
      %dma_start3A_230 = tpu.memref_slice %arg2[%dma_start3A_228, %dma_start3A_229] : memref<10000x128xf32, #tpu.memory_space<hbm>> -> memref<10000x128xf32, #tpu.memory_space<hbm>>
      tpu.enqueue_indirect_dma source(%dma_start3A_230 : memref<10000x128xf32, #tpu.memory_space<hbm>>) target(%arg12 : memref<80x128xf32, #tpu.memory_space<vmem>>) offsets(%arg6 : memref<80xi32, #tpu.memory_space<vmem>>) semaphore(%arg22 : memref<!tpu.dma_semaphore, #tpu.memory_space<semaphore_mem>>)
      %dma_wait3A_231 = tpu.memref_slice %arg3[%add3A_208] : memref<322560xi32, #tpu.memory_space<hbm>> -> memref<80xi32, #tpu.memory_space<hbm>>
      %dma_wait3A_232 = tpu.memref_slice %arg3[%add3A_208] : memref<322560xi32, #tpu.memory_space<hbm>> -> memref<80xi32, #tpu.memory_space<hbm>>
      tpu.wait_dma2 semaphore(%arg18 : memref<!tpu.dma_semaphore, #tpu.memory_space<semaphore_mem>>) src(%dma_wait3A_232 : memref<80xi32, #tpu.memory_space<hbm>>) dst(%arg7 : memref<80xi32, #tpu.memory_space<vmem>>)
      %dma_start3A_233 = arith.constant 0 : i32
      %dma_start3A_234 = arith.constant 0 : i32
      %dma_start3A_235 = tpu.memref_slice %arg2[%dma_start3A_233, %dma_start3A_234] : memref<10000x128xf32, #tpu.memory_space<hbm>> -> memref<10000x128xf32, #tpu.memory_space<hbm>>
      tpu.enqueue_indirect_dma source(%dma_start3A_235 : memref<10000x128xf32, #tpu.memory_space<hbm>>) target(%arg13 : memref<80x128xf32, #tpu.memory_space<vmem>>) offsets(%arg7 : memref<80xi32, #tpu.memory_space<vmem>>) semaphore(%arg23 : memref<!tpu.dma_semaphore, #tpu.memory_space<semaphore_mem>>)
      %dma_wait3A_236 = tpu.memref_slice %arg3[%add3A_219] : memref<322560xi32, #tpu.memory_space<hbm>> -> memref<80xi32, #tpu.memory_space<hbm>>
      %dma_wait3A_237 = tpu.memref_slice %arg3[%add3A_219] : memref<322560xi32, #tpu.memory_space<hbm>> -> memref<80xi32, #tpu.memory_space<hbm>>
      tpu.wait_dma2 semaphore(%arg20 : memref<!tpu.dma_semaphore, #tpu.memory_space<semaphore_mem>>) src(%dma_wait3A_237 : memref<80xi32, #tpu.memory_space<hbm>>) dst(%arg8 : memref<80xi32, #tpu.memory_space<vmem>>)
      %dma_start3A_238 = arith.constant 0 : i32
      %dma_start3A_239 = arith.constant 0 : i32
      %dma_start3A_240 = tpu.memref_slice %arg2[%dma_start3A_238, %dma_start3A_239] : memref<10000x128xf32, #tpu.memory_space<hbm>> -> memref<10000x128xf32, #tpu.memory_space<hbm>>
      tpu.enqueue_indirect_dma source(%dma_start3A_240 : memref<10000x128xf32, #tpu.memory_space<hbm>>) target(%arg14 : memref<80x128xf32, #tpu.memory_space<vmem>>) offsets(%arg8 : memref<80xi32, #tpu.memory_space<vmem>>) semaphore(%arg24 : memref<!tpu.dma_semaphore, #tpu.memory_space<semaphore_mem>>)
      %dma_wait3A_241 = arith.constant 0 : i32
      %dma_wait3A_242 = arith.constant 0 : i32
      %dma_wait3A_243 = tpu.memref_slice %arg2[%dma_wait3A_241, %dma_wait3A_242] : memref<10000x128xf32, #tpu.memory_space<hbm>> -> memref<10000x128xf32, #tpu.memory_space<hbm>>
      tpu.wait_indirect_dma semaphore(%arg22 : memref<!tpu.dma_semaphore, #tpu.memory_space<semaphore_mem>>) src(%dma_wait3A_243 : memref<10000x128xf32, #tpu.memory_space<hbm>>) dst(%arg12 : memref<80x128xf32, #tpu.memory_space<vmem>>)
      %dma_wait3A_244 = tpu.memref_slice %arg4[%add3A_201] : memref<322560xi32, #tpu.memory_space<hbm>> -> memref<80xi32, #tpu.memory_space<hbm>>
      %dma_wait3A_245 = tpu.memref_slice %arg4[%add3A_201] : memref<322560xi32, #tpu.memory_space<hbm>> -> memref<80xi32, #tpu.memory_space<hbm>>
      tpu.wait_dma2 semaphore(%arg17 : memref<!tpu.dma_semaphore, #tpu.memory_space<semaphore_mem>>) src(%dma_wait3A_245 : memref<80xi32, #tpu.memory_space<hbm>>) dst(%arg9 : memref<80xi32, #tpu.memory_space<vmem>>)
      %dma_start3A_246 = arith.constant 0 : i32
      %dma_start3A_247 = arith.constant 0 : i32
      %dma_start3A_248 = tpu.memref_slice %arg15[%dma_start3A_246, %dma_start3A_247] : memref<10240x128xf32, #tpu.memory_space<vmem_shared>> -> memref<10240x128xf32, #tpu.memory_space<vmem_shared>>
      tpu.enqueue_indirect_dma source(%arg12 : memref<80x128xf32, #tpu.memory_space<vmem>>) target(%dma_start3A_248 : memref<10240x128xf32, #tpu.memory_space<vmem_shared>>) offsets(%arg9 : memref<80xi32, #tpu.memory_space<vmem>>) semaphore(%arg25 : memref<!tpu.dma_semaphore, #tpu.memory_space<semaphore_mem>>) {add = true}
      %dma_wait3A_249 = arith.constant 0 : i32
      %dma_wait3A_250 = arith.constant 0 : i32
      %dma_wait3A_251 = tpu.memref_slice %arg2[%dma_wait3A_249, %dma_wait3A_250] : memref<10000x128xf32, #tpu.memory_space<hbm>> -> memref<10000x128xf32, #tpu.memory_space<hbm>>
      tpu.wait_indirect_dma semaphore(%arg23 : memref<!tpu.dma_semaphore, #tpu.memory_space<semaphore_mem>>) src(%dma_wait3A_251 : memref<10000x128xf32, #tpu.memory_space<hbm>>) dst(%arg13 : memref<80x128xf32, #tpu.memory_space<vmem>>)
      %dma_wait3A_252 = tpu.memref_slice %arg4[%add3A_212] : memref<322560xi32, #tpu.memory_space<hbm>> -> memref<80xi32, #tpu.memory_space<hbm>>
      %dma_wait3A_253 = tpu.memref_slice %arg4[%add3A_212] : memref<322560xi32, #tpu.memory_space<hbm>> -> memref<80xi32, #tpu.memory_space<hbm>>
      tpu.wait_dma2 semaphore(%arg19 : memref<!tpu.dma_semaphore, #tpu.memory_space<semaphore_mem>>) src(%dma_wait3A_253 : memref<80xi32, #tpu.memory_space<hbm>>) dst(%arg10 : memref<80xi32, #tpu.memory_space<vmem>>)
      %dma_start3A_254 = arith.constant 0 : i32
      %dma_start3A_255 = arith.constant 0 : i32
      %dma_start3A_256 = tpu.memref_slice %arg15[%dma_start3A_254, %dma_start3A_255] : memref<10240x128xf32, #tpu.memory_space<vmem_shared>> -> memref<10240x128xf32, #tpu.memory_space<vmem_shared>>
      tpu.enqueue_indirect_dma source(%arg13 : memref<80x128xf32, #tpu.memory_space<vmem>>) target(%dma_start3A_256 : memref<10240x128xf32, #tpu.memory_space<vmem_shared>>) offsets(%arg10 : memref<80xi32, #tpu.memory_space<vmem>>) semaphore(%arg26 : memref<!tpu.dma_semaphore, #tpu.memory_space<semaphore_mem>>) {add = true}
      %dma_wait3A_257 = arith.constant 0 : i32
      %dma_wait3A_258 = arith.constant 0 : i32
      %dma_wait3A_259 = tpu.memref_slice %arg2[%dma_wait3A_257, %dma_wait3A_258] : memref<10000x128xf32, #tpu.memory_space<hbm>> -> memref<10000x128xf32, #tpu.memory_space<hbm>>
      tpu.wait_indirect_dma semaphore(%arg24 : memref<!tpu.dma_semaphore, #tpu.memory_space<semaphore_mem>>) src(%dma_wait3A_259 : memref<10000x128xf32, #tpu.memory_space<hbm>>) dst(%arg14 : memref<80x128xf32, #tpu.memory_space<vmem>>)
      %dma_wait3A_260 = tpu.memref_slice %arg4[%add3A_223] : memref<322560xi32, #tpu.memory_space<hbm>> -> memref<80xi32, #tpu.memory_space<hbm>>
      %dma_wait3A_261 = tpu.memref_slice %arg4[%add3A_223] : memref<322560xi32, #tpu.memory_space<hbm>> -> memref<80xi32, #tpu.memory_space<hbm>>
      tpu.wait_dma2 semaphore(%arg21 : memref<!tpu.dma_semaphore, #tpu.memory_space<semaphore_mem>>) src(%dma_wait3A_261 : memref<80xi32, #tpu.memory_space<hbm>>) dst(%arg11 : memref<80xi32, #tpu.memory_space<vmem>>)
      %dma_start3A_262 = arith.constant 0 : i32
      %dma_start3A_263 = arith.constant 0 : i32
      %dma_start3A_264 = tpu.memref_slice %arg15[%dma_start3A_262, %dma_start3A_263] : memref<10240x128xf32, #tpu.memory_space<vmem_shared>> -> memref<10240x128xf32, #tpu.memory_space<vmem_shared>>
      tpu.enqueue_indirect_dma source(%arg14 : memref<80x128xf32, #tpu.memory_space<vmem>>) target(%dma_start3A_264 : memref<10240x128xf32, #tpu.memory_space<vmem_shared>>) offsets(%arg11 : memref<80xi32, #tpu.memory_space<vmem>>) semaphore(%arg27 : memref<!tpu.dma_semaphore, #tpu.memory_space<semaphore_mem>>) {add = true}
    }
    %scan3A_170 = arith.constant 41 : i32
    %dma_wait3A_171 = arith.constant 0 : i32
    %dma_wait3A_172 = arith.constant 0 : i32
    %dma_wait3A_173 = tpu.memref_slice %arg15[%dma_wait3A_171, %dma_wait3A_172] : memref<10240x128xf32, #tpu.memory_space<vmem_shared>> -> memref<10240x128xf32, #tpu.memory_space<vmem_shared>>
    tpu.wait_indirect_dma semaphore(%arg25 : memref<!tpu.dma_semaphore, #tpu.memory_space<semaphore_mem>>) src(%arg12 : memref<80x128xf32, #tpu.memory_space<vmem>>) dst(%dma_wait3A_173 : memref<10240x128xf32, #tpu.memory_space<vmem_shared>>)
    %dma_wait3A_174 = arith.constant 0 : i32
    %dma_wait3A_175 = arith.constant 0 : i32
    %dma_wait3A_176 = tpu.memref_slice %arg15[%dma_wait3A_174, %dma_wait3A_175] : memref<10240x128xf32, #tpu.memory_space<vmem_shared>> -> memref<10240x128xf32, #tpu.memory_space<vmem_shared>>
    tpu.wait_indirect_dma semaphore(%arg26 : memref<!tpu.dma_semaphore, #tpu.memory_space<semaphore_mem>>) src(%arg13 : memref<80x128xf32, #tpu.memory_space<vmem>>) dst(%dma_wait3A_176 : memref<10240x128xf32, #tpu.memory_space<vmem_shared>>)
    %dma_wait3A_177 = arith.constant 0 : i32
    %dma_wait3A_178 = arith.constant 0 : i32
    %dma_wait3A_179 = tpu.memref_slice %arg15[%dma_wait3A_177, %dma_wait3A_178] : memref<10240x128xf32, #tpu.memory_space<vmem_shared>> -> memref<10240x128xf32, #tpu.memory_space<vmem_shared>>
    tpu.wait_indirect_dma semaphore(%arg27 : memref<!tpu.dma_semaphore, #tpu.memory_space<semaphore_mem>>) src(%arg14 : memref<80x128xf32, #tpu.memory_space<vmem>>) dst(%dma_wait3A_179 : memref<10240x128xf32, #tpu.memory_space<vmem_shared>>)
    %barrier3A_180 = arith.constant 0 : index
    tpu.barrier barrier_id(%barrier3A_180)
    %mul3A_181 = arith.constant 640 : i32
    %mul3A_182 = arith.muli %arg1, %mul3A_181 : i32
    %mul3A_183 = arith.constant 640 : i32
    %mul3A_184 = arith.muli %arg1, %mul3A_183 : i32
    "tpu.region"() ({
      %run_scoped3A = tpu.sem_alloc : memref<!tpu.dma_semaphore, #tpu.memory_space<semaphore_mem>>
      %dma_start3A_185 = arith.constant 0 : i32
      %dma_start3A_186 = tpu.memref_slice %arg5[%arg0, %mul3A_184, %dma_start3A_185] : memref<2x10240x128xf32, #tpu.memory_space<hbm>> -> memref<1x640x128xf32, #tpu.memory_space<hbm>>
      %dma_start3A_187 = tpu.memref_squeeze %dma_start3A_186 : memref<1x640x128xf32, #tpu.memory_space<hbm>> -> memref<640x128xf32, #tpu.memory_space<hbm>>
      %dma_start3A_188 = arith.constant 0 : i32
      %dma_start3A_189 = tpu.memref_slice %arg15[%mul3A_182, %dma_start3A_188] : memref<10240x128xf32, #tpu.memory_space<vmem_shared>> -> memref<640x128xf32, #tpu.memory_space<vmem_shared>>
      tpu.enqueue_dma source(%dma_start3A_189 : memref<640x128xf32, #tpu.memory_space<vmem_shared>>) target(%dma_start3A_187 : memref<640x128xf32, #tpu.memory_space<hbm>>) target_semaphore(%run_scoped3A : memref<!tpu.dma_semaphore, #tpu.memory_space<semaphore_mem>>)
      %dma_wait3A_190 = arith.constant 0 : i32
      %dma_wait3A_191 = tpu.memref_slice %arg5[%arg0, %mul3A_184, %dma_wait3A_190] : memref<2x10240x128xf32, #tpu.memory_space<hbm>> -> memref<1x640x128xf32, #tpu.memory_space<hbm>>
      %dma_wait3A_192 = tpu.memref_squeeze %dma_wait3A_191 : memref<1x640x128xf32, #tpu.memory_space<hbm>> -> memref<640x128xf32, #tpu.memory_space<hbm>>
      %dma_wait3A_193 = arith.constant 0 : i32
      %dma_wait3A_194 = tpu.memref_slice %arg15[%mul3A_182, %dma_wait3A_193] : memref<10240x128xf32, #tpu.memory_space<vmem_shared>> -> memref<640x128xf32, #tpu.memory_space<vmem_shared>>
      tpu.wait_dma2 semaphore(%run_scoped3A : memref<!tpu.dma_semaphore, #tpu.memory_space<semaphore_mem>>) src(%dma_wait3A_194 : memref<640x128xf32, #tpu.memory_space<vmem_shared>>) dst(%dma_wait3A_192 : memref<640x128xf32, #tpu.memory_space<hbm>>)
      tpu.yield
    }) : () -> ()
    return
  }
}

module attributes {stable_mosaic.version = 14 : i64} {
  func.func @_tc_pre_body(%arg0: i32, %arg1: memref<2000x32xf32, #tpu.memory_space<vmem>>, %arg2: memref<2000x128xf32, #tpu.memory_space<vmem>>, %arg3: memref<2000x1xf32, #tpu.memory_space<vmem>>, %arg4: memref<256x128xf32, #tpu.memory_space<vmem>>, %arg5: memref<128x128xf32, #tpu.memory_space<vmem>>, %arg6: memref<1x128xf32, #tpu.memory_space<vmem>>, %arg7: memref<128x128xf32, #tpu.memory_space<vmem>>, %arg8: memref<2000x128xf32, #tpu.memory_space<vmem>>, %arg9: memref<2000x1xf32, #tpu.memory_space<vmem>>) attributes {dimension_semantics = [#tpu.dimension_semantics<arbitrary>], iteration_bounds = array<i64: 5>, scalar_prefetch = 0 : i64, scratch_operands = 0 : i64, tpu.core_type = #tpu.core_type<tc>, window_params = [{transform_indices = @transform_0, window_bounds = array<i64: 2000, 32>}, {transform_indices = @transform_1, window_bounds = array<i64: 2000, 128>}, {transform_indices = @transform_2, window_bounds = array<i64: 2000, 1>}, {pipeline_mode = #tpu.pipeline_mode<synchronous>, transform_indices = @transform_3, window_bounds = array<i64: 256, 128>}, {pipeline_mode = #tpu.pipeline_mode<synchronous>, transform_indices = @transform_4, window_bounds = array<i64: 128, 128>}, {pipeline_mode = #tpu.pipeline_mode<synchronous>, transform_indices = @transform_5, window_bounds = array<i64: 1, 128>}, {pipeline_mode = #tpu.pipeline_mode<synchronous>, transform_indices = @transform_6, window_bounds = array<i64: 128, 128>}, {transform_indices = @transform_7, window_bounds = array<i64: 2000, 128>}, {transform_indices = @transform_8, window_bounds = array<i64: 2000, 1>}]} {
    %get3A = arith.constant 0 : index
    %get3A_0 = arith.constant 0 : index
    %get3A_1 = vector.load %arg1[%get3A, %get3A_0] : memref<2000x32xf32, #tpu.memory_space<vmem>>, vector<2000x32xf32>
    %reduce_sum3A = arith.constant dense<0.000000e+00> : vector<2000xf32>
    %reduce_sum3A_2 = vector.multi_reduction <add>, %get3A_1, %reduce_sum3A [1] : vector<2000x32xf32> to vector<2000xf32>
    %broadcast_in_dim3A = vector.shape_cast %reduce_sum3A_2 : vector<2000xf32> to vector<2000x1xf32>
    %add3A = arith.constant 1.000000e+00 : f32
    %add3A_3 = vector.broadcast %add3A : f32 to vector<2000x1xf32>
    %add3A_4 = arith.addf %add3A_3, %broadcast_in_dim3A : vector<2000x1xf32>
    %max3A = arith.constant 1.000000e+00 : f32
    %max3A_5 = vector.broadcast %max3A : f32 to vector<2000x1xf32>
    %max3A_6 = arith.maximumf %add3A_4, %max3A_5 : vector<2000x1xf32>
    %rsqrt3A = math.rsqrt %max3A_6 : vector<2000x1xf32>
    %get3A_7 = arith.constant 0 : index
    %get3A_8 = arith.constant 0 : index
    %get3A_9 = vector.load %arg3[%get3A_7, %get3A_8] : memref<2000x1xf32, #tpu.memory_space<vmem>>, vector<2000x1xf32>
    %convert_element_type3A = arith.fptosi %get3A_9 : vector<2000x1xf32> to vector<2000x1xi32>
    %sub3A = arith.constant 1 : i32
    %sub3A_10 = vector.broadcast %sub3A : i32 to vector<2000x1xi32>
    %sub3A_11 = arith.subi %convert_element_type3A, %sub3A_10 : vector<2000x1xi32>
    %iota3A = tpu.iota {dimensions = array<i32: 1>} : vector<2000x256xi32>
    %eq3A = vector.broadcast %sub3A_11 : vector<2000x1xi32> to vector<2000x256xi32>
    %eq3A_12 = arith.cmpi eq, %iota3A, %eq3A : vector<2000x256xi32>
    %convert_element_type3A_13 = arith.extui %eq3A_12 : vector<2000x256xi1> to vector<2000x256xi32>
    %convert_element_type3A_14 = arith.sitofp %convert_element_type3A_13 : vector<2000x256xi32> to vector<2000x256xf32>
    %get3A_15 = arith.constant 0 : index
    %get3A_16 = arith.constant 0 : index
    %get3A_17 = vector.load %arg2[%get3A_15, %get3A_16] : memref<2000x128xf32, #tpu.memory_space<vmem>>, vector<2000x128xf32>
    %get3A_18 = arith.constant 0 : index
    %get3A_19 = arith.constant 0 : index
    %get3A_20 = vector.load %arg4[%get3A_18, %get3A_19] : memref<256x128xf32, #tpu.memory_space<vmem>>, vector<256x128xf32>
    %dot_general3A = arith.constant dense<0.000000e+00> : vector<2000x128xf32>
    %dot_general3A_21 = tpu.matmul %convert_element_type3A_14, %get3A_20, %dot_general3A {dimension_numbers = #tpu.dot_dimension_numbers<[1], [0], [0], [1], [0, 0, 1, 1], [], []>, transpose_lhs_hint = false} : vector<2000x256xf32>, vector<256x128xf32>, vector<2000x128xf32> -> vector<2000x128xf32>
    %add3A_22 = arith.addf %get3A_17, %dot_general3A_21 : vector<2000x128xf32>
    %get3A_23 = arith.constant 0 : index
    %get3A_24 = arith.constant 0 : index
    %get3A_25 = vector.load %arg5[%get3A_23, %get3A_24] : memref<128x128xf32, #tpu.memory_space<vmem>>, vector<128x128xf32>
    %dot_general3A_26 = arith.constant dense<0.000000e+00> : vector<2000x128xf32>
    %dot_general3A_27 = tpu.matmul %add3A_22, %get3A_25, %dot_general3A_26 {dimension_numbers = #tpu.dot_dimension_numbers<[1], [0], [0], [1], [0, 0, 1, 1], [], []>, transpose_lhs_hint = false} : vector<2000x128xf32>, vector<128x128xf32>, vector<2000x128xf32> -> vector<2000x128xf32>
    %get3A_28 = arith.constant 0 : index
    %get3A_29 = arith.constant 0 : index
    %get3A_30 = vector.load %arg6[%get3A_28, %get3A_29] : memref<1x128xf32, #tpu.memory_space<vmem>>, vector<1x128xf32>
    %add3A_31 = vector.broadcast %get3A_30 : vector<1x128xf32> to vector<2000x128xf32>
    %add3A_32 = arith.addf %dot_general3A_27, %add3A_31 : vector<2000x128xf32>
    %get3A_33 = arith.constant 0 : index
    %get3A_34 = arith.constant 0 : index
    %get3A_35 = vector.load %arg7[%get3A_33, %get3A_34] : memref<128x128xf32, #tpu.memory_space<vmem>>, vector<128x128xf32>
    %dot_general3A_36 = arith.constant dense<0.000000e+00> : vector<2000x128xf32>
    %dot_general3A_37 = tpu.matmul %add3A_32, %get3A_35, %dot_general3A_36 {dimension_numbers = #tpu.dot_dimension_numbers<[1], [0], [0], [1], [0, 0, 1, 1], [], []>, transpose_lhs_hint = false} : vector<2000x128xf32>, vector<128x128xf32>, vector<2000x128xf32> -> vector<2000x128xf32>
    %mul3A = vector.broadcast %rsqrt3A : vector<2000x1xf32> to vector<2000x128xf32>
    %mul3A_38 = arith.mulf %dot_general3A_37, %mul3A : vector<2000x128xf32>
    %swap3A = arith.constant 0 : index
    %swap3A_39 = arith.constant 0 : index
    %swap3A_40 = vector.load %arg8[%swap3A, %swap3A_39] : memref<2000x128xf32, #tpu.memory_space<vmem>>, vector<2000x128xf32>
    tpu.vector_store %arg8[%swap3A, %swap3A_39], %mul3A_38 {strides = array<i32>} : memref<2000x128xf32, #tpu.memory_space<vmem>>, vector<2000x128xf32>,
    %swap3A_41 = arith.constant 0 : index
    %swap3A_42 = arith.constant 0 : index
    %swap3A_43 = vector.load %arg9[%swap3A_41, %swap3A_42] : memref<2000x1xf32, #tpu.memory_space<vmem>>, vector<2000x1xf32>
    tpu.vector_store %arg9[%swap3A_41, %swap3A_42], %rsqrt3A {strides = array<i32>} : memref<2000x1xf32, #tpu.memory_space<vmem>>, vector<2000x1xf32>,
    return
  }
  func.func @transform_0(%arg0: i32) -> (i32, i32) {
    %c0_i32 = arith.constant 0 : i32
    %c0_i32_0 = arith.constant 0 : i32
    return %arg0, %c0_i32 : i32, i32
  }
  func.func @transform_1(%arg0: i32) -> (i32, i32) {
    %c0_i32 = arith.constant 0 : i32
    %c0_i32_0 = arith.constant 0 : i32
    return %arg0, %c0_i32 : i32, i32
  }
  func.func @transform_2(%arg0: i32) -> (i32, i32) {
    %c0_i32 = arith.constant 0 : i32
    %c0_i32_0 = arith.constant 0 : i32
    return %arg0, %c0_i32 : i32, i32
  }
  func.func @transform_3(%arg0: i32) -> (i32, i32) {
    %c0_i32 = arith.constant 0 : i32
    %c0_i32_0 = arith.constant 0 : i32
    %c0_i32_1 = arith.constant 0 : i32
    return %c0_i32, %c0_i32_0 : i32, i32
  }
  func.func @transform_4(%arg0: i32) -> (i32, i32) {
    %c0_i32 = arith.constant 0 : i32
    %c0_i32_0 = arith.constant 0 : i32
    %c0_i32_1 = arith.constant 0 : i32
    return %c0_i32, %c0_i32_0 : i32, i32
  }
  func.func @transform_5(%arg0: i32) -> (i32, i32) {
    %c0_i32 = arith.constant 0 : i32
    %c0_i32_0 = arith.constant 0 : i32
    %c0_i32_1 = arith.constant 0 : i32
    return %c0_i32, %c0_i32_0 : i32, i32
  }
  func.func @transform_6(%arg0: i32) -> (i32, i32) {
    %c0_i32 = arith.constant 0 : i32
    %c0_i32_0 = arith.constant 0 : i32
    %c0_i32_1 = arith.constant 0 : i32
    return %c0_i32, %c0_i32_0 : i32, i32
  }
  func.func @transform_7(%arg0: i32) -> (i32, i32) {
    %c0_i32 = arith.constant 0 : i32
    %c0_i32_0 = arith.constant 0 : i32
    return %arg0, %c0_i32 : i32, i32
  }
  func.func @transform_8(%arg0: i32) -> (i32, i32) {
    %c0_i32 = arith.constant 0 : i32
    %c0_i32_0 = arith.constant 0 : i32
    return %arg0, %c0_i32 : i32, i32
  }
}

module attributes {stable_mosaic.version = 14 : i64} {
  func.func @_tc_mid_body(%arg0: i32, %arg1: memref<2x2000x128xf32, #tpu.memory_space<vmem>>, %arg2: memref<2000x128xf32, #tpu.memory_space<vmem>>, %arg3: memref<2000x1xf32, #tpu.memory_space<vmem>>, %arg4: memref<1x128xf32, #tpu.memory_space<vmem>>, %arg5: memref<1x128xf32, #tpu.memory_space<vmem>>, %arg6: memref<1x128xf32, #tpu.memory_space<vmem>>, %arg7: memref<1x128xf32, #tpu.memory_space<vmem>>, %arg8: memref<1x128xf32, #tpu.memory_space<vmem>>, %arg9: memref<128x128xf32, #tpu.memory_space<vmem>>, %arg10: memref<2000x128xf32, #tpu.memory_space<vmem>>) attributes {dimension_semantics = [#tpu.dimension_semantics<arbitrary>], iteration_bounds = array<i64: 5>, scalar_prefetch = 0 : i64, scratch_operands = 0 : i64, tpu.core_type = #tpu.core_type<tc>, window_params = [{transform_indices = @transform_0, window_bounds = array<i64: 2, 2000, 128>}, {transform_indices = @transform_1, window_bounds = array<i64: 2000, 128>}, {transform_indices = @transform_2, window_bounds = array<i64: 2000, 1>}, {pipeline_mode = #tpu.pipeline_mode<synchronous>, transform_indices = @transform_3, window_bounds = array<i64: 1, 128>}, {pipeline_mode = #tpu.pipeline_mode<synchronous>, transform_indices = @transform_4, window_bounds = array<i64: 1, 128>}, {pipeline_mode = #tpu.pipeline_mode<synchronous>, transform_indices = @transform_5, window_bounds = array<i64: 1, 128>}, {pipeline_mode = #tpu.pipeline_mode<synchronous>, transform_indices = @transform_6, window_bounds = array<i64: 1, 128>}, {pipeline_mode = #tpu.pipeline_mode<synchronous>, transform_indices = @transform_7, window_bounds = array<i64: 1, 128>}, {pipeline_mode = #tpu.pipeline_mode<synchronous>, transform_indices = @transform_8, window_bounds = array<i64: 128, 128>}, {transform_indices = @transform_9, window_bounds = array<i64: 2000, 128>}]} {
    %get3A = arith.constant 0 : index
    %get3A_0 = arith.constant 0 : index
    %get3A_1 = vector.load %arg3[%get3A, %get3A_0] : memref<2000x1xf32, #tpu.memory_space<vmem>>, vector<2000x1xf32>
    %get3A_2 = arith.constant 0 : index
    %get3A_3 = arith.constant 0 : index
    %get3A_4 = arith.constant 0 : index
    %get3A_5 = vector.load %arg1[%get3A_2, %get3A_3, %get3A_4] : memref<2x2000x128xf32, #tpu.memory_space<vmem>>, vector<1x2000x128xf32>
    %get3A_6 = vector.shape_cast %get3A_5 : vector<1x2000x128xf32> to vector<2000x128xf32>
    %get3A_7 = arith.constant 1 : index
    %get3A_8 = arith.constant 0 : index
    %get3A_9 = arith.constant 0 : index
    %get3A_10 = vector.load %arg1[%get3A_7, %get3A_8, %get3A_9] : memref<2x2000x128xf32, #tpu.memory_space<vmem>>, vector<1x2000x128xf32>
    %get3A_11 = vector.shape_cast %get3A_10 : vector<1x2000x128xf32> to vector<2000x128xf32>
    %add3A = arith.addf %get3A_6, %get3A_11 : vector<2000x128xf32>
    %get3A_12 = arith.constant 0 : index
    %get3A_13 = arith.constant 0 : index
    %get3A_14 = vector.load %arg2[%get3A_12, %get3A_13] : memref<2000x128xf32, #tpu.memory_space<vmem>>, vector<2000x128xf32>
    %add3A_15 = arith.addf %add3A, %get3A_14 : vector<2000x128xf32>
    %mul3A = vector.broadcast %get3A_1 : vector<2000x1xf32> to vector<2000x128xf32>
    %mul3A_16 = arith.mulf %add3A_15, %mul3A : vector<2000x128xf32>
    %get3A_17 = arith.constant 0 : index
    %get3A_18 = arith.constant 0 : index
    %get3A_19 = vector.load %arg4[%get3A_17, %get3A_18] : memref<1x128xf32, #tpu.memory_space<vmem>>, vector<1x128xf32>
    %add3A_20 = vector.broadcast %get3A_19 : vector<1x128xf32> to vector<2000x128xf32>
    %add3A_21 = arith.addf %mul3A_16, %add3A_20 : vector<2000x128xf32>
    %get3A_22 = arith.constant 0 : index
    %get3A_23 = arith.constant 0 : index
    %get3A_24 = vector.load %arg5[%get3A_22, %get3A_23] : memref<1x128xf32, #tpu.memory_space<vmem>>, vector<1x128xf32>
    %get3A_25 = arith.constant 0 : index
    %get3A_26 = arith.constant 0 : index
    %get3A_27 = vector.load %arg6[%get3A_25, %get3A_26] : memref<1x128xf32, #tpu.memory_space<vmem>>, vector<1x128xf32>
    %get3A_28 = arith.constant 0 : index
    %get3A_29 = arith.constant 0 : index
    %get3A_30 = vector.load %arg7[%get3A_28, %get3A_29] : memref<1x128xf32, #tpu.memory_space<vmem>>, vector<1x128xf32>
    %get3A_31 = arith.constant 0 : index
    %get3A_32 = arith.constant 0 : index
    %get3A_33 = vector.load %arg8[%get3A_31, %get3A_32] : memref<1x128xf32, #tpu.memory_space<vmem>>, vector<1x128xf32>
    %gt3A = arith.constant 0.000000e+00 : f32
    %gt3A_34 = vector.broadcast %gt3A : f32 to vector<2000x128xf32>
    %gt3A_35 = arith.cmpf ogt, %add3A_21, %gt3A_34 : vector<2000x128xf32>
    %mul3A_36 = arith.constant 2.000000e-01 : f32
    %mul3A_37 = vector.broadcast %mul3A_36 : f32 to vector<2000x128xf32>
    %mul3A_38 = arith.mulf %mul3A_37, %add3A_21 : vector<2000x128xf32>
    %select_n3A = arith.select %gt3A_35, %add3A_21, %mul3A_38 : vector<2000x128xi1>, vector<2000x128xf32>
    %add3A_39 = arith.constant 9.99999974E-6 : f32
    %add3A_40 = vector.broadcast %add3A_39 : f32 to vector<1x128xf32>
    %add3A_41 = arith.addf %get3A_33, %add3A_40 : vector<1x128xf32>
    %rsqrt3A = math.rsqrt %add3A_41 : vector<1x128xf32>
    %mul3A_42 = arith.mulf %get3A_24, %rsqrt3A : vector<1x128xf32>
    %sub3A = vector.broadcast %get3A_30 : vector<1x128xf32> to vector<2000x128xf32>
    %sub3A_43 = arith.subf %select_n3A, %sub3A : vector<2000x128xf32>
    %mul3A_44 = vector.broadcast %mul3A_42 : vector<1x128xf32> to vector<2000x128xf32>
    %mul3A_45 = arith.mulf %sub3A_43, %mul3A_44 : vector<2000x128xf32>
    %add3A_46 = vector.broadcast %get3A_27 : vector<1x128xf32> to vector<2000x128xf32>
    %add3A_47 = arith.addf %mul3A_45, %add3A_46 : vector<2000x128xf32>
    %get3A_48 = arith.constant 0 : index
    %get3A_49 = arith.constant 0 : index
    %get3A_50 = vector.load %arg9[%get3A_48, %get3A_49] : memref<128x128xf32, #tpu.memory_space<vmem>>, vector<128x128xf32>
    %dot_general3A = arith.constant dense<0.000000e+00> : vector<2000x128xf32>
    %dot_general3A_51 = tpu.matmul %add3A_47, %get3A_50, %dot_general3A {dimension_numbers = #tpu.dot_dimension_numbers<[1], [0], [0], [1], [0, 0, 1, 1], [], []>, transpose_lhs_hint = false} : vector<2000x128xf32>, vector<128x128xf32>, vector<2000x128xf32> -> vector<2000x128xf32>
    %mul3A_52 = vector.broadcast %get3A_1 : vector<2000x1xf32> to vector<2000x128xf32>
    %mul3A_53 = arith.mulf %dot_general3A_51, %mul3A_52 : vector<2000x128xf32>
    %swap3A = arith.constant 0 : index
    %swap3A_54 = arith.constant 0 : index
    %swap3A_55 = vector.load %arg10[%swap3A, %swap3A_54] : memref<2000x128xf32, #tpu.memory_space<vmem>>, vector<2000x128xf32>
    tpu.vector_store %arg10[%swap3A, %swap3A_54], %mul3A_53 {strides = array<i32>} : memref<2000x128xf32, #tpu.memory_space<vmem>>, vector<2000x128xf32>,
    return
  }
  func.func @transform_0(%arg0: i32) -> (i32, i32, i32) {
    %c0_i32 = arith.constant 0 : i32
    %c0_i32_0 = arith.constant 0 : i32
    %c0_i32_1 = arith.constant 0 : i32
    return %c0_i32, %arg0, %c0_i32_0 : i32, i32, i32
  }
  func.func @transform_1(%arg0: i32) -> (i32, i32) {
    %c0_i32 = arith.constant 0 : i32
    %c0_i32_0 = arith.constant 0 : i32
    return %arg0, %c0_i32 : i32, i32
  }
  func.func @transform_2(%arg0: i32) -> (i32, i32) {
    %c0_i32 = arith.constant 0 : i32
    %c0_i32_0 = arith.constant 0 : i32
    return %arg0, %c0_i32 : i32, i32
  }
  func.func @transform_3(%arg0: i32) -> (i32, i32) {
    %c0_i32 = arith.constant 0 : i32
    %c0_i32_0 = arith.constant 0 : i32
    %c0_i32_1 = arith.constant 0 : i32
    return %c0_i32, %c0_i32_0 : i32, i32
  }
  func.func @transform_4(%arg0: i32) -> (i32, i32) {
    %c0_i32 = arith.constant 0 : i32
    %c0_i32_0 = arith.constant 0 : i32
    %c0_i32_1 = arith.constant 0 : i32
    return %c0_i32, %c0_i32_0 : i32, i32
  }
  func.func @transform_5(%arg0: i32) -> (i32, i32) {
    %c0_i32 = arith.constant 0 : i32
    %c0_i32_0 = arith.constant 0 : i32
    %c0_i32_1 = arith.constant 0 : i32
    return %c0_i32, %c0_i32_0 : i32, i32
  }
  func.func @transform_6(%arg0: i32) -> (i32, i32) {
    %c0_i32 = arith.constant 0 : i32
    %c0_i32_0 = arith.constant 0 : i32
    %c0_i32_1 = arith.constant 0 : i32
    return %c0_i32, %c0_i32_0 : i32, i32
  }
  func.func @transform_7(%arg0: i32) -> (i32, i32) {
    %c0_i32 = arith.constant 0 : i32
    %c0_i32_0 = arith.constant 0 : i32
    %c0_i32_1 = arith.constant 0 : i32
    return %c0_i32, %c0_i32_0 : i32, i32
  }
  func.func @transform_8(%arg0: i32) -> (i32, i32) {
    %c0_i32 = arith.constant 0 : i32
    %c0_i32_0 = arith.constant 0 : i32
    %c0_i32_1 = arith.constant 0 : i32
    return %c0_i32, %c0_i32_0 : i32, i32
  }
  func.func @transform_9(%arg0: i32) -> (i32, i32) {
    %c0_i32 = arith.constant 0 : i32
    %c0_i32_0 = arith.constant 0 : i32
    return %arg0, %c0_i32 : i32, i32
  }
}

module attributes {stable_mosaic.version = 14 : i64} {
  func.func @_tc_fin_body(%arg0: i32, %arg1: memref<2x2000x128xf32, #tpu.memory_space<vmem>>, %arg2: memref<2000x128xf32, #tpu.memory_space<vmem>>, %arg3: memref<2000x1xf32, #tpu.memory_space<vmem>>, %arg4: memref<1x128xf32, #tpu.memory_space<vmem>>, %arg5: memref<1x128xf32, #tpu.memory_space<vmem>>, %arg6: memref<1x128xf32, #tpu.memory_space<vmem>>, %arg7: memref<1x128xf32, #tpu.memory_space<vmem>>, %arg8: memref<1x128xf32, #tpu.memory_space<vmem>>, %arg9: memref<128x64xf32, #tpu.memory_space<vmem>>, %arg10: memref<1x64xf32, #tpu.memory_space<vmem>>, %arg11: memref<64x2xf32, #tpu.memory_space<vmem>>, %arg12: memref<1x2xf32, #tpu.memory_space<vmem>>, %arg13: memref<1x2xf32, #tpu.memory_space<vmem>>, %arg14: memref<1x128xf32, #tpu.memory_space<vmem>>) attributes {dimension_semantics = [#tpu.dimension_semantics<arbitrary>], iteration_bounds = array<i64: 5>, scalar_prefetch = 0 : i64, scratch_operands = 1 : i64, tpu.core_type = #tpu.core_type<tc>, window_params = [{transform_indices = @transform_0, window_bounds = array<i64: 2, 2000, 128>}, {transform_indices = @transform_1, window_bounds = array<i64: 2000, 128>}, {transform_indices = @transform_2, window_bounds = array<i64: 2000, 1>}, {pipeline_mode = #tpu.pipeline_mode<synchronous>, transform_indices = @transform_3, window_bounds = array<i64: 1, 128>}, {pipeline_mode = #tpu.pipeline_mode<synchronous>, transform_indices = @transform_4, window_bounds = array<i64: 1, 128>}, {pipeline_mode = #tpu.pipeline_mode<synchronous>, transform_indices = @transform_5, window_bounds = array<i64: 1, 128>}, {pipeline_mode = #tpu.pipeline_mode<synchronous>, transform_indices = @transform_6, window_bounds = array<i64: 1, 128>}, {pipeline_mode = #tpu.pipeline_mode<synchronous>, transform_indices = @transform_7, window_bounds = array<i64: 1, 128>}, {pipeline_mode = #tpu.pipeline_mode<synchronous>, transform_indices = @transform_8, window_bounds = array<i64: 128, 64>}, {pipeline_mode = #tpu.pipeline_mode<synchronous>, transform_indices = @transform_9, window_bounds = array<i64: 1, 64>}, {pipeline_mode = #tpu.pipeline_mode<synchronous>, transform_indices = @transform_10, window_bounds = array<i64: 64, 2>}, {pipeline_mode = #tpu.pipeline_mode<synchronous>, transform_indices = @transform_11, window_bounds = array<i64: 1, 2>}, {pipeline_mode = #tpu.pipeline_mode<synchronous>, transform_indices = @transform_12, window_bounds = array<i64: 1, 2>}]} {
    %get3A = arith.constant 0 : index
    %get3A_0 = arith.constant 0 : index
    %get3A_1 = arith.constant 0 : index
    %get3A_2 = vector.load %arg1[%get3A, %get3A_0, %get3A_1] : memref<2x2000x128xf32, #tpu.memory_space<vmem>>, vector<1x2000x128xf32>
    %get3A_3 = vector.shape_cast %get3A_2 : vector<1x2000x128xf32> to vector<2000x128xf32>
    %get3A_4 = arith.constant 1 : index
    %get3A_5 = arith.constant 0 : index
    %get3A_6 = arith.constant 0 : index
    %get3A_7 = vector.load %arg1[%get3A_4, %get3A_5, %get3A_6] : memref<2x2000x128xf32, #tpu.memory_space<vmem>>, vector<1x2000x128xf32>
    %get3A_8 = vector.shape_cast %get3A_7 : vector<1x2000x128xf32> to vector<2000x128xf32>
    %add3A = arith.addf %get3A_3, %get3A_8 : vector<2000x128xf32>
    %get3A_9 = arith.constant 0 : index
    %get3A_10 = arith.constant 0 : index
    %get3A_11 = vector.load %arg2[%get3A_9, %get3A_10] : memref<2000x128xf32, #tpu.memory_space<vmem>>, vector<2000x128xf32>
    %add3A_12 = arith.addf %add3A, %get3A_11 : vector<2000x128xf32>
    %get3A_13 = arith.constant 0 : index
    %get3A_14 = arith.constant 0 : index
    %get3A_15 = vector.load %arg3[%get3A_13, %get3A_14] : memref<2000x1xf32, #tpu.memory_space<vmem>>, vector<2000x1xf32>
    %mul3A = vector.broadcast %get3A_15 : vector<2000x1xf32> to vector<2000x128xf32>
    %mul3A_16 = arith.mulf %add3A_12, %mul3A : vector<2000x128xf32>
    %get3A_17 = arith.constant 0 : index
    %get3A_18 = arith.constant 0 : index
    %get3A_19 = vector.load %arg4[%get3A_17, %get3A_18] : memref<1x128xf32, #tpu.memory_space<vmem>>, vector<1x128xf32>
    %add3A_20 = vector.broadcast %get3A_19 : vector<1x128xf32> to vector<2000x128xf32>
    %add3A_21 = arith.addf %mul3A_16, %add3A_20 : vector<2000x128xf32>
    %get3A_22 = arith.constant 0 : index
    %get3A_23 = arith.constant 0 : index
    %get3A_24 = vector.load %arg5[%get3A_22, %get3A_23] : memref<1x128xf32, #tpu.memory_space<vmem>>, vector<1x128xf32>
    %get3A_25 = arith.constant 0 : index
    %get3A_26 = arith.constant 0 : index
    %get3A_27 = vector.load %arg6[%get3A_25, %get3A_26] : memref<1x128xf32, #tpu.memory_space<vmem>>, vector<1x128xf32>
    %get3A_28 = arith.constant 0 : index
    %get3A_29 = arith.constant 0 : index
    %get3A_30 = vector.load %arg7[%get3A_28, %get3A_29] : memref<1x128xf32, #tpu.memory_space<vmem>>, vector<1x128xf32>
    %get3A_31 = arith.constant 0 : index
    %get3A_32 = arith.constant 0 : index
    %get3A_33 = vector.load %arg8[%get3A_31, %get3A_32] : memref<1x128xf32, #tpu.memory_space<vmem>>, vector<1x128xf32>
    %gt3A = arith.constant 0.000000e+00 : f32
    %gt3A_34 = vector.broadcast %gt3A : f32 to vector<2000x128xf32>
    %gt3A_35 = arith.cmpf ogt, %add3A_21, %gt3A_34 : vector<2000x128xf32>
    %mul3A_36 = arith.constant 2.000000e-01 : f32
    %mul3A_37 = vector.broadcast %mul3A_36 : f32 to vector<2000x128xf32>
    %mul3A_38 = arith.mulf %mul3A_37, %add3A_21 : vector<2000x128xf32>
    %select_n3A = arith.select %gt3A_35, %add3A_21, %mul3A_38 : vector<2000x128xi1>, vector<2000x128xf32>
    %add3A_39 = arith.constant 9.99999974E-6 : f32
    %add3A_40 = vector.broadcast %add3A_39 : f32 to vector<1x128xf32>
    %add3A_41 = arith.addf %get3A_33, %add3A_40 : vector<1x128xf32>
    %rsqrt3A = math.rsqrt %add3A_41 : vector<1x128xf32>
    %mul3A_42 = arith.mulf %get3A_24, %rsqrt3A : vector<1x128xf32>
    %sub3A = vector.broadcast %get3A_30 : vector<1x128xf32> to vector<2000x128xf32>
    %sub3A_43 = arith.subf %select_n3A, %sub3A : vector<2000x128xf32>
    %mul3A_44 = vector.broadcast %mul3A_42 : vector<1x128xf32> to vector<2000x128xf32>
    %mul3A_45 = arith.mulf %sub3A_43, %mul3A_44 : vector<2000x128xf32>
    %add3A_46 = vector.broadcast %get3A_27 : vector<1x128xf32> to vector<2000x128xf32>
    %add3A_47 = arith.addf %mul3A_45, %add3A_46 : vector<2000x128xf32>
    %reduce_sum3A = arith.constant dense<0.000000e+00> : vector<128xf32>
    %reduce_sum3A_48 = vector.multi_reduction <add>, %add3A_47, %reduce_sum3A [0] : vector<2000x128xf32> to vector<128xf32>
    %broadcast_in_dim3A = vector.shape_cast %reduce_sum3A_48 : vector<128xf32> to vector<1x128xf32>
    %eq3A = arith.constant 0 : i32
    %eq3A_49 = arith.cmpi eq, %arg0, %eq3A : i32
    %convert_element_type3A = arith.extui %eq3A_49 : i1 to i32
    %cond3A = arith.constant 0 : i32
    %cond3A_50 = arith.cmpi ne, %convert_element_type3A, %cond3A : i32
    scf.if %cond3A_50 {
      %swap3A = arith.constant 0 : index
      %swap3A_61 = arith.constant 0 : index
      %swap3A_62 = vector.load %arg14[%swap3A, %swap3A_61] : memref<1x128xf32, #tpu.memory_space<vmem>>, vector<1x128xf32>
      tpu.vector_store %arg14[%swap3A, %swap3A_61], %broadcast_in_dim3A {strides = array<i32>} : memref<1x128xf32, #tpu.memory_space<vmem>>, vector<1x128xf32>,
    } else {
    }
    %gt3A_51 = arith.constant 0 : i32
    %gt3A_52 = arith.cmpi sgt, %arg0, %gt3A_51 : i32
    %convert_element_type3A_53 = arith.extui %gt3A_52 : i1 to i32
    %cond3A_54 = arith.constant 0 : i32
    %cond3A_55 = arith.cmpi ne, %convert_element_type3A_53, %cond3A_54 : i32
    scf.if %cond3A_55 {
      %get3A_61 = arith.constant 0 : index
      %get3A_62 = arith.constant 0 : index
      %get3A_63 = vector.load %arg14[%get3A_61, %get3A_62] : memref<1x128xf32, #tpu.memory_space<vmem>>, vector<1x128xf32>
      %add3A_64 = arith.addf %get3A_63, %broadcast_in_dim3A : vector<1x128xf32>
      %swap3A = arith.constant 0 : index
      %swap3A_65 = arith.constant 0 : index
      %swap3A_66 = vector.load %arg14[%swap3A, %swap3A_65] : memref<1x128xf32, #tpu.memory_space<vmem>>, vector<1x128xf32>
      tpu.vector_store %arg14[%swap3A, %swap3A_65], %add3A_64 {strides = array<i32>} : memref<1x128xf32, #tpu.memory_space<vmem>>, vector<1x128xf32>,
    } else {
    }
    %eq3A_56 = arith.constant 4 : i32
    %eq3A_57 = arith.cmpi eq, %arg0, %eq3A_56 : i32
    %convert_element_type3A_58 = arith.extui %eq3A_57 : i1 to i32
    %cond3A_59 = arith.constant 0 : i32
    %cond3A_60 = arith.cmpi ne, %convert_element_type3A_58, %cond3A_59 : i32
    scf.if %cond3A_60 {
      %get3A_61 = arith.constant 0 : index
      %get3A_62 = arith.constant 0 : index
      %get3A_63 = vector.load %arg14[%get3A_61, %get3A_62] : memref<1x128xf32, #tpu.memory_space<vmem>>, vector<1x128xf32>
      %get3A_64 = arith.constant 0 : index
      %get3A_65 = arith.constant 0 : index
      %get3A_66 = vector.load %arg9[%get3A_64, %get3A_65] : memref<128x64xf32, #tpu.memory_space<vmem>>, vector<128x64xf32>
      %dot_general3A = arith.constant dense<0.000000e+00> : vector<1x64xf32>
      %dot_general3A_67 = tpu.matmul %get3A_63, %get3A_66, %dot_general3A {dimension_numbers = #tpu.dot_dimension_numbers<[1], [0], [0], [1], [0, 0, 1, 1], [], []>, transpose_lhs_hint = false} : vector<1x128xf32>, vector<128x64xf32>, vector<1x64xf32> -> vector<1x64xf32>
      %get3A_68 = arith.constant 0 : index
      %get3A_69 = arith.constant 0 : index
      %get3A_70 = vector.load %arg10[%get3A_68, %get3A_69] : memref<1x64xf32, #tpu.memory_space<vmem>>, vector<1x64xf32>
      %add3A_71 = arith.addf %dot_general3A_67, %get3A_70 : vector<1x64xf32>
      %gt3A_72 = arith.constant 0.000000e+00 : f32
      %gt3A_73 = vector.broadcast %gt3A_72 : f32 to vector<1x64xf32>
      %gt3A_74 = arith.cmpf ogt, %add3A_71, %gt3A_73 : vector<1x64xf32>
      %mul3A_75 = arith.constant 2.000000e-01 : f32
      %mul3A_76 = vector.broadcast %mul3A_75 : f32 to vector<1x64xf32>
      %mul3A_77 = arith.mulf %mul3A_76, %add3A_71 : vector<1x64xf32>
      %select_n3A_78 = arith.select %gt3A_74, %add3A_71, %mul3A_77 : vector<1x64xi1>, vector<1x64xf32>
      %get3A_79 = arith.constant 0 : index
      %get3A_80 = arith.constant 0 : index
      %get3A_81 = vector.load %arg11[%get3A_79, %get3A_80] : memref<64x2xf32, #tpu.memory_space<vmem>>, vector<64x2xf32>
      %dot_general3A_82 = arith.constant dense<0.000000e+00> : vector<1x2xf32>
      %dot_general3A_83 = tpu.matmul %select_n3A_78, %get3A_81, %dot_general3A_82 {dimension_numbers = #tpu.dot_dimension_numbers<[1], [0], [0], [1], [0, 0, 1, 1], [], []>, transpose_lhs_hint = false} : vector<1x64xf32>, vector<64x2xf32>, vector<1x2xf32> -> vector<1x2xf32>
      %get3A_84 = arith.constant 0 : index
      %get3A_85 = arith.constant 0 : index
      %get3A_86 = vector.load %arg12[%get3A_84, %get3A_85] : memref<1x2xf32, #tpu.memory_space<vmem>>, vector<1x2xf32>
      %add3A_87 = arith.addf %dot_general3A_83, %get3A_86 : vector<1x2xf32>
      %swap3A = arith.constant 0 : index
      %swap3A_88 = arith.constant 0 : index
      %swap3A_89 = vector.load %arg13[%swap3A, %swap3A_88] : memref<1x2xf32, #tpu.memory_space<vmem>>, vector<1x2xf32>
      tpu.vector_store %arg13[%swap3A, %swap3A_88], %add3A_87 {strides = array<i32>} : memref<1x2xf32, #tpu.memory_space<vmem>>, vector<1x2xf32>,
    } else {
    }
    return
  }
  func.func @transform_0(%arg0: i32) -> (i32, i32, i32) {
    %c0_i32 = arith.constant 0 : i32
    %c0_i32_0 = arith.constant 0 : i32
    %c0_i32_1 = arith.constant 0 : i32
    return %c0_i32, %arg0, %c0_i32_0 : i32, i32, i32
  }
  func.func @transform_1(%arg0: i32) -> (i32, i32) {
    %c0_i32 = arith.constant 0 : i32
    %c0_i32_0 = arith.constant 0 : i32
    return %arg0, %c0_i32 : i32, i32
  }
  func.func @transform_2(%arg0: i32) -> (i32, i32) {
    %c0_i32 = arith.constant 0 : i32
    %c0_i32_0 = arith.constant 0 : i32
    return %arg0, %c0_i32 : i32, i32
  }
  func.func @transform_3(%arg0: i32) -> (i32, i32) {
    %c0_i32 = arith.constant 0 : i32
    %c0_i32_0 = arith.constant 0 : i32
    %c0_i32_1 = arith.constant 0 : i32
    return %c0_i32, %c0_i32_0 : i32, i32
  }
  func.func @transform_4(%arg0: i32) -> (i32, i32) {
    %c0_i32 = arith.constant 0 : i32
    %c0_i32_0 = arith.constant 0 : i32
    %c0_i32_1 = arith.constant 0 : i32
    return %c0_i32, %c0_i32_0 : i32, i32
  }
  func.func @transform_5(%arg0: i32) -> (i32, i32) {
    %c0_i32 = arith.constant 0 : i32
    %c0_i32_0 = arith.constant 0 : i32
    %c0_i32_1 = arith.constant 0 : i32
    return %c0_i32, %c0_i32_0 : i32, i32
  }
  func.func @transform_6(%arg0: i32) -> (i32, i32) {
    %c0_i32 = arith.constant 0 : i32
    %c0_i32_0 = arith.constant 0 : i32
    %c0_i32_1 = arith.constant 0 : i32
    return %c0_i32, %c0_i32_0 : i32, i32
  }
  func.func @transform_7(%arg0: i32) -> (i32, i32) {
    %c0_i32 = arith.constant 0 : i32
    %c0_i32_0 = arith.constant 0 : i32
    %c0_i32_1 = arith.constant 0 : i32
    return %c0_i32, %c0_i32_0 : i32, i32
  }
  func.func @transform_8(%arg0: i32) -> (i32, i32) {
    %c0_i32 = arith.constant 0 : i32
    %c0_i32_0 = arith.constant 0 : i32
    %c0_i32_1 = arith.constant 0 : i32
    return %c0_i32, %c0_i32_0 : i32, i32
  }
  func.func @transform_9(%arg0: i32) -> (i32, i32) {
    %c0_i32 = arith.constant 0 : i32
    %c0_i32_0 = arith.constant 0 : i32
    %c0_i32_1 = arith.constant 0 : i32
    return %c0_i32, %c0_i32_0 : i32, i32
  }
  func.func @transform_10(%arg0: i32) -> (i32, i32) {
    %c0_i32 = arith.constant 0 : i32
    %c0_i32_0 = arith.constant 0 : i32
    %c0_i32_1 = arith.constant 0 : i32
    return %c0_i32, %c0_i32_0 : i32, i32
  }
  func.func @transform_11(%arg0: i32) -> (i32, i32) {
    %c0_i32 = arith.constant 0 : i32
    %c0_i32_0 = arith.constant 0 : i32
    %c0_i32_1 = arith.constant 0 : i32
    return %c0_i32, %c0_i32_0 : i32, i32
  }
  func.func @transform_12(%arg0: i32) -> (i32, i32) {
    %c0_i32 = arith.constant 0 : i32
    %c0_i32_0 = arith.constant 0 : i32
    %c0_i32_1 = arith.constant 0 : i32
    return %c0_i32, %c0_i32_0 : i32, i32
  }
}

</mosaic_0001>

<sc_bundles>
// kernel: kernel.10.cloned.1.call-start
scs
__scs_entry_jumppad:
0x0: {  	(pc) =	sbr.rel $0x88, $3  }
0x1: {  	(tag) =	ssettag $0x0;
	lr =	simm.s32 $0x1  }
0x2: {  	[smem:$0x3F86] =	sst lr;
	_ =	strace $0xD0000000  }
0x3: {  	_ = 	snop  }
0x4: {  	_ = 	snop  }
0x5: {  	_ = 	snop  }
0x6: {  	_ = 	snop  }
0x7: {  	_ = 	snop  }
__scs_overlays_trampoline_lowered:
0x8: {  	[smem:$0x3F95] =	sst s0  }
0x9: {  	[smem:$0x3F96] =	sst s1  }
0xa: {  	[smem:$0x3F97] =	sst s2  }
0xb: {  	[smem:$0x3F98] =	sst s3  }
0xc: {  	[smem:$0x3F99] =	sst s4  }
0xd: {  	[smem:$0x3F9A] =	sst s5  }
0xe: {  	[smem:$0x3F9B] =	sst s6  }
0xf: {  	[smem:$0x3F9C] =	sst s7  }
0x10: {  	[smem:$0x3F9D] =	sst s8  }
0x11: {  	[smem:$0x3F9E] =	sst s9;
	s0 =	simm.s32 @!p0 $0x0  }
0x12: {  	s1 =	sld [smem:$0x3F84];
	s0 =	simm.s32 @p0 $0x1  }
0x13: {  	[smem:$0x3F9F] =	sst s0;
	s0 =	simm.s32 @!p1 $0x0  }
0x14: {  	s2 =	sld [smem:$0x3F83];
	s0 =	simm.s32 @p1 $0x1  }
0x15: {  	[smem:$0x3FA0] =	sst s0;
	s0 =	simm.s32 @!p2 $0x0  }
0x16: {  	s3 =	sld [smem:$0x3FDB];
	s0 =	simm.s32 @p2 $0x1  }
0x17: {  	s4 =	simm.s32 $0x1BF5;
	[smem:$0x3FA2] =	sst s0  }
0x18: {  	s0 =	sld [smem:$0x3F85];
	_ =	swait.ge [sflag:s4], $0x0  }
0x19: {  	s7 =	sld [smem:$0x3F86]  }
0x1a: {  	s8 =	sadd.s32 $0xFFFFE003, lr  }
0x1b: {  	s9 =	sadd.s32 $0xFFFFFEF7, lr;
	s5 =	simm.s32 $0xFFFFFFFF;
	p2 =	slt.u32 s8, $0xFFFFF086  }
0x1c: {  	p1 =	slt.u32 s9, $0xF7A;
	s5 =	simm.s32 @!p2 $0x0  }
0x1d: {  	s5 =	simm.s32 @p1 $0x1;
	p0 =	seq.s32 s7, s2  }
0x1e: {  	s7 =	smul.u32 @!p0 $0xF7A, s2;
	p2 =	seq.s32 @!p0 s5, $0x0  }
0x1f: {  	s9 =	smul.u32 $0xF7A, s1;
	s8 =	simm.s32 @!p0 $0x1BF5;
	p2 =	por !p2, p0  }
0x20: {  	[sflag:s8] =	ssyncset.s32 @!p0 $0xFFFFF086;
	s6 =	sadd.s32 @!p0 s3, s7;
	s7 =	simm.s32 @!p0 $0x108  }
0x21: {  	s3 =	sadd.s32 s3, s9;
	s6 =	sadd.s32 @!p0 $0x88, s6;
	s7 =	simm.s32 @p2 $0x1082  }
0x22: {  	[simem:s7], [sflag:s8] =	dma.local @!p0 [hbm:s6], $0xF7A  }
0x23: {  	s9 =	sor.u32 $0xD0000000, s2;
	s6 =	simm.s32 $0x108;
	_ =	swait.ge @!p0 [sflag:s8], $0x0  }
0x24: {  	s3 =	sadd.s32 $0x88, s3;
	s6 =	simm.s32 @!p1 $0x1082;
	[sflag:s4] =	ssyncset.s32 $0xFFFFF086  }
0x25: {  	[simem:s6], [sflag:s4] =	dma.local [hbm:s3], $0xF7A  }
0x26: {  	[smem:$0x3F86] =	sst s1;
	(tag) =	ssettag s2;
	_ =	strace s9  }
0x27: {  	s1 =	sld [smem:$0x3F96]  }
0x28: {  	s2 =	sld [smem:$0x3F97]  }
0x29: {  	s4 =	sld [smem:$0x3F99]  }
0x2a: {  	p0 =	seq.s32 s5, $0x0;
	s5 =	sld [smem:$0x3F9A]  }
0x2b: {  	s6 =	sld [smem:$0x3F9B]  }
0x2c: {  	s7 =	sld [smem:$0x3F9C]  }
0x2d: {  	s3 =	simm.s32 $0x108;
	s8 =	sld [smem:$0x3F9D]  }
0x2e: {  	s3 =	simm.s32 @!p0 $0x1082;
	s9 =	sld [smem:$0x3F9E]  }
0x2f: {  	lr =	sadd.s32 s0, s3;
	s0 =	sld [smem:$0x3F95]  }
0x30: {  	s3 =	sld [smem:$0x3F98]  }
0x31: {  	[smem:$0x3FA1] =	sst s10  }
0x32: {  	s10 =	sld [smem:$0x3F9F];
	_ =	sdelay $0x3  }
0x33: {  	p0 =	seq.s32 s10, $0x1;
	s10 =	sld [smem:$0x3FA1];
	_ =	sdelay $0x3  }
0x34: {  	[smem:$0x3FA1] =	sst s10  }
0x35: {  	s10 =	sld [smem:$0x3FA0];
	_ =	sdelay $0x3  }
0x36: {  	p1 =	seq.s32 s10, $0x1;
	s10 =	sld [smem:$0x3FA1];
	_ =	sdelay $0x3  }
0x37: {  	[smem:$0x3FA1] =	sst s10  }
0x38: {  	s10 =	sld [smem:$0x3FA2]  }
0x39: {  	_ = 	snop;
	(pc) =	sbr.ind lr, $3  }
0x3a: {  	_ = 	snop  }
0x3b: {  	_ = 	snop  }
0x3c: {  	p2 =	seq.s32 s10, $0x1;
	s10 =	sld [smem:$0x3FA1]  }
0x3d: {  	_ =	shalt  }
0x3e: {  	_ =	shalt  }
0x3f: {  	_ =	shalt  }
0x40: {  	_ =	shalt  }
0x41: {  	_ =	shalt  }
0x42: {  	_ =	shalt  }
0x43: {  	_ =	shalt  }
0x44: {  	_ =	shalt  }
0x45: {  	_ =	shalt  }
0x46: {  	_ =	shalt  }
0x47: {  	_ =	shalt  }
0x48: {  	_ =	shalt  }
0x49: {  	_ =	shalt  }
0x4a: {  	_ =	shalt  }
0x4b: {  	_ =	shalt  }
0x4c: {  	_ =	shalt  }
0x4d: {  	_ =	shalt  }
0x4e: {  	_ =	shalt  }
0x4f: {  	_ =	shalt  }
0x50: {  	_ =	shalt  }
0x51: {  	_ =	shalt  }
0x52: {  	_ =	shalt  }
0x53: {  	_ =	shalt  }
0x54: {  	_ =	shalt  }
0x55: {  	_ =	shalt  }
0x56: {  	_ =	shalt  }
0x57: {  	_ =	shalt  }
0x58: {  	_ =	shalt  }
0x59: {  	_ =	shalt  }
0x5a: {  	_ =	shalt  }
0x5b: {  	_ =	shalt  }
0x5c: {  	_ =	shalt  }
0x5d: {  	_ =	shalt  }
0x5e: {  	_ =	shalt  }
0x5f: {  	_ =	shalt  }
0x60: {  	_ =	shalt  }
0x61: {  	_ =	shalt  }
0x62: {  	_ =	shalt  }
0x63: {  	_ =	shalt  }
0x64: {  	_ =	shalt  }
0x65: {  	_ =	shalt  }
0x66: {  	_ =	shalt  }
0x67: {  	_ =	shalt  }
0x68: {  	_ =	shalt  }
0x69: {  	_ =	shalt  }
0x6a: {  	_ =	shalt  }
0x6b: {  	_ =	shalt  }
0x6c: {  	_ =	shalt  }
0x6d: {  	_ =	shalt  }
0x6e: {  	_ =	shalt  }
0x6f: {  	_ =	shalt  }
0x70: {  	_ =	shalt  }
0x71: {  	_ =	shalt  }
0x72: {  	_ =	shalt  }
0x73: {  	_ =	shalt  }
0x74: {  	_ =	shalt  }
0x75: {  	_ =	shalt  }
0x76: {  	_ =	shalt  }
0x77: {  	_ =	shalt  }
0x78: {  	_ =	shalt  }
0x79: {  	_ =	shalt  }
0x7a: {  	_ =	shalt  }
0x7b: {  	_ =	shalt  }
0x7c: {  	_ =	shalt  }
0x7d: {  	_ =	shalt  }
0x7e: {  	_ =	shalt  }
0x7f: {  	_ =	shalt  }
0x80: {  	_ =	shalt  }
0x81: {  	_ =	shalt  }
0x82: {  	_ =	shalt  }
0x83: {  	_ =	shalt  }
0x84: {  	_ =	shalt  }
0x85: {  	_ =	shalt  }
0x86: {  	_ =	shalt  }
0x87: {  	_ =	shalt  }
.Lfunc_end0:
.L_simem_size_0:
called_computation_lowered:
.L_overlay_start_0:
0x88: {  	s2 =	sld [smem:$0x3FD9]  }
0x89: {  	s3 =	sld [smem:$0x3FFE];
	_ =	sdelay $0x1  }
0x8a: {  	s1 =	srdreg.scid  }
0x8b: {  	s0 =	sand.u32 $0x1, s1  }
0x8c: {  	s16 =	sshll.u32 s0, $0xA;
	s2 =	sadd.s32 s3, s2  }
0x8d: {  	s2 =	sadd.s32 s2, s16  }
0x8e: {  	[smem:$0x3FAD] =	sst s2  }
0x8f: {  	_ = 	snop  }
0x90: {  	(tm) =	ssettm $0x1  }
0x91: {  	s17 =	sld [smem:$0x3FFB];
	_ =	sdelay $0x3  }
0x92: {  	_ =	strace s17  }
0x93: {  	s2 =	sld [smem:$0x3FFC];
	_ =	sdelay $0x3  }
0x94: {  	_ =	strace s2  }
0x95: {  	s2 =	sld [smem:$0x3FFD];
	_ =	sdelay $0x3  }
0x96: {  	_ =	strace s2  }
0x97: {  	_ =	strace $0x8FFFFFFF  }
0x98: {  	s18 =	sld [smem:$0x3FDB];
	_ =	sdelay $0x1  }
0x99: {  	s19 =	simm.s32 $_scs_section_size  }
0x9a: {  	s4 =	simm.s32 $_size__tile_overlayer_lowered;
	s5 =	simm.s32 $_tile_overlayer_lowered  }
0x9b: {  	s22 =	simm.s32 $0x1BFF;
	s21 =	sshll.u32 s5, $0x1;
	s2 =	sadd.s32 s19, s18  }
0x9c: {  	s6 =	simm.s32 $0x0;
	s20 =	sshll.u32 s4, $0x1;
	s4 =	sadd.s32 s21, s2  }
0x9d: {  	[timem:s6], [sflag:s22] =	dma.local [hbm:s4], s20  }
0x9e: {  	_ =	swait.ge [sflag:s22], s20  }
0x9f: {  	s3 =	ssub.s32 $0x0, s20;
	[sflag:s22] =	ssyncset.done $0x0  }
0xa0: {  	[sflag:s22] =	ssyncadd.s32 s3;
	_ =	sdelay $0x1  }
0xa1: {  	s23 =	simm.s32 $0x1B8B  }
0xa2: {  	_ =	swait.ge [sflag:s23], $0x1  }
0xa3: {  	[sflag:s23] =	ssyncset.done $0x0  }
0xa4: {  	s25 =	simm.s32 $0x1B8E;
	s24 =	sld [smem:$0x3FFE];
	[sflag:s23] =	ssyncadd.s32 $0xFFFFFFFF  }
0xa5: {  	s26 =	simm.s32 $execute0_lowered;
	[smem:$0x3FD2] =	sst s25  }
0xa6: {  	s4 =	sshll.u32 s26, $0x1;
	_ =	strace $0x80000046;
	[dreg:$0x1] =	wrdreg $0xFFFFFFFF  }
0xa7: {  	s28 =	simm.s32 $_size_execute0_lowered;
	s2 =	sadd.s32 s2, s4;
	[dreg:$0x0] =	wrdreg $0x0  }
0xa8: {  	s4 =	sshll.u32 s28, $0x1;
	[dreg:$0x2] =	wrdreg s2  }
0xa9: {  	[dreg:$0x3] =	wrdreg s4  }
0xaa: {  	[dreg:$0x4] =	wrdreg $0xC0  }
0xab: {  	_ =	task [dreg:s6], $0x5FFFF  }
0xac: {  	[dreg:$0x1] =	wrdreg $0xFFFFFFFF  }
0xad: {  	[dreg:$0x0] =	wrdreg $0x60  }
0xae: {  	[dreg:$0x2] =	wrdreg s24  }
0xaf: {  	[dreg:$0x3] =	wrdreg $0x9  }
0xb0: {  	_ =	task.clear_ibuf [dreg:s6], $0x4FFFF;
	_ =	strace $0x90000046  }
0xb1: {  	s29 =	simm.s32 $0x9;
	_ =	strace $0x80000048  }
0xb2: {  	_ =	swait.ge [sflag:s29], $0x1  }
0xb3: {  	[sflag:s29] =	ssyncadd.s32 $0xFFFFFFFF  }
0xb4: {  	_ =	strace $0x90000048  }
0xb5: {  	_ =	sfence  }
0xb6: {  	s30 =	sld [smem:$0x0];
	_ =	sdelay $0x2  }
0xb7: {  	s31 =	sshll.u32 s1, $0xD;
	s1 =	sshrl.u32 s1, $0x2  }
0xb8: {  	s3 =	sand.u32 $0x4000, s31;
	s1 =	sadd.s32 s1, s30  }
0xb9: {  	s0 =	sor.u32 s3, s0;
	s1 =	sshll.u32 s1, $0x11  }
0xba: {  	s0 =	sor.u32 s1, s0  }
0xbb: {  	s0 =	sadd.s32 $0x8F2B, s0  }
0xbc: {  	[sflag:s0] =	ssyncadd.remote.s32 $0x1  }
0xbd: {  	_ =	sfence.sel $0xFFFF  }
0xbe: {  	[dreg:$0x0] =	wrdreg $0xFFFFFFFF;
	(pc) =	sbr.abs _section_cstart, $3  }
0xbf: {  	[dreg:$0x1] =	wrdreg $0xFFFFFFFF  }
0xc0: {  	_ =	task.clear_ibuf [dreg:s6], $0x2FFFF;
	_ =	strace $0x9FFFFFFF  }
0xc1: {  	(tm) =	ssettm $0x7FFFFFFF  }
tec
execute0_lowered:
.L_overlay_start_1:
0x0: {  	(tag) =	ssettag $0x1  }
0x1: {  	s1 =	srdreg.scid  }
0x2: {  	s0 =	stileid.u32;
	s3 =	rddreg [dreg:$0x0];
	s10 =	simm.s32 $0x1  }
0x3: {  	s11 =	simm.s32 $0x800;
	s12 =	simm.s32 $0x80;
	s13 =	simm.s32 $0x400  }
0x4: {  	s4 =	sand.u32 $0x1, s1;
	s2 =	sshll.u32 s0, $0x1;
	s1 =	rddreg [dreg:$0x1]  }
0x5: {  	s6 =	sshrl.u32 s0, $0x2;
	s5 =	sor.u32 s4, s2;
	s2 =	simm.s32 $0x0  }
0x6: {  	s6 =	smul.u32 $0x13C00, s6;
	s4 =	ssub.s32 $0x2, s4;
	s7 =	sshll.u32 s5, $0x7  }
0x7: {  	[smem:$0x7FF] =	sst s2;
	s5 =	smul.u32 $0x2710, s5;
	s7 =	sand.u32 $0x380, s7  }
0x8: {  	s31 =	sshrl.u32 s4, $0x1;
	_ =	strace $0x80000047;
	s6 =	sor.u32 s6, s7  }
0x9: {  	s4 =	ssub.s32 s4, s31;
	s5 =	sshrl.u32 s5, $0x3;
	s6 =	sshrl.u32 s6, $0x3  }
0xa: {  	s4 =	smax.u32 s4, $0x1;
	s9 =	sadd.s32 s5, s3;
	s6 =	sadd.s32 s6, s3  }
0xb: {  	s5 =	sadd.s32 $0x5A00, s9;
	s7 =	sadd.s32 $0x5BF4, s9;
	s8 =	sadd.s32 $0x5CEE, s9  }
0xc: {  	v0 =	vimm.f32 $0.0e+00;
	v1 =	vimm.f32 $1.000000000e+00;
	s3 =	sadd.s32 $0xF800, s6;
	s6 =	sadd.s32 $0x5AFA, s9;
	s9 =	sadd.s32 $0x5DE8, s9  }
.LBB2_1:
0xd: {  	s14 =	simm.s32 $0x40;
	s15 =	simm.s32 $0x0  }
.LBB2_2:
0xe: {  	p0 =	sne.s32 s14, $0x9C00;
	[tilespmem:s15+$0x800] =	vst v0;
	s15 =	smov.u32 s14;
	s14 =	sadd.s32 $0x40, s14  }
.Ltmp0:
0xf: {  	(pc) =	sbr.rel @p0 .LBB2_2-.Ltmp0, $2  }
0x10: {  	_ =	sdelay $0x2  }
0x11: {  	s15 =	sshra.s32 s15, $0x2  }
0x12: {  	[tilespmem:s15+$0x800] =	vst v0;
	s14 =	simm.s32 $0x0  }
0x13: {  	[tilespmem:s14], [sflag:$0x1] =	stream.linear.gather [hbm4b:s5+s14], $0x7D0, $0x38;
	[tilespmem:$0x2F80] =	vst v63  }
0x14: {  	_ =	swait.ge [sflag:s10], $0x7D0  }
0x15: {  	[sflag:s10] =	ssyncset.done $0x0  }
0x16: {  	s15 =	simm.s32 $0x0;
	s14 =	simm.s32 $0x40;
	[sflag:s10] =	ssyncadd.s32 $0xFFFFF830  }
.LBB2_4:
0x17: {  	p0 =	sne.s32 s14, $0x1F00;
	v2 =	vld [tilespmem:s15+$0x0];
	_ =	sdelay $0x3  }
.Ltmp1:
0x18: {  	(pc) =	sbr.rel @p0 .LBB2_4-.Ltmp1, $2  }
0x19: {  	_ =	sdelay $0x2  }
0x1a: {  	s15 =	sshra.s32 s14, $0x2;
	s14 =	sadd.s32 $0x40, s14;
	[tilespmem:v2+s11+$0x0] =	vst.idx.add.f32.msk $0xffff, v1  }
0x1b: {  	v2 =	vld [tilespmem:s15+$0x0];
	_ =	sdelay $0x7  }
0x1c: {  	s14 =	simm.s32 $0x0;
	[tilespmem:v2+s11+$0x0] =	vst.idx.add.f32.msk $0xffff, v1  }
0x1d: {  	[tilespmem:s14], [sflag:$0x1] =	stream.linear.gather [hbm4b:s6+s14], $0x7D0, $0x38;
	[tilespmem:$0x2F80] =	vst v63  }
0x1e: {  	_ =	swait.ge [sflag:s10], $0x7D0  }
0x1f: {  	[sflag:s10] =	ssyncset.done $0x0  }
0x20: {  	s15 =	simm.s32 $0x0;
	s14 =	simm.s32 $0x40;
	[sflag:s10] =	ssyncadd.s32 $0xFFFFF830  }
.LBB2_6:
0x21: {  	p0 =	sne.s32 s14, $0x1F00;
	v2 =	vld [tilespmem:s15+$0x0];
	_ =	sdelay $0x3  }
.Ltmp2:
0x22: {  	(pc) =	sbr.rel @p0 .LBB2_6-.Ltmp2, $2  }
0x23: {  	_ =	sdelay $0x2  }
0x24: {  	s15 =	sshra.s32 s14, $0x2;
	s14 =	sadd.s32 $0x40, s14;
	[tilespmem:v2+s11+$0x0] =	vst.idx.add.f32.msk $0xffff, v1  }
0x25: {  	v2 =	vld [tilespmem:s15+$0x0];
	_ =	sdelay $0x7  }
0x26: {  	s14 =	simm.s32 $0x0;
	[tilespmem:v2+s11+$0x0] =	vst.idx.add.f32.msk $0xffff, v1  }
0x27: {  	[tilespmem:s14], [sflag:$0x1] =	stream.linear.gather [hbm4b:s7+s14], $0x7D0, $0x38;
	[tilespmem:$0x2F80] =	vst v63  }
0x28: {  	_ =	swait.ge [sflag:s10], $0x7D0  }
0x29: {  	[sflag:s10] =	ssyncset.done $0x0  }
0x2a: {  	s15 =	simm.s32 $0x0;
	s14 =	simm.s32 $0x40;
	[sflag:s10] =	ssyncadd.s32 $0xFFFFF830  }
.LBB2_8:
0x2b: {  	p0 =	sne.s32 s14, $0x1F00;
	v2 =	vld [tilespmem:s15+$0x0];
	_ =	sdelay $0x3  }
.Ltmp3:
0x2c: {  	(pc) =	sbr.rel @p0 .LBB2_8-.Ltmp3, $2  }
0x2d: {  	_ =	sdelay $0x2  }
0x2e: {  	s15 =	sshra.s32 s14, $0x2;
	s14 =	sadd.s32 $0x40, s14;
	[tilespmem:v2+s11+$0x0] =	vst.idx.add.f32.msk $0xffff, v1  }
0x2f: {  	v2 =	vld [tilespmem:s15+$0x0];
	_ =	sdelay $0x7  }
0x30: {  	s14 =	simm.s32 $0x0;
	[tilespmem:v2+s11+$0x0] =	vst.idx.add.f32.msk $0xffff, v1  }
0x31: {  	[tilespmem:s14], [sflag:$0x1] =	stream.linear.gather [hbm4b:s8+s14], $0x7D0, $0x38;
	[tilespmem:$0x2F80] =	vst v63  }
0x32: {  	_ =	swait.ge [sflag:s10], $0x7D0  }
0x33: {  	[sflag:s10] =	ssyncset.done $0x0  }
0x34: {  	s15 =	simm.s32 $0x0;
	s14 =	simm.s32 $0x40;
	[sflag:s10] =	ssyncadd.s32 $0xFFFFF830  }
.LBB2_10:
0x35: {  	p0 =	sne.s32 s14, $0x1F00;
	v2 =	vld [tilespmem:s15+$0x0];
	_ =	sdelay $0x3  }
.Ltmp4:
0x36: {  	(pc) =	sbr.rel @p0 .LBB2_10-.Ltmp4, $2  }
0x37: {  	_ =	sdelay $0x2  }
0x38: {  	s15 =	sshra.s32 s14, $0x2;
	s14 =	sadd.s32 $0x40, s14;
	[tilespmem:v2+s11+$0x0] =	vst.idx.add.f32.msk $0xffff, v1  }
0x39: {  	v2 =	vld [tilespmem:s15+$0x0];
	_ =	sdelay $0x7  }
0x3a: {  	s14 =	simm.s32 $0x0;
	[tilespmem:v2+s11+$0x0] =	vst.idx.add.f32.msk $0xffff, v1  }
0x3b: {  	[tilespmem:s14], [sflag:$0x1] =	stream.linear.gather [hbm4b:s9+s14], $0x7D0, $0x38;
	[tilespmem:$0x2F80] =	vst v63  }
0x3c: {  	_ =	swait.ge [sflag:s10], $0x7D0  }
0x3d: {  	[sflag:s10] =	ssyncset.done $0x0  }
0x3e: {  	s15 =	simm.s32 $0x0;
	s14 =	simm.s32 $0x40;
	[sflag:s10] =	ssyncadd.s32 $0xFFFFF830  }
.LBB2_12:
0x3f: {  	p0 =	sne.s32 s14, $0x1F00;
	v2 =	vld [tilespmem:s15+$0x0];
	_ =	sdelay $0x3  }
.Ltmp5:
0x40: {  	(pc) =	sbr.rel @p0 .LBB2_12-.Ltmp5, $2  }
0x41: {  	_ =	sdelay $0x2  }
0x42: {  	s15 =	sshra.s32 s14, $0x2;
	s14 =	sadd.s32 $0x40, s14;
	[tilespmem:v2+s11+$0x0] =	vst.idx.add.f32.msk $0xffff, v1  }
0x43: {  	v2 =	vld [tilespmem:s15+$0x0];
	_ =	sdelay $0x5  }
0x44: {  	s2 =	sadd.s32 $0x1, s2  }
0x45: {  	p0 =	sne.s32 s2, s4  }
.Ltmp6:
0x46: {  	[tilespmem:v2+s11+$0x0] =	vst.idx.add.f32.msk $0xffff, v1;
	(pc) =	sbr.rel @p0 .LBB2_1-.Ltmp6, $4  }
0x47: {  	[hbm4b:s3+s12] =	stream.strided.scatter [tilespmem:s11], [sflag:$0x1], $0x2780, s13, s12, $0x38;
	[tilespmem:$0x2F80] =	vst v63  }
0x48: {  	_ =	swait.ge [sflag:s10], $0x2780  }
0x49: {  	[sflag:s10] =	ssyncset.done $0x0  }
0x4a: {  	[sflag:s10] =	ssyncadd.s32 $0xFFFFD880  }
0x4b: {  	_ =	sfence.sel $0x180000  }
0x4c: {  	[bflag:$0x0] =	sbarrier.arrive $0xFFFF  }
0x4d: {  	p0 =	sne.s32 s0, $0x0;
	_ =	strace $0x90000047  }
0x4e: {  	s0 =	sadd.s32 @!p0 $0x100000, s1;
	[bflag:$0x2] =	sbarrier.arrive $0xFFFF  }
0x4f: {  	[sflag:s0] =	ssyncadd.tile.s32 @!p0 $0x1;
	_ =	shalt  }
.Lfunc_end2:
_tile_overlayer_lowered:
.L_overlay_start_2:
0x50: {  	(tag) =	ssettag $0x2  }
0x51: {  	s0 =	rddreg [dreg:$0x0];
	s2 =	stileid.u32  }
0x52: {  	s1 =	rddreg [dreg:$0x1];
	p0 =	sne.s32 s2, $0x0  }
0x53: {  	s3 =	rddreg [dreg:$0x2];
	[bflag:$0x3] =	sbarrier.arrive $0xFFFF;
	s2 =	simm.s32 @!p0 $0x1C01  }
0x54: {  	[timem:s3], [sflag:s2] =	dma.local @!p0 [hbm:s0], s1  }
0x55: {  	s0 =	simm.s32 @!p0 $0x1  }
0x56: {  	_ =	swait.ge @!p0 [sflag:s0], s1  }
0x57: {  	s1 =	ssub.s32 @!p0 $0x0, s1;
	[sflag:s0] =	ssyncset.done @!p0 $0x0  }
0x58: {  	[sflag:s0] =	ssyncadd.s32 @!p0 s1  }
0x59: {  	[bflag:$0x3] =	sbarrier.arrive $0xFFFF  }
0x5a: {  	_ =	shalt  }

// kernel: kernel.13.cloned.1.call-start
scs
__scs_entry_jumppad:
0x0: {  	(pc) =	sbr.rel $0x88, $3  }
0x1: {  	(tag) =	ssettag $0x0;
	lr =	simm.s32 $0x1  }
0x2: {  	[smem:$0x3F86] =	sst lr;
	_ =	strace $0xD0000000  }
0x3: {  	_ = 	snop  }
0x4: {  	_ = 	snop  }
0x5: {  	_ = 	snop  }
0x6: {  	_ = 	snop  }
0x7: {  	_ = 	snop  }
__scs_overlays_trampoline_lowered:
0x8: {  	[smem:$0x3F95] =	sst s0  }
0x9: {  	[smem:$0x3F96] =	sst s1  }
0xa: {  	[smem:$0x3F97] =	sst s2  }
0xb: {  	[smem:$0x3F98] =	sst s3  }
0xc: {  	[smem:$0x3F99] =	sst s4  }
0xd: {  	[smem:$0x3F9A] =	sst s5  }
0xe: {  	[smem:$0x3F9B] =	sst s6  }
0xf: {  	[smem:$0x3F9C] =	sst s7  }
0x10: {  	[smem:$0x3F9D] =	sst s8  }
0x11: {  	[smem:$0x3F9E] =	sst s9;
	s0 =	simm.s32 @!p0 $0x0  }
0x12: {  	s1 =	sld [smem:$0x3F84];
	s0 =	simm.s32 @p0 $0x1  }
0x13: {  	[smem:$0x3F9F] =	sst s0;
	s0 =	simm.s32 @!p1 $0x0  }
0x14: {  	s2 =	sld [smem:$0x3F83];
	s0 =	simm.s32 @p1 $0x1  }
0x15: {  	[smem:$0x3FA0] =	sst s0;
	s0 =	simm.s32 @!p2 $0x0  }
0x16: {  	s3 =	sld [smem:$0x3FDB];
	s0 =	simm.s32 @p2 $0x1  }
0x17: {  	s4 =	simm.s32 $0x1BF5;
	[smem:$0x3FA2] =	sst s0  }
0x18: {  	s0 =	sld [smem:$0x3F85];
	_ =	swait.ge [sflag:s4], $0x0  }
0x19: {  	s7 =	sld [smem:$0x3F86]  }
0x1a: {  	s8 =	sadd.s32 $0xFFFFE003, lr  }
0x1b: {  	s9 =	sadd.s32 $0xFFFFFEF7, lr;
	s5 =	simm.s32 $0xFFFFFFFF;
	p2 =	slt.u32 s8, $0xFFFFF086  }
0x1c: {  	p1 =	slt.u32 s9, $0xF7A;
	s5 =	simm.s32 @!p2 $0x0  }
0x1d: {  	s5 =	simm.s32 @p1 $0x1;
	p0 =	seq.s32 s7, s2  }
0x1e: {  	s7 =	smul.u32 @!p0 $0xF7A, s2;
	p2 =	seq.s32 @!p0 s5, $0x0  }
0x1f: {  	s9 =	smul.u32 $0xF7A, s1;
	s8 =	simm.s32 @!p0 $0x1BF5;
	p2 =	por !p2, p0  }
0x20: {  	[sflag:s8] =	ssyncset.s32 @!p0 $0xFFFFF086;
	s6 =	sadd.s32 @!p0 s3, s7;
	s7 =	simm.s32 @!p0 $0x108  }
0x21: {  	s3 =	sadd.s32 s3, s9;
	s6 =	sadd.s32 @!p0 $0x88, s6;
	s7 =	simm.s32 @p2 $0x1082  }
0x22: {  	[simem:s7], [sflag:s8] =	dma.local @!p0 [hbm:s6], $0xF7A  }
0x23: {  	s9 =	sor.u32 $0xD0000000, s2;
	s6 =	simm.s32 $0x108;
	_ =	swait.ge @!p0 [sflag:s8], $0x0  }
0x24: {  	s3 =	sadd.s32 $0x88, s3;
	s6 =	simm.s32 @!p1 $0x1082;
	[sflag:s4] =	ssyncset.s32 $0xFFFFF086  }
0x25: {  	[simem:s6], [sflag:s4] =	dma.local [hbm:s3], $0xF7A  }
0x26: {  	[smem:$0x3F86] =	sst s1;
	(tag) =	ssettag s2;
	_ =	strace s9  }
0x27: {  	s1 =	sld [smem:$0x3F96]  }
0x28: {  	s2 =	sld [smem:$0x3F97]  }
0x29: {  	s4 =	sld [smem:$0x3F99]  }
0x2a: {  	p0 =	seq.s32 s5, $0x0;
	s5 =	sld [smem:$0x3F9A]  }
0x2b: {  	s6 =	sld [smem:$0x3F9B]  }
0x2c: {  	s7 =	sld [smem:$0x3F9C]  }
0x2d: {  	s3 =	simm.s32 $0x108;
	s8 =	sld [smem:$0x3F9D]  }
0x2e: {  	s3 =	simm.s32 @!p0 $0x1082;
	s9 =	sld [smem:$0x3F9E]  }
0x2f: {  	lr =	sadd.s32 s0, s3;
	s0 =	sld [smem:$0x3F95]  }
0x30: {  	s3 =	sld [smem:$0x3F98]  }
0x31: {  	[smem:$0x3FA1] =	sst s10  }
0x32: {  	s10 =	sld [smem:$0x3F9F];
	_ =	sdelay $0x3  }
0x33: {  	p0 =	seq.s32 s10, $0x1;
	s10 =	sld [smem:$0x3FA1];
	_ =	sdelay $0x3  }
0x34: {  	[smem:$0x3FA1] =	sst s10  }
0x35: {  	s10 =	sld [smem:$0x3FA0];
	_ =	sdelay $0x3  }
0x36: {  	p1 =	seq.s32 s10, $0x1;
	s10 =	sld [smem:$0x3FA1];
	_ =	sdelay $0x3  }
0x37: {  	[smem:$0x3FA1] =	sst s10  }
0x38: {  	s10 =	sld [smem:$0x3FA2]  }
0x39: {  	_ = 	snop;
	(pc) =	sbr.ind lr, $3  }
0x3a: {  	_ = 	snop  }
0x3b: {  	_ = 	snop  }
0x3c: {  	p2 =	seq.s32 s10, $0x1;
	s10 =	sld [smem:$0x3FA1]  }
0x3d: {  	_ =	shalt  }
0x3e: {  	_ =	shalt  }
0x3f: {  	_ =	shalt  }
0x40: {  	_ =	shalt  }
0x41: {  	_ =	shalt  }
0x42: {  	_ =	shalt  }
0x43: {  	_ =	shalt  }
0x44: {  	_ =	shalt  }
0x45: {  	_ =	shalt  }
0x46: {  	_ =	shalt  }
0x47: {  	_ =	shalt  }
0x48: {  	_ =	shalt  }
0x49: {  	_ =	shalt  }
0x4a: {  	_ =	shalt  }
0x4b: {  	_ =	shalt  }
0x4c: {  	_ =	shalt  }
0x4d: {  	_ =	shalt  }
0x4e: {  	_ =	shalt  }
0x4f: {  	_ =	shalt  }
0x50: {  	_ =	shalt  }
0x51: {  	_ =	shalt  }
0x52: {  	_ =	shalt  }
0x53: {  	_ =	shalt  }
0x54: {  	_ =	shalt  }
0x55: {  	_ =	shalt  }
0x56: {  	_ =	shalt  }
0x57: {  	_ =	shalt  }
0x58: {  	_ =	shalt  }
0x59: {  	_ =	shalt  }
0x5a: {  	_ =	shalt  }
0x5b: {  	_ =	shalt  }
0x5c: {  	_ =	shalt  }
0x5d: {  	_ =	shalt  }
0x5e: {  	_ =	shalt  }
0x5f: {  	_ =	shalt  }
0x60: {  	_ =	shalt  }
0x61: {  	_ =	shalt  }
0x62: {  	_ =	shalt  }
0x63: {  	_ =	shalt  }
0x64: {  	_ =	shalt  }
0x65: {  	_ =	shalt  }
0x66: {  	_ =	shalt  }
0x67: {  	_ =	shalt  }
0x68: {  	_ =	shalt  }
0x69: {  	_ =	shalt  }
0x6a: {  	_ =	shalt  }
0x6b: {  	_ =	shalt  }
0x6c: {  	_ =	shalt  }
0x6d: {  	_ =	shalt  }
0x6e: {  	_ =	shalt  }
0x6f: {  	_ =	shalt  }
0x70: {  	_ =	shalt  }
0x71: {  	_ =	shalt  }
0x72: {  	_ =	shalt  }
0x73: {  	_ =	shalt  }
0x74: {  	_ =	shalt  }
0x75: {  	_ =	shalt  }
0x76: {  	_ =	shalt  }
0x77: {  	_ =	shalt  }
0x78: {  	_ =	shalt  }
0x79: {  	_ =	shalt  }
0x7a: {  	_ =	shalt  }
0x7b: {  	_ =	shalt  }
0x7c: {  	_ =	shalt  }
0x7d: {  	_ =	shalt  }
0x7e: {  	_ =	shalt  }
0x7f: {  	_ =	shalt  }
0x80: {  	_ =	shalt  }
0x81: {  	_ =	shalt  }
0x82: {  	_ =	shalt  }
0x83: {  	_ =	shalt  }
0x84: {  	_ =	shalt  }
0x85: {  	_ =	shalt  }
0x86: {  	_ =	shalt  }
0x87: {  	_ =	shalt  }
.Lfunc_end0:
.L_simem_size_0:
called_computation.1_lowered:
.L_overlay_start_0:
0x88: {  	s2 =	sld [smem:$0x3FD9]  }
0x89: {  	s3 =	sld [smem:$0x3FFE];
	_ =	sdelay $0x1  }
0x8a: {  	s1 =	srdreg.scid  }
0x8b: {  	s0 =	sand.u32 $0x1, s1  }
0x8c: {  	s16 =	sshll.u32 s0, $0xA;
	s2 =	sadd.s32 s3, s2  }
0x8d: {  	s2 =	sadd.s32 s2, s16  }
0x8e: {  	[smem:$0x3FAD] =	sst s2  }
0x8f: {  	_ = 	snop  }
0x90: {  	(tm) =	ssettm $0x1  }
0x91: {  	s17 =	sld [smem:$0x3FFB];
	_ =	sdelay $0x3  }
0x92: {  	_ =	strace s17  }
0x93: {  	s2 =	sld [smem:$0x3FFC];
	_ =	sdelay $0x3  }
0x94: {  	_ =	strace s2  }
0x95: {  	s2 =	sld [smem:$0x3FFD];
	_ =	sdelay $0x3  }
0x96: {  	_ =	strace s2  }
0x97: {  	_ =	strace $0x8FFFFFFF  }
0x98: {  	s18 =	sld [smem:$0x3FDB];
	_ =	sdelay $0x1  }
0x99: {  	s19 =	simm.s32 $_scs_section_size  }
0x9a: {  	s4 =	simm.s32 $_size__tile_overlayer_lowered;
	s5 =	simm.s32 $_tile_overlayer_lowered  }
0x9b: {  	s22 =	simm.s32 $0x1BFF;
	s21 =	sshll.u32 s5, $0x1;
	s2 =	sadd.s32 s19, s18  }
0x9c: {  	s6 =	simm.s32 $0x0;
	s20 =	sshll.u32 s4, $0x1;
	s4 =	sadd.s32 s21, s2  }
0x9d: {  	[timem:s6], [sflag:s22] =	dma.local [hbm:s4], s20  }
0x9e: {  	_ =	swait.ge [sflag:s22], s20  }
0x9f: {  	s3 =	ssub.s32 $0x0, s20;
	[sflag:s22] =	ssyncset.done $0x0  }
0xa0: {  	[sflag:s22] =	ssyncadd.s32 s3;
	_ =	sdelay $0x1  }
0xa1: {  	s23 =	simm.s32 $0x1B8B  }
0xa2: {  	_ =	swait.ge [sflag:s23], $0x1  }
0xa3: {  	[sflag:s23] =	ssyncset.done $0x0  }
0xa4: {  	s25 =	simm.s32 $0x1B8E;
	s24 =	sld [smem:$0x3FFE];
	[sflag:s23] =	ssyncadd.s32 $0xFFFFFFFF  }
0xa5: {  	s26 =	simm.s32 $execute0_lowered;
	[smem:$0x3FD2] =	sst s25  }
0xa6: {  	s4 =	sshll.u32 s26, $0x1;
	_ =	strace $0x80000049;
	[dreg:$0x1] =	wrdreg $0xFFFFFFFF  }
0xa7: {  	s28 =	simm.s32 $_size_execute0_lowered;
	s2 =	sadd.s32 s2, s4;
	[dreg:$0x0] =	wrdreg $0x0  }
0xa8: {  	s4 =	sshll.u32 s28, $0x1;
	[dreg:$0x2] =	wrdreg s2  }
0xa9: {  	[dreg:$0x3] =	wrdreg s4  }
0xaa: {  	[dreg:$0x4] =	wrdreg $0xC0  }
0xab: {  	_ =	task [dreg:s6], $0x5FFFF  }
0xac: {  	[dreg:$0x1] =	wrdreg $0xFFFFFFFF  }
0xad: {  	[dreg:$0x0] =	wrdreg $0x60  }
0xae: {  	[dreg:$0x2] =	wrdreg s24  }
0xaf: {  	[dreg:$0x3] =	wrdreg $0x7B000  }
0xb0: {  	[dreg:$0x4] =	wrdreg $0x9  }
0xb1: {  	_ =	task.clear_ibuf [dreg:s6], $0x5FFFF;
	_ =	strace $0x90000049  }
0xb2: {  	s29 =	simm.s32 $0x9;
	_ =	strace $0x8000004B  }
0xb3: {  	_ =	swait.ge [sflag:s29], $0x1  }
0xb4: {  	[sflag:s29] =	ssyncadd.s32 $0xFFFFFFFF  }
0xb5: {  	_ =	strace $0x9000004B  }
0xb6: {  	_ =	sfence  }
0xb7: {  	s30 =	sld [smem:$0x0];
	_ =	sdelay $0x2  }
0xb8: {  	s31 =	sshll.u32 s1, $0xD;
	s1 =	sshrl.u32 s1, $0x2  }
0xb9: {  	s3 =	sand.u32 $0x4000, s31;
	s1 =	sadd.s32 s1, s30  }
0xba: {  	s0 =	sor.u32 s3, s0;
	s1 =	sshll.u32 s1, $0x11  }
0xbb: {  	s0 =	sor.u32 s1, s0  }
0xbc: {  	s0 =	sadd.s32 $0x8F2B, s0  }
0xbd: {  	[sflag:s0] =	ssyncadd.remote.s32 $0x1  }
0xbe: {  	_ =	sfence.sel $0xFFFF  }
0xbf: {  	[dreg:$0x0] =	wrdreg $0xFFFFFFFF;
	(pc) =	sbr.abs _section_cstart, $3  }
0xc0: {  	[dreg:$0x1] =	wrdreg $0xFFFFFFFF  }
0xc1: {  	_ =	task.clear_ibuf [dreg:s6], $0x2FFFF;
	_ =	strace $0x9FFFFFFF  }
0xc2: {  	(tm) =	ssettm $0x7FFFFFFF  }
0xc3: {  	_ =	shalt  }
tec
execute0_lowered:
.L_overlay_start_1:
0x0: {  	(tag) =	ssettag $0x1  }
0x1: {  	s0 =	rddreg [dreg:$0x0];
	s11 =	stileid.u32  }
0x2: {  	s1 =	rddreg [dreg:$0x1];
	s3 =	simm.s32 $0x0;
	s7 =	smul.u32 $0x14000, s11  }
0x3: {  	s2 =	srdreg.scid;
	s28 =	simm.s32 $0x100;
	s25 =	smul.u32 $0x50000, s11  }
0x4: {  	s2 =	sand.u32 $0x1, s2;
	s8 =	sshll.u32 s11, $0x1;
	s11 =	smul.u32 $0x4EC0, s11  }
0x5: {  	[smem:$0x7FF] =	sst s3;
	s4 =	sadd.s32 $0x5A00, s0;
	s6 =	smul.u32 $0x140000, s2  }
0x6: {  	s8 =	sor.u32 s2, s8;
	s9 =	ssub.s32 $0x2, s2;
	s2 =	smul.u32 $0x2760, s2  }
0x7: {  	s5 =	sadd.s32 $0x4A600, s0;
	_ =	strace $0x8000004A;
	s8 =	smul.u32 $0x2760, s8  }
0x8: {  	s10 =	sshrl.u32 s9, $0x1;
	s7 =	sadd.s32 s7, s6;
	s6 =	sadd.s32 $0x40800, s0  }
0x9: {  	s2 =	sadd.s32 s2, s11;
	s7 =	sshrl.u32 s7, $0x3;
	s8 =	sshrl.u32 s8, $0x3  }
0xa: {  	s17 =	sadd.s32 $0x190, s2;
	s22 =	sadd.s32 $0x140, s2;
	s2 =	sadd.s32 $0xF0, s2  }
0xb: {  	s0 =	sadd.s32 s7, s0;
	s23 =	sadd.s32 s5, s8;
	[dreg:$0x17] =	wrdreg s2  }
0xc: {  	s24 =	sadd.s32 $0xA, s8;
	s12 =	sadd.s32 s6, s8;
	[dreg:$0x7] =	wrdreg s23  }
0xd: {  	s7 =	ssub.s32 s9, s10;
	[dreg:$0x8] =	wrdreg s12;
	s26 =	sadd.s32 s5, s24  }
0xe: {  	s8 =	sadd.s32 $0x14, s8;
	s9 =	sadd.s32 s6, s24;
	[dreg:$0x9] =	wrdreg s26  }
0xf: {  	s29 =	simm.s32 $0x280;
	s12 =	sadd.s32 s5, s8;
	[dreg:$0xa] =	wrdreg s9  }
0x10: {  	s10 =	sshrl.u32 s25, $0x2;
	s8 =	sadd.s32 s6, s8;
	[dreg:$0xb] =	wrdreg s12  }
0x11: {  	s30 =	simm.s32 $0x300;
	s13 =	sadd.s32 s10, s1;
	[dreg:$0xd] =	wrdreg s8  }
0x12: {  	s31 =	simm.s32 $0x3;
	s0 =	sadd.s32 $0x54400, s0;
	[dreg:$0xc] =	wrdreg s13  }
0x13: {  	s11 =	simm.s32 $0x7;
	s7 =	smax.u32 s7, $0x1;
	[dreg:$0x15] =	wrdreg s0  }
0x14: {  	s2 =	simm.s32 $0x2B00;
	s14 =	sadd.s32 $0x2800, s13;
	[dreg:$0x16] =	wrdreg s7  }
0x15: {  	s23 =	sshrl.u32 s22, $0x3;
	s15 =	sadd.s32 $0x5000, s13;
	[dreg:$0xe] =	wrdreg s14  }
0x16: {  	s10 =	simm.s32 $0x1;
	s16 =	sadd.s32 $0x7800, s13;
	[dreg:$0xf] =	wrdreg s15  }
0x17: {  	s18 =	sadd.s32 $0xA000, s13;
	s19 =	sadd.s32 $0xC800, s13;
	[dreg:$0x10] =	wrdreg s16  }
0x18: {  	s8 =	sshrl.u32 s17, $0x3;
	s20 =	sadd.s32 $0xF000, s13;
	[dreg:$0x11] =	wrdreg s18  }
0x19: {  	s24 =	sadd.s32 $0x11800, s13;
	s25 =	sadd.s32 s23, s6;
	[dreg:$0x12] =	wrdreg s19  }
0x1a: {  	s26 =	sadd.s32 s23, s5;
	s0 =	simm.s32 $0x50;
	[dreg:$0x13] =	wrdreg s20  }
0x1b: {  	s7 =	simm.s32 $0x5;
	s13 =	simm.s32 $0x2;
	[dreg:$0x14] =	wrdreg s24  }
0x1c: {  	s17 =	simm.s32 $0x6;
	s21 =	sadd.s32 s8, s6;
	[dreg:$0x5] =	wrdreg s25  }
0x1d: {  	s8 =	sadd.s32 s8, s5;
	[dreg:$0x6] =	wrdreg s26;
	s24 =	simm.s32 $0x180  }
0x1e: {  	s25 =	simm.s32 $0x80;
	s26 =	simm.s32 $0x200;
	s14 =	simm.s32 $0x8  }
0x1f: {  	s15 =	simm.s32 $0x4;
	s16 =	simm.s32 $0x9;
	s18 =	simm.s32 $0xA  }
0x20: {  	s19 =	simm.s32 $0xB;
	s20 =	simm.s32 $0xC;
	[dreg:$0x3] =	wrdreg s21  }
0x21: {  	v0 =	vimm.f32 $0.0e+00;
	[dreg:$0x4] =	wrdreg s8;
	s8 =	simm.s32 $0x5300;
	s21 =	simm.s32 $0x0  }
.LBB2_1:
0x22: {  	[dreg:$0x18] =	wrdreg s21  }
0x23: {  	s9 =	rddreg [dreg:$0x7]  }
0x24: {  	[tilespmem:s3], [sflag:$0x1] =	stream.linear.gather [hbm4b:s9+s3], $0x50, $0x38;
	[tilespmem:$0x1BB00] =	vst v63  }
0x25: {  	s23 =	rddreg [dreg:$0x8]  }
0x26: {  	[tilespmem:s24], [sflag:$0x2] =	stream.linear.gather [hbm4b:s23+s3], $0x50, $0x38;
	[tilespmem:$0x1BB00] =	vst v63  }
0x27: {  	s12 =	rddreg [dreg:$0x9]  }
0x28: {  	[tilespmem:s25], [sflag:$0x3] =	stream.linear.gather [hbm4b:s12+s3], $0x50, $0x38;
	[tilespmem:$0x1BB00] =	vst v63  }
0x29: {  	s21 =	rddreg [dreg:$0xa]  }
0x2a: {  	[tilespmem:s26], [sflag:$0x4] =	stream.linear.gather [hbm4b:s21+s3], $0x50, $0x38;
	[tilespmem:$0x1BB00] =	vst v63  }
0x2b: {  	s22 =	rddreg [dreg:$0xb]  }
0x2c: {  	[tilespmem:s28], [sflag:$0x5] =	stream.linear.gather [hbm4b:s22+s3], $0x50, $0x38;
	[tilespmem:$0x1BB00] =	vst v63  }
0x2d: {  	s23 =	rddreg [dreg:$0xd];
	s12 =	sand.u32 $0xFE00, s3  }
0x2e: {  	[tilespmem:s29], [sflag:$0x6] =	stream.linear.gather [hbm4b:s23+s3], $0x50, $0x38;
	[tilespmem:$0x1BB00] =	vst v63  }
0x2f: {  	s12 =	sshrl.u32 s12, $0x2;
	s23 =	sand.u32 $0x70, s3  }
0x30: {  	s21 =	simm.s32 $0x40;
	s12 =	sor.u32 s23, s12;
	s23 =	simm.s32 $0x0  }
.LBB2_2:
0x31: {  	p0 =	sne.s32 s21, $0x9FC0  }
0x32: {  	[tilespmem:s12+$0x300] =	vst v0;
	s23 =	sadd.s32 $0x10, s23;
	s12 =	smov.u32 s21;
	s21 =	sadd.s32 $0x40, s21  }
.Ltmp0:
0x33: {  	(pc) =	sbr.rel @p0 .LBB2_2-.Ltmp0, $4  }
0x34: {  	_ = 	snop  }
0x35: {  	s12 =	sand.u32 $0xFE00, s12  }
0x36: {  	s22 =	sand.u32 $0x70, s23;
	s12 =	sshrl.u32 s12, $0x2  }
0x37: {  	s12 =	sor.u32 s22, s12  }
0x38: {  	[tilespmem:s12+$0x300] =	vst v0;
	s9 =	rddreg [dreg:$0xc]  }
0x39: {  	[spmem:s9] =	stream.linear.scatter [tilespmem:s30], [sflag:$0xD], $0x2800, $0x38;
	[tilespmem:$0x1BB00] =	vst v63  }
0x3a: {  	s22 =	rddreg [dreg:$0xe]  }
0x3b: {  	[spmem:s22] =	stream.linear.scatter [tilespmem:s30], [sflag:$0xD], $0x2800, $0x38;
	[tilespmem:$0x1BB00] =	vst v63  }
0x3c: {  	s23 =	rddreg [dreg:$0xf]  }
0x3d: {  	[spmem:s23] =	stream.linear.scatter [tilespmem:s30], [sflag:$0xD], $0x2800, $0x38;
	[tilespmem:$0x1BB00] =	vst v63  }
0x3e: {  	s12 =	rddreg [dreg:$0x10]  }
0x3f: {  	[spmem:s12] =	stream.linear.scatter [tilespmem:s30], [sflag:$0xD], $0x2800, $0x38;
	[tilespmem:$0x1BB00] =	vst v63  }
0x40: {  	s21 =	rddreg [dreg:$0x11]  }
0x41: {  	[spmem:s21] =	stream.linear.scatter [tilespmem:s30], [sflag:$0xD], $0x2800, $0x38;
	[tilespmem:$0x1BB00] =	vst v63  }
0x42: {  	s22 =	rddreg [dreg:$0x12]  }
0x43: {  	[spmem:s22] =	stream.linear.scatter [tilespmem:s30], [sflag:$0xD], $0x2800, $0x38;
	[tilespmem:$0x1BB00] =	vst v63  }
0x44: {  	s23 =	rddreg [dreg:$0x13]  }
0x45: {  	[spmem:s23] =	stream.linear.scatter [tilespmem:s30], [sflag:$0xD], $0x2800, $0x38;
	[tilespmem:$0x1BB00] =	vst v63  }
0x46: {  	s12 =	rddreg [dreg:$0x14]  }
0x47: {  	[spmem:s12] =	stream.linear.scatter [tilespmem:s30], [sflag:$0xD], $0x2800, $0x38;
	[tilespmem:$0x1BB00] =	vst v63  }
0x48: {  	_ =	swait.ge [sflag:s31], $0x50  }
0x49: {  	[sflag:s31] =	ssyncset.done $0x0  }
0x4a: {  	[sflag:s31] =	ssyncadd.s32 $0xFFFFFFB0  }
0x4b: {  	[tilespmem:s2], [sflag:$0x8] =	stream.indirect.gather [hbm4b:s4+s0], $0x80, s25, s0, $0xb8;
	[tilespmem:$0x1BB00] =	vst v63  }
0x4c: {  	_ =	swait.ge [sflag:s7], $0x50  }
0x4d: {  	[sflag:s7] =	ssyncset.done $0x0  }
0x4e: {  	s21 =	simm.s32 $0xD;
	[sflag:s7] =	ssyncadd.s32 $0xFFFFFFB0  }
0x4f: {  	[tilespmem:s8], [sflag:$0x9] =	stream.indirect.gather [hbm4b:s4+s0], $0x80, s28, s0, $0xb8;
	[tilespmem:$0x1BB00] =	vst v63  }
0x50: {  	_ =	swait.ge [sflag:s21], $0x2800  }
0x51: {  	[sflag:s21] =	ssyncset.done $0x0  }
0x52: {  	[sflag:s21] =	ssyncadd.s32 $0xFFFFD800  }
0x53: {  	_ =	swait.ge [sflag:s21], $0x2800  }
0x54: {  	[sflag:s21] =	ssyncset.done $0x0  }
0x55: {  	[sflag:s21] =	ssyncadd.s32 $0xFFFFD800  }
0x56: {  	_ =	swait.ge [sflag:s21], $0x2800  }
0x57: {  	[sflag:s21] =	ssyncset.done $0x0  }
0x58: {  	[sflag:s21] =	ssyncadd.s32 $0xFFFFD800  }
0x59: {  	_ =	swait.ge [sflag:s21], $0x2800  }
0x5a: {  	[sflag:s21] =	ssyncset.done $0x0  }
0x5b: {  	[sflag:s21] =	ssyncadd.s32 $0xFFFFD800  }
0x5c: {  	_ =	swait.ge [sflag:s21], $0x2800  }
0x5d: {  	[sflag:s21] =	ssyncset.done $0x0  }
0x5e: {  	[sflag:s21] =	ssyncadd.s32 $0xFFFFD800  }
0x5f: {  	_ =	swait.ge [sflag:s21], $0x2800  }
0x60: {  	[sflag:s21] =	ssyncset.done $0x0  }
0x61: {  	[sflag:s21] =	ssyncadd.s32 $0xFFFFD800  }
0x62: {  	_ =	swait.ge [sflag:s21], $0x2800  }
0x63: {  	[sflag:s21] =	ssyncset.done $0x0  }
0x64: {  	[sflag:s21] =	ssyncadd.s32 $0xFFFFD800  }
0x65: {  	_ =	swait.ge [sflag:s21], $0x2800  }
0x66: {  	[sflag:s21] =	ssyncset.done $0x0  }
0x67: {  	[sflag:s21] =	ssyncadd.s32 $0xFFFFD800  }
0x68: {  	_ =	swait.ge [sflag:s10], $0x50  }
0x69: {  	[sflag:s10] =	ssyncset.done $0x0  }
0x6a: {  	s22 =	simm.s32 $0x0;
	[sflag:s10] =	ssyncadd.s32 $0xFFFFFFB0  }
0x6b: {  	[tilespmem:s30], [sflag:$0x7] =	stream.indirect.gather [hbm4b:s4+s0], $0x80, s22, s0, $0xb8;
	[tilespmem:$0x1BB00] =	vst v63  }
0x6c: {  	[bflag:$0x0] =	sbarrier.arrive $0xFFFF  }
0x6d: {  	_ =	swait.ge [sflag:s11], $0x2800  }
0x6e: {  	[sflag:s11] =	ssyncset.done $0x0  }
0x6f: {  	[sflag:s11] =	ssyncadd.s32 $0xFFFFD800  }
0x70: {  	_ =	swait.ge [sflag:s13], $0x50  }
0x71: {  	[sflag:s13] =	ssyncset.done $0x0  }
0x72: {  	[sflag:s13] =	ssyncadd.s32 $0xFFFFFFB0  }
0x73: {  	[spmem:s1] =	stream.indirect.scatter.add.f32 [tilespmem:s30], [sflag:$0xA], $0x80, s24, s0, $0xb8;
	[tilespmem:$0x1BB00] =	vst v63  }
0x74: {  	_ =	swait.ge [sflag:s14], $0x2800  }
0x75: {  	[sflag:s14] =	ssyncset.done $0x0  }
0x76: {  	[sflag:s14] =	ssyncadd.s32 $0xFFFFD800  }
0x77: {  	_ =	swait.ge [sflag:s15], $0x50  }
0x78: {  	[sflag:s15] =	ssyncset.done $0x0  }
0x79: {  	[sflag:s15] =	ssyncadd.s32 $0xFFFFFFB0  }
0x7a: {  	[spmem:s1] =	stream.indirect.scatter.add.f32 [tilespmem:s2], [sflag:$0xB], $0x80, s26, s0, $0xb8;
	[tilespmem:$0x1BB00] =	vst v63  }
0x7b: {  	_ =	swait.ge [sflag:s16], $0x2800  }
0x7c: {  	[sflag:s16] =	ssyncset.done $0x0  }
0x7d: {  	[sflag:s16] =	ssyncadd.s32 $0xFFFFD800  }
0x7e: {  	_ =	swait.ge [sflag:s17], $0x50  }
0x7f: {  	[sflag:s17] =	ssyncset.done $0x0  }
0x80: {  	[sflag:s17] =	ssyncadd.s32 $0xFFFFFFB0  }
0x81: {  	[spmem:s1] =	stream.indirect.scatter.add.f32 [tilespmem:s8], [sflag:$0xC], $0x80, s29, s0, $0xb8;
	[tilespmem:$0x1BB00] =	vst v63  }
0x82: {  	_ =	swait.ge [sflag:s18], $0x2800  }
0x83: {  	s9 =	rddreg [dreg:$0x17]  }
0x84: {  	[sflag:s18] =	ssyncset.done $0x0;
	s23 =	sshrl.u32 s9, $0x3  }
0x85: {  	[sflag:s18] =	ssyncadd.s32 $0xFFFFD800;
	s21 =	sadd.s32 s5, s23  }
0x86: {  	[tilespmem:s3], [sflag:$0x1] =	stream.linear.gather [hbm4b:s21+s3], $0x50, $0x38;
	[tilespmem:$0x1BB00] =	vst v63  }
0x87: {  	s12 =	sadd.s32 s6, s23  }
0x88: {  	[tilespmem:s24], [sflag:$0x2] =	stream.linear.gather [hbm4b:s12+s3], $0x50, $0x38;
	[tilespmem:$0x1BB00] =	vst v63  }
0x89: {  	_ =	swait.ge [sflag:s19], $0x2800  }
0x8a: {  	s21 =	rddreg [dreg:$0x6];
	[sflag:s19] =	ssyncset.done $0x0  }
0x8b: {  	s22 =	rddreg [dreg:$0x5];
	[sflag:s19] =	ssyncadd.s32 $0xFFFFD800;
	s12 =	sadd.s32 $0x0, s21  }
0x8c: {  	[tilespmem:s25], [sflag:$0x3] =	stream.linear.gather [hbm4b:s12+s3], $0x50, $0x38;
	[tilespmem:$0x1BB00] =	vst v63  }
0x8d: {  	s23 =	sadd.s32 $0x0, s22  }
0x8e: {  	[tilespmem:s26], [sflag:$0x4] =	stream.linear.gather [hbm4b:s23+s3], $0x50, $0x38;
	[tilespmem:$0x1BB00] =	vst v63  }
0x8f: {  	_ =	swait.ge [sflag:s20], $0x2800  }
0x90: {  	s21 =	rddreg [dreg:$0x4];
	[sflag:s20] =	ssyncset.done $0x0  }
0x91: {  	s22 =	rddreg [dreg:$0x3];
	[sflag:s20] =	ssyncadd.s32 $0xFFFFD800;
	s12 =	sadd.s32 $0x0, s21  }
0x92: {  	[tilespmem:s28], [sflag:$0x5] =	stream.linear.gather [hbm4b:s12+s3], $0x50, $0x38;
	[tilespmem:$0x1BB00] =	vst v63  }
0x93: {  	s23 =	sadd.s32 $0x0, s22  }
0x94: {  	[tilespmem:s29], [sflag:$0x6] =	stream.linear.gather [hbm4b:s23+s3], $0x50, $0x38;
	[tilespmem:$0x1BB00] =	vst v63  }
0x95: {  	_ =	swait.ge [sflag:s10], $0x50  }
0x96: {  	[sflag:s10] =	ssyncset.done $0x0  }
0x97: {  	[sflag:s10] =	ssyncadd.s32 $0xFFFFFFB0  }
0x98: {  	[tilespmem:s30], [sflag:$0x7] =	stream.indirect.gather [hbm4b:s4+s0], $0x80, s3, s0, $0xb8;
	[tilespmem:$0x1BB00] =	vst v63  }
0x99: {  	_ =	swait.ge [sflag:s31], $0x50  }
0x9a: {  	[sflag:s31] =	ssyncset.done $0x0  }
0x9b: {  	[sflag:s31] =	ssyncadd.s32 $0xFFFFFFB0  }
0x9c: {  	[tilespmem:s2], [sflag:$0x8] =	stream.indirect.gather [hbm4b:s4+s0], $0x80, s25, s0, $0xb8;
	[tilespmem:$0x1BB00] =	vst v63  }
0x9d: {  	_ =	swait.ge [sflag:s7], $0x50  }
0x9e: {  	[sflag:s7] =	ssyncset.done $0x0  }
0x9f: {  	[sflag:s7] =	ssyncadd.s32 $0xFFFFFFB0  }
0xa0: {  	[tilespmem:s8], [sflag:$0x9] =	stream.indirect.gather [hbm4b:s4+s0], $0x80, s28, s0, $0xb8;
	[tilespmem:$0x1BB00] =	vst v63  }
0xa1: {  	_ =	swait.ge [sflag:s11], $0x2800  }
0xa2: {  	[sflag:s11] =	ssyncset.done $0x0  }
0xa3: {  	[sflag:s11] =	ssyncadd.s32 $0xFFFFD800  }
0xa4: {  	_ =	swait.ge [sflag:s13], $0x50  }
0xa5: {  	[sflag:s13] =	ssyncset.done $0x0  }
0xa6: {  	[sflag:s13] =	ssyncadd.s32 $0xFFFFFFB0  }
0xa7: {  	[spmem:s1] =	stream.indirect.scatter.add.f32 [tilespmem:s30], [sflag:$0xA], $0x80, s24, s0, $0xb8;
	[tilespmem:$0x1BB00] =	vst v63  }
0xa8: {  	_ =	swait.ge [sflag:s14], $0x2800  }
0xa9: {  	[sflag:s14] =	ssyncset.done $0x0  }
0xaa: {  	[sflag:s14] =	ssyncadd.s32 $0xFFFFD800  }
0xab: {  	_ =	swait.ge [sflag:s15], $0x50  }
0xac: {  	[sflag:s15] =	ssyncset.done $0x0  }
0xad: {  	[sflag:s15] =	ssyncadd.s32 $0xFFFFFFB0  }
0xae: {  	[spmem:s1] =	stream.indirect.scatter.add.f32 [tilespmem:s2], [sflag:$0xB], $0x80, s26, s0, $0xb8;
	[tilespmem:$0x1BB00] =	vst v63  }
0xaf: {  	_ =	swait.ge [sflag:s16], $0x2800  }
0xb0: {  	[sflag:s16] =	ssyncset.done $0x0  }
0xb1: {  	[sflag:s16] =	ssyncadd.s32 $0xFFFFD800  }
0xb2: {  	_ =	swait.ge [sflag:s17], $0x50  }
0xb3: {  	[sflag:s17] =	ssyncset.done $0x0  }
0xb4: {  	s21 =	simm.s32 $0x1E;
	s23 =	sadd.s32 $0xF0, s9;
	[sflag:s17] =	ssyncadd.s32 $0xFFFFFFB0  }
.LBB2_4:
0xb5: {  	[spmem:s1] =	stream.indirect.scatter.add.f32 [tilespmem:s8], [sflag:$0xC], $0x80, s29, s0, $0xb8;
	[tilespmem:$0x1BB00] =	vst v63  }
0xb6: {  	_ =	swait.ge [sflag:s18], $0x2800  }
0xb7: {  	s22 =	sshrl.u32 s23, $0x3;
	[sflag:s18] =	ssyncset.done $0x0  }
0xb8: {  	s9 =	sadd.s32 s5, s22;
	[sflag:s18] =	ssyncadd.s32 $0xFFFFD800  }
0xb9: {  	[tilespmem:s3], [sflag:$0x1] =	stream.linear.gather [hbm4b:s9+s3], $0x50, $0x38;
	[tilespmem:$0x1BB00] =	vst v63  }
0xba: {  	s22 =	sadd.s32 s6, s22  }
0xbb: {  	[tilespmem:s24], [sflag:$0x2] =	stream.linear.gather [hbm4b:s22+s3], $0x50, $0x38;
	[tilespmem:$0x1BB00] =	vst v63  }
0xbc: {  	_ =	swait.ge [sflag:s19], $0x2800  }
0xbd: {  	s12 =	smov.u32 s21;
	s9 =	rddreg [dreg:$0x6];
	[sflag:s19] =	ssyncset.done $0x0  }
0xbe: {  	s22 =	rddreg [dreg:$0x5];
	[sflag:s19] =	ssyncadd.s32 $0xFFFFD800;
	s9 =	sadd.s32 s12, s9  }
0xbf: {  	[tilespmem:s25], [sflag:$0x3] =	stream.linear.gather [hbm4b:s9+s3], $0x50, $0x38;
	[tilespmem:$0x1BB00] =	vst v63  }
0xc0: {  	s22 =	sadd.s32 s12, s22  }
0xc1: {  	[tilespmem:s26], [sflag:$0x4] =	stream.linear.gather [hbm4b:s22+s3], $0x50, $0x38;
	[tilespmem:$0x1BB00] =	vst v63  }
0xc2: {  	_ =	swait.ge [sflag:s20], $0x2800  }
0xc3: {  	s9 =	rddreg [dreg:$0x4];
	[sflag:s20] =	ssyncset.done $0x0  }
0xc4: {  	s22 =	rddreg [dreg:$0x3];
	[sflag:s20] =	ssyncadd.s32 $0xFFFFD800;
	s9 =	sadd.s32 s12, s9  }
0xc5: {  	[tilespmem:s28], [sflag:$0x5] =	stream.linear.gather [hbm4b:s9+s3], $0x50, $0x38;
	[tilespmem:$0x1BB00] =	vst v63  }
0xc6: {  	s22 =	sadd.s32 s12, s22  }
0xc7: {  	[tilespmem:s29], [sflag:$0x6] =	stream.linear.gather [hbm4b:s22+s3], $0x50, $0x38;
	[tilespmem:$0x1BB00] =	vst v63  }
0xc8: {  	_ =	swait.ge [sflag:s10], $0x50  }
0xc9: {  	[sflag:s10] =	ssyncset.done $0x0  }
0xca: {  	[sflag:s10] =	ssyncadd.s32 $0xFFFFFFB0  }
0xcb: {  	[tilespmem:s30], [sflag:$0x7] =	stream.indirect.gather [hbm4b:s4+s0], $0x80, s3, s0, $0xb8;
	[tilespmem:$0x1BB00] =	vst v63  }
0xcc: {  	_ =	swait.ge [sflag:s31], $0x50  }
0xcd: {  	[sflag:s31] =	ssyncset.done $0x0  }
0xce: {  	[sflag:s31] =	ssyncadd.s32 $0xFFFFFFB0  }
0xcf: {  	[tilespmem:s2], [sflag:$0x8] =	stream.indirect.gather [hbm4b:s4+s0], $0x80, s25, s0, $0xb8;
	[tilespmem:$0x1BB00] =	vst v63  }
0xd0: {  	_ =	swait.ge [sflag:s7], $0x50  }
0xd1: {  	[sflag:s7] =	ssyncset.done $0x0  }
0xd2: {  	[sflag:s7] =	ssyncadd.s32 $0xFFFFFFB0  }
0xd3: {  	[tilespmem:s8], [sflag:$0x9] =	stream.indirect.gather [hbm4b:s4+s0], $0x80, s28, s0, $0xb8;
	[tilespmem:$0x1BB00] =	vst v63  }
0xd4: {  	_ =	swait.ge [sflag:s11], $0x2800  }
0xd5: {  	[sflag:s11] =	ssyncset.done $0x0  }
0xd6: {  	[sflag:s11] =	ssyncadd.s32 $0xFFFFD800  }
0xd7: {  	_ =	swait.ge [sflag:s13], $0x50  }
0xd8: {  	[sflag:s13] =	ssyncset.done $0x0  }
0xd9: {  	[sflag:s13] =	ssyncadd.s32 $0xFFFFFFB0  }
0xda: {  	[spmem:s1] =	stream.indirect.scatter.add.f32 [tilespmem:s30], [sflag:$0xA], $0x80, s24, s0, $0xb8;
	[tilespmem:$0x1BB00] =	vst v63  }
0xdb: {  	_ =	swait.ge [sflag:s14], $0x2800  }
0xdc: {  	[sflag:s14] =	ssyncset.done $0x0  }
0xdd: {  	[sflag:s14] =	ssyncadd.s32 $0xFFFFD800  }
0xde: {  	_ =	swait.ge [sflag:s15], $0x50  }
0xdf: {  	[sflag:s15] =	ssyncset.done $0x0  }
0xe0: {  	[sflag:s15] =	ssyncadd.s32 $0xFFFFFFB0  }
0xe1: {  	[spmem:s1] =	stream.indirect.scatter.add.f32 [tilespmem:s2], [sflag:$0xB], $0x80, s26, s0, $0xb8;
	[tilespmem:$0x1BB00] =	vst v63  }
0xe2: {  	p0 =	sne.s32 s21, $0x4B0;
	_ =	swait.ge [sflag:s16], $0x2800  }
.Ltmp1:
0xe3: {  	[sflag:s16] =	ssyncset.done $0x0;
	(pc) =	sbr.rel @p0 .LBB2_4-.Ltmp1, $4  }
0xe4: {  	[sflag:s16] =	ssyncadd.s32 $0xFFFFD800  }
0xe5: {  	_ =	swait.ge [sflag:s17], $0x50  }
0xe6: {  	[sflag:s17] =	ssyncset.done $0x0  }
0xe7: {  	s21 =	sadd.s32 $0x1E, s21;
	s23 =	sadd.s32 $0xF0, s23;
	[sflag:s17] =	ssyncadd.s32 $0xFFFFFFB0  }
0xe8: {  	[spmem:s1] =	stream.indirect.scatter.add.f32 [tilespmem:s8], [sflag:$0xC], $0x80, s29, s0, $0xb8;
	[tilespmem:$0x1BB00] =	vst v63  }
0xe9: {  	_ =	swait.ge [sflag:s18], $0x2800  }
0xea: {  	[sflag:s18] =	ssyncset.done $0x0  }
0xeb: {  	[sflag:s18] =	ssyncadd.s32 $0xFFFFD800  }
0xec: {  	_ =	swait.ge [sflag:s19], $0x2800  }
0xed: {  	[sflag:s19] =	ssyncset.done $0x0  }
0xee: {  	[sflag:s19] =	ssyncadd.s32 $0xFFFFD800  }
0xef: {  	_ =	swait.ge [sflag:s20], $0x2800  }
0xf0: {  	[sflag:s20] =	ssyncset.done $0x0  }
0xf1: {  	[sflag:s20] =	ssyncadd.s32 $0xFFFFD800  }
0xf2: {  	s9 =	stileid.u32;
	[bflag:$0x0] =	sbarrier.arrive $0xFFFF  }
0xf3: {  	s9 =	sshll.u32 s9, $0x6;
	s12 =	rddreg [dreg:$0xc]  }
0xf4: {  	s9 =	sor.u32 $0x1C0E, s9;
	s21 =	rddreg [dreg:$0x15];
	s12 =	sshrl.u32 s12, $0x3  }
0xf5: {  	[hbm:s21], [sflag:s9] =	dma.local [spmem:s12], $0x2800  }
0xf6: {  	s12 =	simm.s32 $0xE  }
0xf7: {  	_ =	swait.ge [sflag:s12], $0x2800  }
0xf8: {  	s22 =	rddreg [dreg:$0x18]  }
0xf9: {  	s23 =	rddreg [dreg:$0x16];
	s21 =	sadd.s32 $0x1, s22  }
0xfa: {  	p0 =	sne.s32 s21, s23  }
.Ltmp2:
0xfb: {  	_ = 	snop;
	(pc) =	sbr.rel @p0 .LBB2_1-.Ltmp2, $3  }
0xfc: {  	_ =	sdelay $0x1  }
0xfd: {  	[sflag:s12] =	ssyncset.done $0x0  }
0xfe: {  	[sflag:s12] =	ssyncadd.s32 $0xFFFFD800  }
0xff: {  	_ =	sfence.sel $0x180000  }
0x100: {  	[bflag:$0x0] =	sbarrier.arrive $0xFFFF  }
0x101: {  	_ =	strace $0x9000004A  }
0x102: {  	s0 =	stileid.u32;
	[bflag:$0x2] =	sbarrier.arrive $0xFFFF  }
0x103: {  	p0 =	sne.s32 s0, $0x0;
	s0 =	rddreg [dreg:$0x2]  }
0x104: {  	s0 =	sadd.s32 @!p0 $0x100000, s0  }
0x105: {  	[sflag:s0] =	ssyncadd.tile.s32 @!p0 $0x1;
	_ =	shalt  }
.Lfunc_end2:
_tile_overlayer_lowered:
.L_overlay_start_2:
0x106: {  	(tag) =	ssettag $0x2  }
0x107: {  	s0 =	rddreg [dreg:$0x0];
	s2 =	stileid.u32  }
0x108: {  	s1 =	rddreg [dreg:$0x1];
	p0 =	sne.s32 s2, $0x0  }
0x109: {  	s3 =	rddreg [dreg:$0x2];
	[bflag:$0x3] =	sbarrier.arrive $0xFFFF;
	s2 =	simm.s32 @!p0 $0x1C0E  }
0x10a: {  	[timem:s3], [sflag:s2] =	dma.local @!p0 [hbm:s0], s1  }
0x10b: {  	s0 =	simm.s32 @!p0 $0xE  }
0x10c: {  	_ =	swait.ge @!p0 [sflag:s0], s1  }
0x10d: {  	s1 =	ssub.s32 @!p0 $0x0, s1;
	[sflag:s0] =	ssyncset.done @!p0 $0x0  }
0x10e: {  	[sflag:s0] =	ssyncadd.s32 @!p0 s1  }
0x10f: {  	[bflag:$0x3] =	sbarrier.arrive $0xFFFF  }
0x110: {  	_ =	shalt  }

// kernel: kernel.16.cloned.1.call-start
scs
__scs_entry_jumppad:
0x0: {  	(pc) =	sbr.rel $0x88, $3  }
0x1: {  	(tag) =	ssettag $0x0;
	lr =	simm.s32 $0x1  }
0x2: {  	[smem:$0x3F86] =	sst lr;
	_ =	strace $0xD0000000  }
0x3: {  	_ = 	snop  }
0x4: {  	_ = 	snop  }
0x5: {  	_ = 	snop  }
0x6: {  	_ = 	snop  }
0x7: {  	_ = 	snop  }
__scs_overlays_trampoline_lowered:
0x8: {  	[smem:$0x3F95] =	sst s0  }
0x9: {  	[smem:$0x3F96] =	sst s1  }
0xa: {  	[smem:$0x3F97] =	sst s2  }
0xb: {  	[smem:$0x3F98] =	sst s3  }
0xc: {  	[smem:$0x3F99] =	sst s4  }
0xd: {  	[smem:$0x3F9A] =	sst s5  }
0xe: {  	[smem:$0x3F9B] =	sst s6  }
0xf: {  	[smem:$0x3F9C] =	sst s7  }
0x10: {  	[smem:$0x3F9D] =	sst s8  }
0x11: {  	[smem:$0x3F9E] =	sst s9;
	s0 =	simm.s32 @!p0 $0x0  }
0x12: {  	s1 =	sld [smem:$0x3F84];
	s0 =	simm.s32 @p0 $0x1  }
0x13: {  	[smem:$0x3F9F] =	sst s0;
	s0 =	simm.s32 @!p1 $0x0  }
0x14: {  	s2 =	sld [smem:$0x3F83];
	s0 =	simm.s32 @p1 $0x1  }
0x15: {  	[smem:$0x3FA0] =	sst s0;
	s0 =	simm.s32 @!p2 $0x0  }
0x16: {  	s3 =	sld [smem:$0x3FDB];
	s0 =	simm.s32 @p2 $0x1  }
0x17: {  	s4 =	simm.s32 $0x1BF5;
	[smem:$0x3FA2] =	sst s0  }
0x18: {  	s0 =	sld [smem:$0x3F85];
	_ =	swait.ge [sflag:s4], $0x0  }
0x19: {  	s7 =	sld [smem:$0x3F86]  }
0x1a: {  	s8 =	sadd.s32 $0xFFFFE003, lr  }
0x1b: {  	s9 =	sadd.s32 $0xFFFFFEF7, lr;
	s5 =	simm.s32 $0xFFFFFFFF;
	p2 =	slt.u32 s8, $0xFFFFF086  }
0x1c: {  	p1 =	slt.u32 s9, $0xF7A;
	s5 =	simm.s32 @!p2 $0x0  }
0x1d: {  	s5 =	simm.s32 @p1 $0x1;
	p0 =	seq.s32 s7, s2  }
0x1e: {  	s7 =	smul.u32 @!p0 $0xF7A, s2;
	p2 =	seq.s32 @!p0 s5, $0x0  }
0x1f: {  	s9 =	smul.u32 $0xF7A, s1;
	s8 =	simm.s32 @!p0 $0x1BF5;
	p2 =	por !p2, p0  }
0x20: {  	[sflag:s8] =	ssyncset.s32 @!p0 $0xFFFFF086;
	s6 =	sadd.s32 @!p0 s3, s7;
	s7 =	simm.s32 @!p0 $0x108  }
0x21: {  	s3 =	sadd.s32 s3, s9;
	s6 =	sadd.s32 @!p0 $0x88, s6;
	s7 =	simm.s32 @p2 $0x1082  }
0x22: {  	[simem:s7], [sflag:s8] =	dma.local @!p0 [hbm:s6], $0xF7A  }
0x23: {  	s9 =	sor.u32 $0xD0000000, s2;
	s6 =	simm.s32 $0x108;
	_ =	swait.ge @!p0 [sflag:s8], $0x0  }
0x24: {  	s3 =	sadd.s32 $0x88, s3;
	s6 =	simm.s32 @!p1 $0x1082;
	[sflag:s4] =	ssyncset.s32 $0xFFFFF086  }
0x25: {  	[simem:s6], [sflag:s4] =	dma.local [hbm:s3], $0xF7A  }
0x26: {  	[smem:$0x3F86] =	sst s1;
	(tag) =	ssettag s2;
	_ =	strace s9  }
0x27: {  	s1 =	sld [smem:$0x3F96]  }
0x28: {  	s2 =	sld [smem:$0x3F97]  }
0x29: {  	s4 =	sld [smem:$0x3F99]  }
0x2a: {  	p0 =	seq.s32 s5, $0x0;
	s5 =	sld [smem:$0x3F9A]  }
0x2b: {  	s6 =	sld [smem:$0x3F9B]  }
0x2c: {  	s7 =	sld [smem:$0x3F9C]  }
0x2d: {  	s3 =	simm.s32 $0x108;
	s8 =	sld [smem:$0x3F9D]  }
0x2e: {  	s3 =	simm.s32 @!p0 $0x1082;
	s9 =	sld [smem:$0x3F9E]  }
0x2f: {  	lr =	sadd.s32 s0, s3;
	s0 =	sld [smem:$0x3F95]  }
0x30: {  	s3 =	sld [smem:$0x3F98]  }
0x31: {  	[smem:$0x3FA1] =	sst s10  }
0x32: {  	s10 =	sld [smem:$0x3F9F];
	_ =	sdelay $0x3  }
0x33: {  	p0 =	seq.s32 s10, $0x1;
	s10 =	sld [smem:$0x3FA1];
	_ =	sdelay $0x3  }
0x34: {  	[smem:$0x3FA1] =	sst s10  }
0x35: {  	s10 =	sld [smem:$0x3FA0];
	_ =	sdelay $0x3  }
0x36: {  	p1 =	seq.s32 s10, $0x1;
	s10 =	sld [smem:$0x3FA1];
	_ =	sdelay $0x3  }
0x37: {  	[smem:$0x3FA1] =	sst s10  }
0x38: {  	s10 =	sld [smem:$0x3FA2]  }
0x39: {  	_ = 	snop;
	(pc) =	sbr.ind lr, $3  }
0x3a: {  	_ = 	snop  }
0x3b: {  	_ = 	snop  }
0x3c: {  	p2 =	seq.s32 s10, $0x1;
	s10 =	sld [smem:$0x3FA1]  }
0x3d: {  	_ =	shalt  }
0x3e: {  	_ =	shalt  }
0x3f: {  	_ =	shalt  }
0x40: {  	_ =	shalt  }
0x41: {  	_ =	shalt  }
0x42: {  	_ =	shalt  }
0x43: {  	_ =	shalt  }
0x44: {  	_ =	shalt  }
0x45: {  	_ =	shalt  }
0x46: {  	_ =	shalt  }
0x47: {  	_ =	shalt  }
0x48: {  	_ =	shalt  }
0x49: {  	_ =	shalt  }
0x4a: {  	_ =	shalt  }
0x4b: {  	_ =	shalt  }
0x4c: {  	_ =	shalt  }
0x4d: {  	_ =	shalt  }
0x4e: {  	_ =	shalt  }
0x4f: {  	_ =	shalt  }
0x50: {  	_ =	shalt  }
0x51: {  	_ =	shalt  }
0x52: {  	_ =	shalt  }
0x53: {  	_ =	shalt  }
0x54: {  	_ =	shalt  }
0x55: {  	_ =	shalt  }
0x56: {  	_ =	shalt  }
0x57: {  	_ =	shalt  }
0x58: {  	_ =	shalt  }
0x59: {  	_ =	shalt  }
0x5a: {  	_ =	shalt  }
0x5b: {  	_ =	shalt  }
0x5c: {  	_ =	shalt  }
0x5d: {  	_ =	shalt  }
0x5e: {  	_ =	shalt  }
0x5f: {  	_ =	shalt  }
0x60: {  	_ =	shalt  }
0x61: {  	_ =	shalt  }
0x62: {  	_ =	shalt  }
0x63: {  	_ =	shalt  }
0x64: {  	_ =	shalt  }
0x65: {  	_ =	shalt  }
0x66: {  	_ =	shalt  }
0x67: {  	_ =	shalt  }
0x68: {  	_ =	shalt  }
0x69: {  	_ =	shalt  }
0x6a: {  	_ =	shalt  }
0x6b: {  	_ =	shalt  }
0x6c: {  	_ =	shalt  }
0x6d: {  	_ =	shalt  }
0x6e: {  	_ =	shalt  }
0x6f: {  	_ =	shalt  }
0x70: {  	_ =	shalt  }
0x71: {  	_ =	shalt  }
0x72: {  	_ =	shalt  }
0x73: {  	_ =	shalt  }
0x74: {  	_ =	shalt  }
0x75: {  	_ =	shalt  }
0x76: {  	_ =	shalt  }
0x77: {  	_ =	shalt  }
0x78: {  	_ =	shalt  }
0x79: {  	_ =	shalt  }
0x7a: {  	_ =	shalt  }
0x7b: {  	_ =	shalt  }
0x7c: {  	_ =	shalt  }
0x7d: {  	_ =	shalt  }
0x7e: {  	_ =	shalt  }
0x7f: {  	_ =	shalt  }
0x80: {  	_ =	shalt  }
0x81: {  	_ =	shalt  }
0x82: {  	_ =	shalt  }
0x83: {  	_ =	shalt  }
0x84: {  	_ =	shalt  }
0x85: {  	_ =	shalt  }
0x86: {  	_ =	shalt  }
0x87: {  	_ =	shalt  }
.Lfunc_end0:
.L_simem_size_0:
called_computation.2_lowered:
.L_overlay_start_0:
0x88: {  	s2 =	sld [smem:$0x3FD9]  }
0x89: {  	s3 =	sld [smem:$0x3FFE];
	_ =	sdelay $0x1  }
0x8a: {  	s1 =	srdreg.scid  }
0x8b: {  	s0 =	sand.u32 $0x1, s1  }
0x8c: {  	s16 =	sshll.u32 s0, $0xA;
	s2 =	sadd.s32 s3, s2  }
0x8d: {  	s2 =	sadd.s32 s2, s16  }
0x8e: {  	[smem:$0x3FAD] =	sst s2  }
0x8f: {  	_ = 	snop  }
0x90: {  	(tm) =	ssettm $0x1  }
0x91: {  	s17 =	sld [smem:$0x3FFB];
	_ =	sdelay $0x3  }
0x92: {  	_ =	strace s17  }
0x93: {  	s2 =	sld [smem:$0x3FFC];
	_ =	sdelay $0x3  }
0x94: {  	_ =	strace s2  }
0x95: {  	s2 =	sld [smem:$0x3FFD];
	_ =	sdelay $0x3  }
0x96: {  	_ =	strace s2  }
0x97: {  	_ =	strace $0x8FFFFFFF  }
0x98: {  	s18 =	sld [smem:$0x3FDB];
	_ =	sdelay $0x1  }
0x99: {  	s19 =	simm.s32 $_scs_section_size  }
0x9a: {  	s4 =	simm.s32 $_size__tile_overlayer_lowered;
	s5 =	simm.s32 $_tile_overlayer_lowered  }
0x9b: {  	s22 =	simm.s32 $0x1BFF;
	s21 =	sshll.u32 s5, $0x1;
	s2 =	sadd.s32 s19, s18  }
0x9c: {  	s6 =	simm.s32 $0x0;
	s20 =	sshll.u32 s4, $0x1;
	s4 =	sadd.s32 s21, s2  }
0x9d: {  	[timem:s6], [sflag:s22] =	dma.local [hbm:s4], s20  }
0x9e: {  	_ =	swait.ge [sflag:s22], s20  }
0x9f: {  	s3 =	ssub.s32 $0x0, s20;
	[sflag:s22] =	ssyncset.done $0x0  }
0xa0: {  	[sflag:s22] =	ssyncadd.s32 s3;
	_ =	sdelay $0x1  }
0xa1: {  	s23 =	simm.s32 $0x1B8B  }
0xa2: {  	_ =	swait.ge [sflag:s23], $0x1  }
0xa3: {  	[sflag:s23] =	ssyncset.done $0x0  }
0xa4: {  	s25 =	simm.s32 $0x1B8E;
	s24 =	sld [smem:$0x3FFE];
	[sflag:s23] =	ssyncadd.s32 $0xFFFFFFFF  }
0xa5: {  	s26 =	simm.s32 $execute0_lowered;
	[smem:$0x3FD2] =	sst s25  }
0xa6: {  	s4 =	sshll.u32 s26, $0x1;
	_ =	strace $0x8000004C;
	[dreg:$0x1] =	wrdreg $0xFFFFFFFF  }
0xa7: {  	s28 =	simm.s32 $_size_execute0_lowered;
	s2 =	sadd.s32 s2, s4;
	[dreg:$0x0] =	wrdreg $0x0  }
0xa8: {  	s4 =	sshll.u32 s28, $0x1;
	[dreg:$0x2] =	wrdreg s2  }
0xa9: {  	[dreg:$0x3] =	wrdreg s4  }
0xaa: {  	[dreg:$0x4] =	wrdreg $0xC0  }
0xab: {  	_ =	task [dreg:s6], $0x5FFFF  }
0xac: {  	[dreg:$0x1] =	wrdreg $0xFFFFFFFF  }
0xad: {  	[dreg:$0x0] =	wrdreg $0x60  }
0xae: {  	[dreg:$0x2] =	wrdreg s24  }
0xaf: {  	[dreg:$0x3] =	wrdreg $0x7B000  }
0xb0: {  	[dreg:$0x4] =	wrdreg $0x9  }
0xb1: {  	_ =	task.clear_ibuf [dreg:s6], $0x5FFFF;
	_ =	strace $0x9000004C  }
0xb2: {  	s29 =	simm.s32 $0x9;
	_ =	strace $0x8000004E  }
0xb3: {  	_ =	swait.ge [sflag:s29], $0x1  }
0xb4: {  	[sflag:s29] =	ssyncadd.s32 $0xFFFFFFFF  }
0xb5: {  	_ =	strace $0x9000004E  }
0xb6: {  	_ =	sfence  }
0xb7: {  	s30 =	sld [smem:$0x0];
	_ =	sdelay $0x2  }
0xb8: {  	s31 =	sshll.u32 s1, $0xD;
	s1 =	sshrl.u32 s1, $0x2  }
0xb9: {  	s3 =	sand.u32 $0x4000, s31;
	s1 =	sadd.s32 s1, s30  }
0xba: {  	s0 =	sor.u32 s3, s0;
	s1 =	sshll.u32 s1, $0x11  }
0xbb: {  	s0 =	sor.u32 s1, s0  }
0xbc: {  	s0 =	sadd.s32 $0x8F2B, s0  }
0xbd: {  	[sflag:s0] =	ssyncadd.remote.s32 $0x1  }
0xbe: {  	_ =	sfence.sel $0xFFFF  }
0xbf: {  	[dreg:$0x0] =	wrdreg $0xFFFFFFFF;
	(pc) =	sbr.abs _section_cstart, $3  }
0xc0: {  	[dreg:$0x1] =	wrdreg $0xFFFFFFFF  }
0xc1: {  	_ =	task.clear_ibuf [dreg:s6], $0x2FFFF;
	_ =	strace $0x9FFFFFFF  }
0xc2: {  	(tm) =	ssettm $0x7FFFFFFF  }
0xc3: {  	_ =	shalt  }
tec
execute0_lowered:
.L_overlay_start_1:
0x0: {  	(tag) =	ssettag $0x1  }
0x1: {  	s0 =	rddreg [dreg:$0x0];
	s11 =	stileid.u32  }
0x2: {  	s1 =	rddreg [dreg:$0x1];
	s3 =	simm.s32 $0x0;
	s7 =	smul.u32 $0x14000, s11  }
0x3: {  	s2 =	srdreg.scid;
	s28 =	simm.s32 $0x100;
	s25 =	smul.u32 $0x50000, s11  }
0x4: {  	s2 =	sand.u32 $0x1, s2;
	s8 =	sshll.u32 s11, $0x1;
	s11 =	smul.u32 $0x4EC0, s11  }
0x5: {  	[smem:$0x7FF] =	sst s3;
	s4 =	sadd.s32 $0x5A00, s0;
	s6 =	smul.u32 $0x140000, s2  }
0x6: {  	s8 =	sor.u32 s2, s8;
	s9 =	ssub.s32 $0x2, s2;
	s2 =	smul.u32 $0x2760, s2  }
0x7: {  	s5 =	sadd.s32 $0x4A600, s0;
	_ =	strace $0x8000004D;
	s8 =	smul.u32 $0x2760, s8  }
0x8: {  	s10 =	sshrl.u32 s9, $0x1;
	s7 =	sadd.s32 s7, s6;
	s6 =	sadd.s32 $0x40800, s0  }
0x9: {  	s2 =	sadd.s32 s2, s11;
	s7 =	sshrl.u32 s7, $0x3;
	s8 =	sshrl.u32 s8, $0x3  }
0xa: {  	s17 =	sadd.s32 $0x190, s2;
	s22 =	sadd.s32 $0x140, s2;
	s2 =	sadd.s32 $0xF0, s2  }
0xb: {  	s0 =	sadd.s32 s7, s0;
	s23 =	sadd.s32 s5, s8;
	[dreg:$0x17] =	wrdreg s2  }
0xc: {  	s24 =	sadd.s32 $0xA, s8;
	s12 =	sadd.s32 s6, s8;
	[dreg:$0x7] =	wrdreg s23  }
0xd: {  	s7 =	ssub.s32 s9, s10;
	[dreg:$0x8] =	wrdreg s12;
	s26 =	sadd.s32 s5, s24  }
0xe: {  	s8 =	sadd.s32 $0x14, s8;
	s9 =	sadd.s32 s6, s24;
	[dreg:$0x9] =	wrdreg s26  }
0xf: {  	s29 =	simm.s32 $0x280;
	s12 =	sadd.s32 s5, s8;
	[dreg:$0xa] =	wrdreg s9  }
0x10: {  	s10 =	sshrl.u32 s25, $0x2;
	s8 =	sadd.s32 s6, s8;
	[dreg:$0xb] =	wrdreg s12  }
0x11: {  	s30 =	simm.s32 $0x300;
	s13 =	sadd.s32 s10, s1;
	[dreg:$0xd] =	wrdreg s8  }
0x12: {  	s31 =	simm.s32 $0x3;
	s0 =	sadd.s32 $0x54400, s0;
	[dreg:$0xc] =	wrdreg s13  }
0x13: {  	s11 =	simm.s32 $0x7;
	s7 =	smax.u32 s7, $0x1;
	[dreg:$0x15] =	wrdreg s0  }
0x14: {  	s2 =	simm.s32 $0x2B00;
	s14 =	sadd.s32 $0x2800, s13;
	[dreg:$0x16] =	wrdreg s7  }
0x15: {  	s23 =	sshrl.u32 s22, $0x3;
	s15 =	sadd.s32 $0x5000, s13;
	[dreg:$0xe] =	wrdreg s14  }
0x16: {  	s10 =	simm.s32 $0x1;
	s16 =	sadd.s32 $0x7800, s13;
	[dreg:$0xf] =	wrdreg s15  }
0x17: {  	s18 =	sadd.s32 $0xA000, s13;
	s19 =	sadd.s32 $0xC800, s13;
	[dreg:$0x10] =	wrdreg s16  }
0x18: {  	s8 =	sshrl.u32 s17, $0x3;
	s20 =	sadd.s32 $0xF000, s13;
	[dreg:$0x11] =	wrdreg s18  }
0x19: {  	s24 =	sadd.s32 $0x11800, s13;
	s25 =	sadd.s32 s23, s6;
	[dreg:$0x12] =	wrdreg s19  }
0x1a: {  	s26 =	sadd.s32 s23, s5;
	s0 =	simm.s32 $0x50;
	[dreg:$0x13] =	wrdreg s20  }
0x1b: {  	s7 =	simm.s32 $0x5;
	s13 =	simm.s32 $0x2;
	[dreg:$0x14] =	wrdreg s24  }
0x1c: {  	s17 =	simm.s32 $0x6;
	s21 =	sadd.s32 s8, s6;
	[dreg:$0x5] =	wrdreg s25  }
0x1d: {  	s8 =	sadd.s32 s8, s5;
	[dreg:$0x6] =	wrdreg s26;
	s24 =	simm.s32 $0x180  }
0x1e: {  	s25 =	simm.s32 $0x80;
	s26 =	simm.s32 $0x200;
	s14 =	simm.s32 $0x8  }
0x1f: {  	s15 =	simm.s32 $0x4;
	s16 =	simm.s32 $0x9;
	s18 =	simm.s32 $0xA  }
0x20: {  	s19 =	simm.s32 $0xB;
	s20 =	simm.s32 $0xC;
	[dreg:$0x3] =	wrdreg s21  }
0x21: {  	v0 =	vimm.f32 $0.0e+00;
	[dreg:$0x4] =	wrdreg s8;
	s8 =	simm.s32 $0x5300;
	s21 =	simm.s32 $0x0  }
.LBB2_1:
0x22: {  	[dreg:$0x18] =	wrdreg s21  }
0x23: {  	s9 =	rddreg [dreg:$0x7]  }
0x24: {  	[tilespmem:s3], [sflag:$0x1] =	stream.linear.gather [hbm4b:s9+s3], $0x50, $0x38;
	[tilespmem:$0x1BB00] =	vst v63  }
0x25: {  	s23 =	rddreg [dreg:$0x8]  }
0x26: {  	[tilespmem:s24], [sflag:$0x2] =	stream.linear.gather [hbm4b:s23+s3], $0x50, $0x38;
	[tilespmem:$0x1BB00] =	vst v63  }
0x27: {  	s12 =	rddreg [dreg:$0x9]  }
0x28: {  	[tilespmem:s25], [sflag:$0x3] =	stream.linear.gather [hbm4b:s12+s3], $0x50, $0x38;
	[tilespmem:$0x1BB00] =	vst v63  }
0x29: {  	s21 =	rddreg [dreg:$0xa]  }
0x2a: {  	[tilespmem:s26], [sflag:$0x4] =	stream.linear.gather [hbm4b:s21+s3], $0x50, $0x38;
	[tilespmem:$0x1BB00] =	vst v63  }
0x2b: {  	s22 =	rddreg [dreg:$0xb]  }
0x2c: {  	[tilespmem:s28], [sflag:$0x5] =	stream.linear.gather [hbm4b:s22+s3], $0x50, $0x38;
	[tilespmem:$0x1BB00] =	vst v63  }
0x2d: {  	s23 =	rddreg [dreg:$0xd];
	s12 =	sand.u32 $0xFE00, s3  }
0x2e: {  	[tilespmem:s29], [sflag:$0x6] =	stream.linear.gather [hbm4b:s23+s3], $0x50, $0x38;
	[tilespmem:$0x1BB00] =	vst v63  }
0x2f: {  	s12 =	sshrl.u32 s12, $0x2;
	s23 =	sand.u32 $0x70, s3  }
0x30: {  	s21 =	simm.s32 $0x40;
	s12 =	sor.u32 s23, s12;
	s23 =	simm.s32 $0x0  }
.LBB2_2:
0x31: {  	p0 =	sne.s32 s21, $0x9FC0  }
0x32: {  	[tilespmem:s12+$0x300] =	vst v0;
	s23 =	sadd.s32 $0x10, s23;
	s12 =	smov.u32 s21;
	s21 =	sadd.s32 $0x40, s21  }
.Ltmp0:
0x33: {  	(pc) =	sbr.rel @p0 .LBB2_2-.Ltmp0, $4  }
0x34: {  	_ = 	snop  }
0x35: {  	s12 =	sand.u32 $0xFE00, s12  }
0x36: {  	s22 =	sand.u32 $0x70, s23;
	s12 =	sshrl.u32 s12, $0x2  }
0x37: {  	s12 =	sor.u32 s22, s12  }
0x38: {  	[tilespmem:s12+$0x300] =	vst v0;
	s9 =	rddreg [dreg:$0xc]  }
0x39: {  	[spmem:s9] =	stream.linear.scatter [tilespmem:s30], [sflag:$0xD], $0x2800, $0x38;
	[tilespmem:$0x1BB00] =	vst v63  }
0x3a: {  	s22 =	rddreg [dreg:$0xe]  }
0x3b: {  	[spmem:s22] =	stream.linear.scatter [tilespmem:s30], [sflag:$0xD], $0x2800, $0x38;
	[tilespmem:$0x1BB00] =	vst v63  }
0x3c: {  	s23 =	rddreg [dreg:$0xf]  }
0x3d: {  	[spmem:s23] =	stream.linear.scatter [tilespmem:s30], [sflag:$0xD], $0x2800, $0x38;
	[tilespmem:$0x1BB00] =	vst v63  }
0x3e: {  	s12 =	rddreg [dreg:$0x10]  }
0x3f: {  	[spmem:s12] =	stream.linear.scatter [tilespmem:s30], [sflag:$0xD], $0x2800, $0x38;
	[tilespmem:$0x1BB00] =	vst v63  }
0x40: {  	s21 =	rddreg [dreg:$0x11]  }
0x41: {  	[spmem:s21] =	stream.linear.scatter [tilespmem:s30], [sflag:$0xD], $0x2800, $0x38;
	[tilespmem:$0x1BB00] =	vst v63  }
0x42: {  	s22 =	rddreg [dreg:$0x12]  }
0x43: {  	[spmem:s22] =	stream.linear.scatter [tilespmem:s30], [sflag:$0xD], $0x2800, $0x38;
	[tilespmem:$0x1BB00] =	vst v63  }
0x44: {  	s23 =	rddreg [dreg:$0x13]  }
0x45: {  	[spmem:s23] =	stream.linear.scatter [tilespmem:s30], [sflag:$0xD], $0x2800, $0x38;
	[tilespmem:$0x1BB00] =	vst v63  }
0x46: {  	s12 =	rddreg [dreg:$0x14]  }
0x47: {  	[spmem:s12] =	stream.linear.scatter [tilespmem:s30], [sflag:$0xD], $0x2800, $0x38;
	[tilespmem:$0x1BB00] =	vst v63  }
0x48: {  	_ =	swait.ge [sflag:s31], $0x50  }
0x49: {  	[sflag:s31] =	ssyncset.done $0x0  }
0x4a: {  	[sflag:s31] =	ssyncadd.s32 $0xFFFFFFB0  }
0x4b: {  	[tilespmem:s2], [sflag:$0x8] =	stream.indirect.gather [hbm4b:s4+s0], $0x80, s25, s0, $0xb8;
	[tilespmem:$0x1BB00] =	vst v63  }
0x4c: {  	_ =	swait.ge [sflag:s7], $0x50  }
0x4d: {  	[sflag:s7] =	ssyncset.done $0x0  }
0x4e: {  	s21 =	simm.s32 $0xD;
	[sflag:s7] =	ssyncadd.s32 $0xFFFFFFB0  }
0x4f: {  	[tilespmem:s8], [sflag:$0x9] =	stream.indirect.gather [hbm4b:s4+s0], $0x80, s28, s0, $0xb8;
	[tilespmem:$0x1BB00] =	vst v63  }
0x50: {  	_ =	swait.ge [sflag:s21], $0x2800  }
0x51: {  	[sflag:s21] =	ssyncset.done $0x0  }
0x52: {  	[sflag:s21] =	ssyncadd.s32 $0xFFFFD800  }
0x53: {  	_ =	swait.ge [sflag:s21], $0x2800  }
0x54: {  	[sflag:s21] =	ssyncset.done $0x0  }
0x55: {  	[sflag:s21] =	ssyncadd.s32 $0xFFFFD800  }
0x56: {  	_ =	swait.ge [sflag:s21], $0x2800  }
0x57: {  	[sflag:s21] =	ssyncset.done $0x0  }
0x58: {  	[sflag:s21] =	ssyncadd.s32 $0xFFFFD800  }
0x59: {  	_ =	swait.ge [sflag:s21], $0x2800  }
0x5a: {  	[sflag:s21] =	ssyncset.done $0x0  }
0x5b: {  	[sflag:s21] =	ssyncadd.s32 $0xFFFFD800  }
0x5c: {  	_ =	swait.ge [sflag:s21], $0x2800  }
0x5d: {  	[sflag:s21] =	ssyncset.done $0x0  }
0x5e: {  	[sflag:s21] =	ssyncadd.s32 $0xFFFFD800  }
0x5f: {  	_ =	swait.ge [sflag:s21], $0x2800  }
0x60: {  	[sflag:s21] =	ssyncset.done $0x0  }
0x61: {  	[sflag:s21] =	ssyncadd.s32 $0xFFFFD800  }
0x62: {  	_ =	swait.ge [sflag:s21], $0x2800  }
0x63: {  	[sflag:s21] =	ssyncset.done $0x0  }
0x64: {  	[sflag:s21] =	ssyncadd.s32 $0xFFFFD800  }
0x65: {  	_ =	swait.ge [sflag:s21], $0x2800  }
0x66: {  	[sflag:s21] =	ssyncset.done $0x0  }
0x67: {  	[sflag:s21] =	ssyncadd.s32 $0xFFFFD800  }
0x68: {  	_ =	swait.ge [sflag:s10], $0x50  }
0x69: {  	[sflag:s10] =	ssyncset.done $0x0  }
0x6a: {  	s22 =	simm.s32 $0x0;
	[sflag:s10] =	ssyncadd.s32 $0xFFFFFFB0  }
0x6b: {  	[tilespmem:s30], [sflag:$0x7] =	stream.indirect.gather [hbm4b:s4+s0], $0x80, s22, s0, $0xb8;
	[tilespmem:$0x1BB00] =	vst v63  }
0x6c: {  	[bflag:$0x0] =	sbarrier.arrive $0xFFFF  }
0x6d: {  	_ =	swait.ge [sflag:s11], $0x2800  }
0x6e: {  	[sflag:s11] =	ssyncset.done $0x0  }
0x6f: {  	[sflag:s11] =	ssyncadd.s32 $0xFFFFD800  }
0x70: {  	_ =	swait.ge [sflag:s13], $0x50  }
0x71: {  	[sflag:s13] =	ssyncset.done $0x0  }
0x72: {  	[sflag:s13] =	ssyncadd.s32 $0xFFFFFFB0  }
0x73: {  	[spmem:s1] =	stream.indirect.scatter.add.f32 [tilespmem:s30], [sflag:$0xA], $0x80, s24, s0, $0xb8;
	[tilespmem:$0x1BB00] =	vst v63  }
0x74: {  	_ =	swait.ge [sflag:s14], $0x2800  }
0x75: {  	[sflag:s14] =	ssyncset.done $0x0  }
0x76: {  	[sflag:s14] =	ssyncadd.s32 $0xFFFFD800  }
0x77: {  	_ =	swait.ge [sflag:s15], $0x50  }
0x78: {  	[sflag:s15] =	ssyncset.done $0x0  }
0x79: {  	[sflag:s15] =	ssyncadd.s32 $0xFFFFFFB0  }
0x7a: {  	[spmem:s1] =	stream.indirect.scatter.add.f32 [tilespmem:s2], [sflag:$0xB], $0x80, s26, s0, $0xb8;
	[tilespmem:$0x1BB00] =	vst v63  }
0x7b: {  	_ =	swait.ge [sflag:s16], $0x2800  }
0x7c: {  	[sflag:s16] =	ssyncset.done $0x0  }
0x7d: {  	[sflag:s16] =	ssyncadd.s32 $0xFFFFD800  }
0x7e: {  	_ =	swait.ge [sflag:s17], $0x50  }
0x7f: {  	[sflag:s17] =	ssyncset.done $0x0  }
0x80: {  	[sflag:s17] =	ssyncadd.s32 $0xFFFFFFB0  }
0x81: {  	[spmem:s1] =	stream.indirect.scatter.add.f32 [tilespmem:s8], [sflag:$0xC], $0x80, s29, s0, $0xb8;
	[tilespmem:$0x1BB00] =	vst v63  }
0x82: {  	_ =	swait.ge [sflag:s18], $0x2800  }
0x83: {  	s9 =	rddreg [dreg:$0x17]  }
0x84: {  	[sflag:s18] =	ssyncset.done $0x0;
	s23 =	sshrl.u32 s9, $0x3  }
0x85: {  	[sflag:s18] =	ssyncadd.s32 $0xFFFFD800;
	s21 =	sadd.s32 s5, s23  }
0x86: {  	[tilespmem:s3], [sflag:$0x1] =	stream.linear.gather [hbm4b:s21+s3], $0x50, $0x38;
	[tilespmem:$0x1BB00] =	vst v63  }
0x87: {  	s12 =	sadd.s32 s6, s23  }
0x88: {  	[tilespmem:s24], [sflag:$0x2] =	stream.linear.gather [hbm4b:s12+s3], $0x50, $0x38;
	[tilespmem:$0x1BB00] =	vst v63  }
0x89: {  	_ =	swait.ge [sflag:s19], $0x2800  }
0x8a: {  	s21 =	rddreg [dreg:$0x6];
	[sflag:s19] =	ssyncset.done $0x0  }
0x8b: {  	s22 =	rddreg [dreg:$0x5];
	[sflag:s19] =	ssyncadd.s32 $0xFFFFD800;
	s12 =	sadd.s32 $0x0, s21  }
0x8c: {  	[tilespmem:s25], [sflag:$0x3] =	stream.linear.gather [hbm4b:s12+s3], $0x50, $0x38;
	[tilespmem:$0x1BB00] =	vst v63  }
0x8d: {  	s23 =	sadd.s32 $0x0, s22  }
0x8e: {  	[tilespmem:s26], [sflag:$0x4] =	stream.linear.gather [hbm4b:s23+s3], $0x50, $0x38;
	[tilespmem:$0x1BB00] =	vst v63  }
0x8f: {  	_ =	swait.ge [sflag:s20], $0x2800  }
0x90: {  	s21 =	rddreg [dreg:$0x4];
	[sflag:s20] =	ssyncset.done $0x0  }
0x91: {  	s22 =	rddreg [dreg:$0x3];
	[sflag:s20] =	ssyncadd.s32 $0xFFFFD800;
	s12 =	sadd.s32 $0x0, s21  }
0x92: {  	[tilespmem:s28], [sflag:$0x5] =	stream.linear.gather [hbm4b:s12+s3], $0x50, $0x38;
	[tilespmem:$0x1BB00] =	vst v63  }
0x93: {  	s23 =	sadd.s32 $0x0, s22  }
0x94: {  	[tilespmem:s29], [sflag:$0x6] =	stream.linear.gather [hbm4b:s23+s3], $0x50, $0x38;
	[tilespmem:$0x1BB00] =	vst v63  }
0x95: {  	_ =	swait.ge [sflag:s10], $0x50  }
0x96: {  	[sflag:s10] =	ssyncset.done $0x0  }
0x97: {  	[sflag:s10] =	ssyncadd.s32 $0xFFFFFFB0  }
0x98: {  	[tilespmem:s30], [sflag:$0x7] =	stream.indirect.gather [hbm4b:s4+s0], $0x80, s3, s0, $0xb8;
	[tilespmem:$0x1BB00] =	vst v63  }
0x99: {  	_ =	swait.ge [sflag:s31], $0x50  }
0x9a: {  	[sflag:s31] =	ssyncset.done $0x0  }
0x9b: {  	[sflag:s31] =	ssyncadd.s32 $0xFFFFFFB0  }
0x9c: {  	[tilespmem:s2], [sflag:$0x8] =	stream.indirect.gather [hbm4b:s4+s0], $0x80, s25, s0, $0xb8;
	[tilespmem:$0x1BB00] =	vst v63  }
0x9d: {  	_ =	swait.ge [sflag:s7], $0x50  }
0x9e: {  	[sflag:s7] =	ssyncset.done $0x0  }
0x9f: {  	[sflag:s7] =	ssyncadd.s32 $0xFFFFFFB0  }
0xa0: {  	[tilespmem:s8], [sflag:$0x9] =	stream.indirect.gather [hbm4b:s4+s0], $0x80, s28, s0, $0xb8;
	[tilespmem:$0x1BB00] =	vst v63  }
0xa1: {  	_ =	swait.ge [sflag:s11], $0x2800  }
0xa2: {  	[sflag:s11] =	ssyncset.done $0x0  }
0xa3: {  	[sflag:s11] =	ssyncadd.s32 $0xFFFFD800  }
0xa4: {  	_ =	swait.ge [sflag:s13], $0x50  }
0xa5: {  	[sflag:s13] =	ssyncset.done $0x0  }
0xa6: {  	[sflag:s13] =	ssyncadd.s32 $0xFFFFFFB0  }
0xa7: {  	[spmem:s1] =	stream.indirect.scatter.add.f32 [tilespmem:s30], [sflag:$0xA], $0x80, s24, s0, $0xb8;
	[tilespmem:$0x1BB00] =	vst v63  }
0xa8: {  	_ =	swait.ge [sflag:s14], $0x2800  }
0xa9: {  	[sflag:s14] =	ssyncset.done $0x0  }
0xaa: {  	[sflag:s14] =	ssyncadd.s32 $0xFFFFD800  }
0xab: {  	_ =	swait.ge [sflag:s15], $0x50  }
0xac: {  	[sflag:s15] =	ssyncset.done $0x0  }
0xad: {  	[sflag:s15] =	ssyncadd.s32 $0xFFFFFFB0  }
0xae: {  	[spmem:s1] =	stream.indirect.scatter.add.f32 [tilespmem:s2], [sflag:$0xB], $0x80, s26, s0, $0xb8;
	[tilespmem:$0x1BB00] =	vst v63  }
0xaf: {  	_ =	swait.ge [sflag:s16], $0x2800  }
0xb0: {  	[sflag:s16] =	ssyncset.done $0x0  }
0xb1: {  	[sflag:s16] =	ssyncadd.s32 $0xFFFFD800  }
0xb2: {  	_ =	swait.ge [sflag:s17], $0x50  }
0xb3: {  	[sflag:s17] =	ssyncset.done $0x0  }
0xb4: {  	s21 =	simm.s32 $0x1E;
	s23 =	sadd.s32 $0xF0, s9;
	[sflag:s17] =	ssyncadd.s32 $0xFFFFFFB0  }
.LBB2_4:
0xb5: {  	[spmem:s1] =	stream.indirect.scatter.add.f32 [tilespmem:s8], [sflag:$0xC], $0x80, s29, s0, $0xb8;
	[tilespmem:$0x1BB00] =	vst v63  }
0xb6: {  	_ =	swait.ge [sflag:s18], $0x2800  }
0xb7: {  	s22 =	sshrl.u32 s23, $0x3;
	[sflag:s18] =	ssyncset.done $0x0  }
0xb8: {  	s9 =	sadd.s32 s5, s22;
	[sflag:s18] =	ssyncadd.s32 $0xFFFFD800  }
0xb9: {  	[tilespmem:s3], [sflag:$0x1] =	stream.linear.gather [hbm4b:s9+s3], $0x50, $0x38;
	[tilespmem:$0x1BB00] =	vst v63  }
0xba: {  	s22 =	sadd.s32 s6, s22  }
0xbb: {  	[tilespmem:s24], [sflag:$0x2] =	stream.linear.gather [hbm4b:s22+s3], $0x50, $0x38;
	[tilespmem:$0x1BB00] =	vst v63  }
0xbc: {  	_ =	swait.ge [sflag:s19], $0x2800  }
0xbd: {  	s12 =	smov.u32 s21;
	s9 =	rddreg [dreg:$0x6];
	[sflag:s19] =	ssyncset.done $0x0  }
0xbe: {  	s22 =	rddreg [dreg:$0x5];
	[sflag:s19] =	ssyncadd.s32 $0xFFFFD800;
	s9 =	sadd.s32 s12, s9  }
0xbf: {  	[tilespmem:s25], [sflag:$0x3] =	stream.linear.gather [hbm4b:s9+s3], $0x50, $0x38;
	[tilespmem:$0x1BB00] =	vst v63  }
0xc0: {  	s22 =	sadd.s32 s12, s22  }
0xc1: {  	[tilespmem:s26], [sflag:$0x4] =	stream.linear.gather [hbm4b:s22+s3], $0x50, $0x38;
	[tilespmem:$0x1BB00] =	vst v63  }
0xc2: {  	_ =	swait.ge [sflag:s20], $0x2800  }
0xc3: {  	s9 =	rddreg [dreg:$0x4];
	[sflag:s20] =	ssyncset.done $0x0  }
0xc4: {  	s22 =	rddreg [dreg:$0x3];
	[sflag:s20] =	ssyncadd.s32 $0xFFFFD800;
	s9 =	sadd.s32 s12, s9  }
0xc5: {  	[tilespmem:s28], [sflag:$0x5] =	stream.linear.gather [hbm4b:s9+s3], $0x50, $0x38;
	[tilespmem:$0x1BB00] =	vst v63  }
0xc6: {  	s22 =	sadd.s32 s12, s22  }
0xc7: {  	[tilespmem:s29], [sflag:$0x6] =	stream.linear.gather [hbm4b:s22+s3], $0x50, $0x38;
	[tilespmem:$0x1BB00] =	vst v63  }
0xc8: {  	_ =	swait.ge [sflag:s10], $0x50  }
0xc9: {  	[sflag:s10] =	ssyncset.done $0x0  }
0xca: {  	[sflag:s10] =	ssyncadd.s32 $0xFFFFFFB0  }
0xcb: {  	[tilespmem:s30], [sflag:$0x7] =	stream.indirect.gather [hbm4b:s4+s0], $0x80, s3, s0, $0xb8;
	[tilespmem:$0x1BB00] =	vst v63  }
0xcc: {  	_ =	swait.ge [sflag:s31], $0x50  }
0xcd: {  	[sflag:s31] =	ssyncset.done $0x0  }
0xce: {  	[sflag:s31] =	ssyncadd.s32 $0xFFFFFFB0  }
0xcf: {  	[tilespmem:s2], [sflag:$0x8] =	stream.indirect.gather [hbm4b:s4+s0], $0x80, s25, s0, $0xb8;
	[tilespmem:$0x1BB00] =	vst v63  }
0xd0: {  	_ =	swait.ge [sflag:s7], $0x50  }
0xd1: {  	[sflag:s7] =	ssyncset.done $0x0  }
0xd2: {  	[sflag:s7] =	ssyncadd.s32 $0xFFFFFFB0  }
0xd3: {  	[tilespmem:s8], [sflag:$0x9] =	stream.indirect.gather [hbm4b:s4+s0], $0x80, s28, s0, $0xb8;
	[tilespmem:$0x1BB00] =	vst v63  }
0xd4: {  	_ =	swait.ge [sflag:s11], $0x2800  }
0xd5: {  	[sflag:s11] =	ssyncset.done $0x0  }
0xd6: {  	[sflag:s11] =	ssyncadd.s32 $0xFFFFD800  }
0xd7: {  	_ =	swait.ge [sflag:s13], $0x50  }
0xd8: {  	[sflag:s13] =	ssyncset.done $0x0  }
0xd9: {  	[sflag:s13] =	ssyncadd.s32 $0xFFFFFFB0  }
0xda: {  	[spmem:s1] =	stream.indirect.scatter.add.f32 [tilespmem:s30], [sflag:$0xA], $0x80, s24, s0, $0xb8;
	[tilespmem:$0x1BB00] =	vst v63  }
0xdb: {  	_ =	swait.ge [sflag:s14], $0x2800  }
0xdc: {  	[sflag:s14] =	ssyncset.done $0x0  }
0xdd: {  	[sflag:s14] =	ssyncadd.s32 $0xFFFFD800  }
0xde: {  	_ =	swait.ge [sflag:s15], $0x50  }
0xdf: {  	[sflag:s15] =	ssyncset.done $0x0  }
0xe0: {  	[sflag:s15] =	ssyncadd.s32 $0xFFFFFFB0  }
0xe1: {  	[spmem:s1] =	stream.indirect.scatter.add.f32 [tilespmem:s2], [sflag:$0xB], $0x80, s26, s0, $0xb8;
	[tilespmem:$0x1BB00] =	vst v63  }
0xe2: {  	p0 =	sne.s32 s21, $0x4B0;
	_ =	swait.ge [sflag:s16], $0x2800  }
.Ltmp1:
0xe3: {  	[sflag:s16] =	ssyncset.done $0x0;
	(pc) =	sbr.rel @p0 .LBB2_4-.Ltmp1, $4  }
0xe4: {  	[sflag:s16] =	ssyncadd.s32 $0xFFFFD800  }
0xe5: {  	_ =	swait.ge [sflag:s17], $0x50  }
0xe6: {  	[sflag:s17] =	ssyncset.done $0x0  }
0xe7: {  	s21 =	sadd.s32 $0x1E, s21;
	s23 =	sadd.s32 $0xF0, s23;
	[sflag:s17] =	ssyncadd.s32 $0xFFFFFFB0  }
0xe8: {  	[spmem:s1] =	stream.indirect.scatter.add.f32 [tilespmem:s8], [sflag:$0xC], $0x80, s29, s0, $0xb8;
	[tilespmem:$0x1BB00] =	vst v63  }
0xe9: {  	_ =	swait.ge [sflag:s18], $0x2800  }
0xea: {  	[sflag:s18] =	ssyncset.done $0x0  }
0xeb: {  	[sflag:s18] =	ssyncadd.s32 $0xFFFFD800  }
0xec: {  	_ =	swait.ge [sflag:s19], $0x2800  }
0xed: {  	[sflag:s19] =	ssyncset.done $0x0  }
0xee: {  	[sflag:s19] =	ssyncadd.s32 $0xFFFFD800  }
0xef: {  	_ =	swait.ge [sflag:s20], $0x2800  }
0xf0: {  	[sflag:s20] =	ssyncset.done $0x0  }
0xf1: {  	[sflag:s20] =	ssyncadd.s32 $0xFFFFD800  }
0xf2: {  	s9 =	stileid.u32;
	[bflag:$0x0] =	sbarrier.arrive $0xFFFF  }
0xf3: {  	s9 =	sshll.u32 s9, $0x6;
	s12 =	rddreg [dreg:$0xc]  }
0xf4: {  	s9 =	sor.u32 $0x1C0E, s9;
	s21 =	rddreg [dreg:$0x15];
	s12 =	sshrl.u32 s12, $0x3  }
0xf5: {  	[hbm:s21], [sflag:s9] =	dma.local [spmem:s12], $0x2800  }
0xf6: {  	s12 =	simm.s32 $0xE  }
0xf7: {  	_ =	swait.ge [sflag:s12], $0x2800  }
0xf8: {  	s22 =	rddreg [dreg:$0x18]  }
0xf9: {  	s23 =	rddreg [dreg:$0x16];
	s21 =	sadd.s32 $0x1, s22  }
0xfa: {  	p0 =	sne.s32 s21, s23  }
.Ltmp2:
0xfb: {  	_ = 	snop;
	(pc) =	sbr.rel @p0 .LBB2_1-.Ltmp2, $3  }
0xfc: {  	_ =	sdelay $0x1  }
0xfd: {  	[sflag:s12] =	ssyncset.done $0x0  }
0xfe: {  	[sflag:s12] =	ssyncadd.s32 $0xFFFFD800  }
0xff: {  	_ =	sfence.sel $0x180000  }
0x100: {  	[bflag:$0x0] =	sbarrier.arrive $0xFFFF  }
0x101: {  	_ =	strace $0x9000004D  }
0x102: {  	s0 =	stileid.u32;
	[bflag:$0x2] =	sbarrier.arrive $0xFFFF  }
0x103: {  	p0 =	sne.s32 s0, $0x0;
	s0 =	rddreg [dreg:$0x2]  }
0x104: {  	s0 =	sadd.s32 @!p0 $0x100000, s0  }
0x105: {  	[sflag:s0] =	ssyncadd.tile.s32 @!p0 $0x1;
	_ =	shalt  }
.Lfunc_end2:
_tile_overlayer_lowered:
.L_overlay_start_2:
0x106: {  	(tag) =	ssettag $0x2  }
0x107: {  	s0 =	rddreg [dreg:$0x0];
	s2 =	stileid.u32  }
0x108: {  	s1 =	rddreg [dreg:$0x1];
	p0 =	sne.s32 s2, $0x0  }
0x109: {  	s3 =	rddreg [dreg:$0x2];
	[bflag:$0x3] =	sbarrier.arrive $0xFFFF;
	s2 =	simm.s32 @!p0 $0x1C0E  }
0x10a: {  	[timem:s3], [sflag:s2] =	dma.local @!p0 [hbm:s0], s1  }
0x10b: {  	s0 =	simm.s32 @!p0 $0xE  }
0x10c: {  	_ =	swait.ge @!p0 [sflag:s0], s1  }
0x10d: {  	s1 =	ssub.s32 @!p0 $0x0, s1;
	[sflag:s0] =	ssyncset.done @!p0 $0x0  }
0x10e: {  	[sflag:s0] =	ssyncadd.s32 @!p0 s1  }
0x10f: {  	[bflag:$0x3] =	sbarrier.arrive $0xFFFF  }
0x110: {  	_ =	shalt  }

// kernel: kernel.19.cloned.1.call-start
scs
__scs_entry_jumppad:
0x0: {  	(pc) =	sbr.rel $0x88, $3  }
0x1: {  	(tag) =	ssettag $0x0;
	lr =	simm.s32 $0x1  }
0x2: {  	[smem:$0x3F86] =	sst lr;
	_ =	strace $0xD0000000  }
0x3: {  	_ = 	snop  }
0x4: {  	_ = 	snop  }
0x5: {  	_ = 	snop  }
0x6: {  	_ = 	snop  }
0x7: {  	_ = 	snop  }
__scs_overlays_trampoline_lowered:
0x8: {  	[smem:$0x3F95] =	sst s0  }
0x9: {  	[smem:$0x3F96] =	sst s1  }
0xa: {  	[smem:$0x3F97] =	sst s2  }
0xb: {  	[smem:$0x3F98] =	sst s3  }
0xc: {  	[smem:$0x3F99] =	sst s4  }
0xd: {  	[smem:$0x3F9A] =	sst s5  }
0xe: {  	[smem:$0x3F9B] =	sst s6  }
0xf: {  	[smem:$0x3F9C] =	sst s7  }
0x10: {  	[smem:$0x3F9D] =	sst s8  }
0x11: {  	[smem:$0x3F9E] =	sst s9;
	s0 =	simm.s32 @!p0 $0x0  }
0x12: {  	s1 =	sld [smem:$0x3F84];
	s0 =	simm.s32 @p0 $0x1  }
0x13: {  	[smem:$0x3F9F] =	sst s0;
	s0 =	simm.s32 @!p1 $0x0  }
0x14: {  	s2 =	sld [smem:$0x3F83];
	s0 =	simm.s32 @p1 $0x1  }
0x15: {  	[smem:$0x3FA0] =	sst s0;
	s0 =	simm.s32 @!p2 $0x0  }
0x16: {  	s3 =	sld [smem:$0x3FDB];
	s0 =	simm.s32 @p2 $0x1  }
0x17: {  	s4 =	simm.s32 $0x1BF5;
	[smem:$0x3FA2] =	sst s0  }
0x18: {  	s0 =	sld [smem:$0x3F85];
	_ =	swait.ge [sflag:s4], $0x0  }
0x19: {  	s7 =	sld [smem:$0x3F86]  }
0x1a: {  	s8 =	sadd.s32 $0xFFFFE003, lr  }
0x1b: {  	s9 =	sadd.s32 $0xFFFFFEF7, lr;
	s5 =	simm.s32 $0xFFFFFFFF;
	p2 =	slt.u32 s8, $0xFFFFF086  }
0x1c: {  	p1 =	slt.u32 s9, $0xF7A;
	s5 =	simm.s32 @!p2 $0x0  }
0x1d: {  	s5 =	simm.s32 @p1 $0x1;
	p0 =	seq.s32 s7, s2  }
0x1e: {  	s7 =	smul.u32 @!p0 $0xF7A, s2;
	p2 =	seq.s32 @!p0 s5, $0x0  }
0x1f: {  	s9 =	smul.u32 $0xF7A, s1;
	s8 =	simm.s32 @!p0 $0x1BF5;
	p2 =	por !p2, p0  }
0x20: {  	[sflag:s8] =	ssyncset.s32 @!p0 $0xFFFFF086;
	s6 =	sadd.s32 @!p0 s3, s7;
	s7 =	simm.s32 @!p0 $0x108  }
0x21: {  	s3 =	sadd.s32 s3, s9;
	s6 =	sadd.s32 @!p0 $0x88, s6;
	s7 =	simm.s32 @p2 $0x1082  }
0x22: {  	[simem:s7], [sflag:s8] =	dma.local @!p0 [hbm:s6], $0xF7A  }
0x23: {  	s9 =	sor.u32 $0xD0000000, s2;
	s6 =	simm.s32 $0x108;
	_ =	swait.ge @!p0 [sflag:s8], $0x0  }
0x24: {  	s3 =	sadd.s32 $0x88, s3;
	s6 =	simm.s32 @!p1 $0x1082;
	[sflag:s4] =	ssyncset.s32 $0xFFFFF086  }
0x25: {  	[simem:s6], [sflag:s4] =	dma.local [hbm:s3], $0xF7A  }
0x26: {  	[smem:$0x3F86] =	sst s1;
	(tag) =	ssettag s2;
	_ =	strace s9  }
0x27: {  	s1 =	sld [smem:$0x3F96]  }
0x28: {  	s2 =	sld [smem:$0x3F97]  }
0x29: {  	s4 =	sld [smem:$0x3F99]  }
0x2a: {  	p0 =	seq.s32 s5, $0x0;
	s5 =	sld [smem:$0x3F9A]  }
0x2b: {  	s6 =	sld [smem:$0x3F9B]  }
0x2c: {  	s7 =	sld [smem:$0x3F9C]  }
0x2d: {  	s3 =	simm.s32 $0x108;
	s8 =	sld [smem:$0x3F9D]  }
0x2e: {  	s3 =	simm.s32 @!p0 $0x1082;
	s9 =	sld [smem:$0x3F9E]  }
0x2f: {  	lr =	sadd.s32 s0, s3;
	s0 =	sld [smem:$0x3F95]  }
0x30: {  	s3 =	sld [smem:$0x3F98]  }
0x31: {  	[smem:$0x3FA1] =	sst s10  }
0x32: {  	s10 =	sld [smem:$0x3F9F];
	_ =	sdelay $0x3  }
0x33: {  	p0 =	seq.s32 s10, $0x1;
	s10 =	sld [smem:$0x3FA1];
	_ =	sdelay $0x3  }
0x34: {  	[smem:$0x3FA1] =	sst s10  }
0x35: {  	s10 =	sld [smem:$0x3FA0];
	_ =	sdelay $0x3  }
0x36: {  	p1 =	seq.s32 s10, $0x1;
	s10 =	sld [smem:$0x3FA1];
	_ =	sdelay $0x3  }
0x37: {  	[smem:$0x3FA1] =	sst s10  }
0x38: {  	s10 =	sld [smem:$0x3FA2]  }
0x39: {  	_ = 	snop;
	(pc) =	sbr.ind lr, $3  }
0x3a: {  	_ = 	snop  }
0x3b: {  	_ = 	snop  }
0x3c: {  	p2 =	seq.s32 s10, $0x1;
	s10 =	sld [smem:$0x3FA1]  }
0x3d: {  	_ =	shalt  }
0x3e: {  	_ =	shalt  }
0x3f: {  	_ =	shalt  }
0x40: {  	_ =	shalt  }
0x41: {  	_ =	shalt  }
0x42: {  	_ =	shalt  }
0x43: {  	_ =	shalt  }
0x44: {  	_ =	shalt  }
0x45: {  	_ =	shalt  }
0x46: {  	_ =	shalt  }
0x47: {  	_ =	shalt  }
0x48: {  	_ =	shalt  }
0x49: {  	_ =	shalt  }
0x4a: {  	_ =	shalt  }
0x4b: {  	_ =	shalt  }
0x4c: {  	_ =	shalt  }
0x4d: {  	_ =	shalt  }
0x4e: {  	_ =	shalt  }
0x4f: {  	_ =	shalt  }
0x50: {  	_ =	shalt  }
0x51: {  	_ =	shalt  }
0x52: {  	_ =	shalt  }
0x53: {  	_ =	shalt  }
0x54: {  	_ =	shalt  }
0x55: {  	_ =	shalt  }
0x56: {  	_ =	shalt  }
0x57: {  	_ =	shalt  }
0x58: {  	_ =	shalt  }
0x59: {  	_ =	shalt  }
0x5a: {  	_ =	shalt  }
0x5b: {  	_ =	shalt  }
0x5c: {  	_ =	shalt  }
0x5d: {  	_ =	shalt  }
0x5e: {  	_ =	shalt  }
0x5f: {  	_ =	shalt  }
0x60: {  	_ =	shalt  }
0x61: {  	_ =	shalt  }
0x62: {  	_ =	shalt  }
0x63: {  	_ =	shalt  }
0x64: {  	_ =	shalt  }
0x65: {  	_ =	shalt  }
0x66: {  	_ =	shalt  }
0x67: {  	_ =	shalt  }
0x68: {  	_ =	shalt  }
0x69: {  	_ =	shalt  }
0x6a: {  	_ =	shalt  }
0x6b: {  	_ =	shalt  }
0x6c: {  	_ =	shalt  }
0x6d: {  	_ =	shalt  }
0x6e: {  	_ =	shalt  }
0x6f: {  	_ =	shalt  }
0x70: {  	_ =	shalt  }
0x71: {  	_ =	shalt  }
0x72: {  	_ =	shalt  }
0x73: {  	_ =	shalt  }
0x74: {  	_ =	shalt  }
0x75: {  	_ =	shalt  }
0x76: {  	_ =	shalt  }
0x77: {  	_ =	shalt  }
0x78: {  	_ =	shalt  }
0x79: {  	_ =	shalt  }
0x7a: {  	_ =	shalt  }
0x7b: {  	_ =	shalt  }
0x7c: {  	_ =	shalt  }
0x7d: {  	_ =	shalt  }
0x7e: {  	_ =	shalt  }
0x7f: {  	_ =	shalt  }
0x80: {  	_ =	shalt  }
0x81: {  	_ =	shalt  }
0x82: {  	_ =	shalt  }
0x83: {  	_ =	shalt  }
0x84: {  	_ =	shalt  }
0x85: {  	_ =	shalt  }
0x86: {  	_ =	shalt  }
0x87: {  	_ =	shalt  }
.Lfunc_end0:
.L_simem_size_0:
called_computation.3_lowered:
.L_overlay_start_0:
0x88: {  	s2 =	sld [smem:$0x3FD9]  }
0x89: {  	s3 =	sld [smem:$0x3FFE];
	_ =	sdelay $0x1  }
0x8a: {  	s1 =	srdreg.scid  }
0x8b: {  	s0 =	sand.u32 $0x1, s1  }
0x8c: {  	s16 =	sshll.u32 s0, $0xA;
	s2 =	sadd.s32 s3, s2  }
0x8d: {  	s2 =	sadd.s32 s2, s16  }
0x8e: {  	[smem:$0x3FAD] =	sst s2  }
0x8f: {  	_ = 	snop  }
0x90: {  	(tm) =	ssettm $0x1  }
0x91: {  	s17 =	sld [smem:$0x3FFB];
	_ =	sdelay $0x3  }
0x92: {  	_ =	strace s17  }
0x93: {  	s2 =	sld [smem:$0x3FFC];
	_ =	sdelay $0x3  }
0x94: {  	_ =	strace s2  }
0x95: {  	s2 =	sld [smem:$0x3FFD];
	_ =	sdelay $0x3  }
0x96: {  	_ =	strace s2  }
0x97: {  	_ =	strace $0x8FFFFFFF  }
0x98: {  	s18 =	sld [smem:$0x3FDB];
	_ =	sdelay $0x1  }
0x99: {  	s19 =	simm.s32 $_scs_section_size  }
0x9a: {  	s4 =	simm.s32 $_size__tile_overlayer_lowered;
	s5 =	simm.s32 $_tile_overlayer_lowered  }
0x9b: {  	s22 =	simm.s32 $0x1BFF;
	s21 =	sshll.u32 s5, $0x1;
	s2 =	sadd.s32 s19, s18  }
0x9c: {  	s6 =	simm.s32 $0x0;
	s20 =	sshll.u32 s4, $0x1;
	s4 =	sadd.s32 s21, s2  }
0x9d: {  	[timem:s6], [sflag:s22] =	dma.local [hbm:s4], s20  }
0x9e: {  	_ =	swait.ge [sflag:s22], s20  }
0x9f: {  	s3 =	ssub.s32 $0x0, s20;
	[sflag:s22] =	ssyncset.done $0x0  }
0xa0: {  	[sflag:s22] =	ssyncadd.s32 s3;
	_ =	sdelay $0x1  }
0xa1: {  	s23 =	simm.s32 $0x1B8B  }
0xa2: {  	_ =	swait.ge [sflag:s23], $0x1  }
0xa3: {  	[sflag:s23] =	ssyncset.done $0x0  }
0xa4: {  	s25 =	simm.s32 $0x1B8E;
	s24 =	sld [smem:$0x3FFE];
	[sflag:s23] =	ssyncadd.s32 $0xFFFFFFFF  }
0xa5: {  	s26 =	simm.s32 $execute0_lowered;
	[smem:$0x3FD2] =	sst s25  }
0xa6: {  	s4 =	sshll.u32 s26, $0x1;
	_ =	strace $0x8000004F;
	[dreg:$0x1] =	wrdreg $0xFFFFFFFF  }
0xa7: {  	s28 =	simm.s32 $_size_execute0_lowered;
	s2 =	sadd.s32 s2, s4;
	[dreg:$0x0] =	wrdreg $0x0  }
0xa8: {  	s4 =	sshll.u32 s28, $0x1;
	[dreg:$0x2] =	wrdreg s2  }
0xa9: {  	[dreg:$0x3] =	wrdreg s4  }
0xaa: {  	[dreg:$0x4] =	wrdreg $0xC0  }
0xab: {  	_ =	task [dreg:s6], $0x5FFFF  }
0xac: {  	[dreg:$0x1] =	wrdreg $0xFFFFFFFF  }
0xad: {  	[dreg:$0x0] =	wrdreg $0x60  }
0xae: {  	[dreg:$0x2] =	wrdreg s24  }
0xaf: {  	[dreg:$0x3] =	wrdreg $0x7B000  }
0xb0: {  	[dreg:$0x4] =	wrdreg $0x9  }
0xb1: {  	_ =	task.clear_ibuf [dreg:s6], $0x5FFFF;
	_ =	strace $0x9000004F  }
0xb2: {  	s29 =	simm.s32 $0x9;
	_ =	strace $0x80000051  }
0xb3: {  	_ =	swait.ge [sflag:s29], $0x1  }
0xb4: {  	[sflag:s29] =	ssyncadd.s32 $0xFFFFFFFF  }
0xb5: {  	_ =	strace $0x90000051  }
0xb6: {  	_ =	sfence  }
0xb7: {  	s30 =	sld [smem:$0x0];
	_ =	sdelay $0x2  }
0xb8: {  	s31 =	sshll.u32 s1, $0xD;
	s1 =	sshrl.u32 s1, $0x2  }
0xb9: {  	s3 =	sand.u32 $0x4000, s31;
	s1 =	sadd.s32 s1, s30  }
0xba: {  	s0 =	sor.u32 s3, s0;
	s1 =	sshll.u32 s1, $0x11  }
0xbb: {  	s0 =	sor.u32 s1, s0  }
0xbc: {  	s0 =	sadd.s32 $0x8F2B, s0  }
0xbd: {  	[sflag:s0] =	ssyncadd.remote.s32 $0x1  }
0xbe: {  	_ =	sfence.sel $0xFFFF  }
0xbf: {  	[dreg:$0x0] =	wrdreg $0xFFFFFFFF;
	(pc) =	sbr.abs _section_cstart, $3  }
0xc0: {  	[dreg:$0x1] =	wrdreg $0xFFFFFFFF  }
0xc1: {  	_ =	task.clear_ibuf [dreg:s6], $0x2FFFF;
	_ =	strace $0x9FFFFFFF  }
0xc2: {  	(tm) =	ssettm $0x7FFFFFFF  }
0xc3: {  	_ =	shalt  }
tec
execute0_lowered:
.L_overlay_start_1:
0x0: {  	(tag) =	ssettag $0x1  }
0x1: {  	s0 =	rddreg [dreg:$0x0];
	s11 =	stileid.u32  }
0x2: {  	s1 =	rddreg [dreg:$0x1];
	s3 =	simm.s32 $0x0;
	s7 =	smul.u32 $0x14000, s11  }
0x3: {  	s2 =	srdreg.scid;
	s28 =	simm.s32 $0x100;
	s25 =	smul.u32 $0x50000, s11  }
0x4: {  	s2 =	sand.u32 $0x1, s2;
	s8 =	sshll.u32 s11, $0x1;
	s11 =	smul.u32 $0x4EC0, s11  }
0x5: {  	[smem:$0x7FF] =	sst s3;
	s4 =	sadd.s32 $0x5A00, s0;
	s6 =	smul.u32 $0x140000, s2  }
0x6: {  	s8 =	sor.u32 s2, s8;
	s9 =	ssub.s32 $0x2, s2;
	s2 =	smul.u32 $0x2760, s2  }
0x7: {  	s5 =	sadd.s32 $0x4A600, s0;
	_ =	strace $0x80000050;
	s8 =	smul.u32 $0x2760, s8  }
0x8: {  	s10 =	sshrl.u32 s9, $0x1;
	s7 =	sadd.s32 s7, s6;
	s6 =	sadd.s32 $0x40800, s0  }
0x9: {  	s2 =	sadd.s32 s2, s11;
	s7 =	sshrl.u32 s7, $0x3;
	s8 =	sshrl.u32 s8, $0x3  }
0xa: {  	s17 =	sadd.s32 $0x190, s2;
	s22 =	sadd.s32 $0x140, s2;
	s2 =	sadd.s32 $0xF0, s2  }
0xb: {  	s0 =	sadd.s32 s7, s0;
	s23 =	sadd.s32 s5, s8;
	[dreg:$0x17] =	wrdreg s2  }
0xc: {  	s24 =	sadd.s32 $0xA, s8;
	s12 =	sadd.s32 s6, s8;
	[dreg:$0x7] =	wrdreg s23  }
0xd: {  	s7 =	ssub.s32 s9, s10;
	[dreg:$0x8] =	wrdreg s12;
	s26 =	sadd.s32 s5, s24  }
0xe: {  	s8 =	sadd.s32 $0x14, s8;
	s9 =	sadd.s32 s6, s24;
	[dreg:$0x9] =	wrdreg s26  }
0xf: {  	s29 =	simm.s32 $0x280;
	s12 =	sadd.s32 s5, s8;
	[dreg:$0xa] =	wrdreg s9  }
0x10: {  	s10 =	sshrl.u32 s25, $0x2;
	s8 =	sadd.s32 s6, s8;
	[dreg:$0xb] =	wrdreg s12  }
0x11: {  	s30 =	simm.s32 $0x300;
	s13 =	sadd.s32 s10, s1;
	[dreg:$0xd] =	wrdreg s8  }
0x12: {  	s31 =	simm.s32 $0x3;
	s0 =	sadd.s32 $0x54400, s0;
	[dreg:$0xc] =	wrdreg s13  }
0x13: {  	s11 =	simm.s32 $0x7;
	s7 =	smax.u32 s7, $0x1;
	[dreg:$0x15] =	wrdreg s0  }
0x14: {  	s2 =	simm.s32 $0x2B00;
	s14 =	sadd.s32 $0x2800, s13;
	[dreg:$0x16] =	wrdreg s7  }
0x15: {  	s23 =	sshrl.u32 s22, $0x3;
	s15 =	sadd.s32 $0x5000, s13;
	[dreg:$0xe] =	wrdreg s14  }
0x16: {  	s10 =	simm.s32 $0x1;
	s16 =	sadd.s32 $0x7800, s13;
	[dreg:$0xf] =	wrdreg s15  }
0x17: {  	s18 =	sadd.s32 $0xA000, s13;
	s19 =	sadd.s32 $0xC800, s13;
	[dreg:$0x10] =	wrdreg s16  }
0x18: {  	s8 =	sshrl.u32 s17, $0x3;
	s20 =	sadd.s32 $0xF000, s13;
	[dreg:$0x11] =	wrdreg s18  }
0x19: {  	s24 =	sadd.s32 $0x11800, s13;
	s25 =	sadd.s32 s23, s6;
	[dreg:$0x12] =	wrdreg s19  }
0x1a: {  	s26 =	sadd.s32 s23, s5;
	s0 =	simm.s32 $0x50;
	[dreg:$0x13] =	wrdreg s20  }
0x1b: {  	s7 =	simm.s32 $0x5;
	s13 =	simm.s32 $0x2;
	[dreg:$0x14] =	wrdreg s24  }
0x1c: {  	s17 =	simm.s32 $0x6;
	s21 =	sadd.s32 s8, s6;
	[dreg:$0x5] =	wrdreg s25  }
0x1d: {  	s8 =	sadd.s32 s8, s5;
	[dreg:$0x6] =	wrdreg s26;
	s24 =	simm.s32 $0x180  }
0x1e: {  	s25 =	simm.s32 $0x80;
	s26 =	simm.s32 $0x200;
	s14 =	simm.s32 $0x8  }
0x1f: {  	s15 =	simm.s32 $0x4;
	s16 =	simm.s32 $0x9;
	s18 =	simm.s32 $0xA  }
0x20: {  	s19 =	simm.s32 $0xB;
	s20 =	simm.s32 $0xC;
	[dreg:$0x3] =	wrdreg s21  }
0x21: {  	v0 =	vimm.f32 $0.0e+00;
	[dreg:$0x4] =	wrdreg s8;
	s8 =	simm.s32 $0x5300;
	s21 =	simm.s32 $0x0  }
.LBB2_1:
0x22: {  	[dreg:$0x18] =	wrdreg s21  }
0x23: {  	s9 =	rddreg [dreg:$0x7]  }
0x24: {  	[tilespmem:s3], [sflag:$0x1] =	stream.linear.gather [hbm4b:s9+s3], $0x50, $0x38;
	[tilespmem:$0x1BB00] =	vst v63  }
0x25: {  	s23 =	rddreg [dreg:$0x8]  }
0x26: {  	[tilespmem:s24], [sflag:$0x2] =	stream.linear.gather [hbm4b:s23+s3], $0x50, $0x38;
	[tilespmem:$0x1BB00] =	vst v63  }
0x27: {  	s12 =	rddreg [dreg:$0x9]  }
0x28: {  	[tilespmem:s25], [sflag:$0x3] =	stream.linear.gather [hbm4b:s12+s3], $0x50, $0x38;
	[tilespmem:$0x1BB00] =	vst v63  }
0x29: {  	s21 =	rddreg [dreg:$0xa]  }
0x2a: {  	[tilespmem:s26], [sflag:$0x4] =	stream.linear.gather [hbm4b:s21+s3], $0x50, $0x38;
	[tilespmem:$0x1BB00] =	vst v63  }
0x2b: {  	s22 =	rddreg [dreg:$0xb]  }
0x2c: {  	[tilespmem:s28], [sflag:$0x5] =	stream.linear.gather [hbm4b:s22+s3], $0x50, $0x38;
	[tilespmem:$0x1BB00] =	vst v63  }
0x2d: {  	s23 =	rddreg [dreg:$0xd];
	s12 =	sand.u32 $0xFE00, s3  }
0x2e: {  	[tilespmem:s29], [sflag:$0x6] =	stream.linear.gather [hbm4b:s23+s3], $0x50, $0x38;
	[tilespmem:$0x1BB00] =	vst v63  }
0x2f: {  	s12 =	sshrl.u32 s12, $0x2;
	s23 =	sand.u32 $0x70, s3  }
0x30: {  	s21 =	simm.s32 $0x40;
	s12 =	sor.u32 s23, s12;
	s23 =	simm.s32 $0x0  }
.LBB2_2:
0x31: {  	p0 =	sne.s32 s21, $0x9FC0  }
0x32: {  	[tilespmem:s12+$0x300] =	vst v0;
	s23 =	sadd.s32 $0x10, s23;
	s12 =	smov.u32 s21;
	s21 =	sadd.s32 $0x40, s21  }
.Ltmp0:
0x33: {  	(pc) =	sbr.rel @p0 .LBB2_2-.Ltmp0, $4  }
0x34: {  	_ = 	snop  }
0x35: {  	s12 =	sand.u32 $0xFE00, s12  }
0x36: {  	s22 =	sand.u32 $0x70, s23;
	s12 =	sshrl.u32 s12, $0x2  }
0x37: {  	s12 =	sor.u32 s22, s12  }
0x38: {  	[tilespmem:s12+$0x300] =	vst v0;
	s9 =	rddreg [dreg:$0xc]  }
0x39: {  	[spmem:s9] =	stream.linear.scatter [tilespmem:s30], [sflag:$0xD], $0x2800, $0x38;
	[tilespmem:$0x1BB00] =	vst v63  }
0x3a: {  	s22 =	rddreg [dreg:$0xe]  }
0x3b: {  	[spmem:s22] =	stream.linear.scatter [tilespmem:s30], [sflag:$0xD], $0x2800, $0x38;
	[tilespmem:$0x1BB00] =	vst v63  }
0x3c: {  	s23 =	rddreg [dreg:$0xf]  }
0x3d: {  	[spmem:s23] =	stream.linear.scatter [tilespmem:s30], [sflag:$0xD], $0x2800, $0x38;
	[tilespmem:$0x1BB00] =	vst v63  }
0x3e: {  	s12 =	rddreg [dreg:$0x10]  }
0x3f: {  	[spmem:s12] =	stream.linear.scatter [tilespmem:s30], [sflag:$0xD], $0x2800, $0x38;
	[tilespmem:$0x1BB00] =	vst v63  }
0x40: {  	s21 =	rddreg [dreg:$0x11]  }
0x41: {  	[spmem:s21] =	stream.linear.scatter [tilespmem:s30], [sflag:$0xD], $0x2800, $0x38;
	[tilespmem:$0x1BB00] =	vst v63  }
0x42: {  	s22 =	rddreg [dreg:$0x12]  }
0x43: {  	[spmem:s22] =	stream.linear.scatter [tilespmem:s30], [sflag:$0xD], $0x2800, $0x38;
	[tilespmem:$0x1BB00] =	vst v63  }
0x44: {  	s23 =	rddreg [dreg:$0x13]  }
0x45: {  	[spmem:s23] =	stream.linear.scatter [tilespmem:s30], [sflag:$0xD], $0x2800, $0x38;
	[tilespmem:$0x1BB00] =	vst v63  }
0x46: {  	s12 =	rddreg [dreg:$0x14]  }
0x47: {  	[spmem:s12] =	stream.linear.scatter [tilespmem:s30], [sflag:$0xD], $0x2800, $0x38;
	[tilespmem:$0x1BB00] =	vst v63  }
0x48: {  	_ =	swait.ge [sflag:s31], $0x50  }
0x49: {  	[sflag:s31] =	ssyncset.done $0x0  }
0x4a: {  	[sflag:s31] =	ssyncadd.s32 $0xFFFFFFB0  }
0x4b: {  	[tilespmem:s2], [sflag:$0x8] =	stream.indirect.gather [hbm4b:s4+s0], $0x80, s25, s0, $0xb8;
	[tilespmem:$0x1BB00] =	vst v63  }
0x4c: {  	_ =	swait.ge [sflag:s7], $0x50  }
0x4d: {  	[sflag:s7] =	ssyncset.done $0x0  }
0x4e: {  	s21 =	simm.s32 $0xD;
	[sflag:s7] =	ssyncadd.s32 $0xFFFFFFB0  }
0x4f: {  	[tilespmem:s8], [sflag:$0x9] =	stream.indirect.gather [hbm4b:s4+s0], $0x80, s28, s0, $0xb8;
	[tilespmem:$0x1BB00] =	vst v63  }
0x50: {  	_ =	swait.ge [sflag:s21], $0x2800  }
0x51: {  	[sflag:s21] =	ssyncset.done $0x0  }
0x52: {  	[sflag:s21] =	ssyncadd.s32 $0xFFFFD800  }
0x53: {  	_ =	swait.ge [sflag:s21], $0x2800  }
0x54: {  	[sflag:s21] =	ssyncset.done $0x0  }
0x55: {  	[sflag:s21] =	ssyncadd.s32 $0xFFFFD800  }
0x56: {  	_ =	swait.ge [sflag:s21], $0x2800  }
0x57: {  	[sflag:s21] =	ssyncset.done $0x0  }
0x58: {  	[sflag:s21] =	ssyncadd.s32 $0xFFFFD800  }
0x59: {  	_ =	swait.ge [sflag:s21], $0x2800  }
0x5a: {  	[sflag:s21] =	ssyncset.done $0x0  }
0x5b: {  	[sflag:s21] =	ssyncadd.s32 $0xFFFFD800  }
0x5c: {  	_ =	swait.ge [sflag:s21], $0x2800  }
0x5d: {  	[sflag:s21] =	ssyncset.done $0x0  }
0x5e: {  	[sflag:s21] =	ssyncadd.s32 $0xFFFFD800  }
0x5f: {  	_ =	swait.ge [sflag:s21], $0x2800  }
0x60: {  	[sflag:s21] =	ssyncset.done $0x0  }
0x61: {  	[sflag:s21] =	ssyncadd.s32 $0xFFFFD800  }
0x62: {  	_ =	swait.ge [sflag:s21], $0x2800  }
0x63: {  	[sflag:s21] =	ssyncset.done $0x0  }
0x64: {  	[sflag:s21] =	ssyncadd.s32 $0xFFFFD800  }
0x65: {  	_ =	swait.ge [sflag:s21], $0x2800  }
0x66: {  	[sflag:s21] =	ssyncset.done $0x0  }
0x67: {  	[sflag:s21] =	ssyncadd.s32 $0xFFFFD800  }
0x68: {  	_ =	swait.ge [sflag:s10], $0x50  }
0x69: {  	[sflag:s10] =	ssyncset.done $0x0  }
0x6a: {  	s22 =	simm.s32 $0x0;
	[sflag:s10] =	ssyncadd.s32 $0xFFFFFFB0  }
0x6b: {  	[tilespmem:s30], [sflag:$0x7] =	stream.indirect.gather [hbm4b:s4+s0], $0x80, s22, s0, $0xb8;
	[tilespmem:$0x1BB00] =	vst v63  }
0x6c: {  	[bflag:$0x0] =	sbarrier.arrive $0xFFFF  }
0x6d: {  	_ =	swait.ge [sflag:s11], $0x2800  }
0x6e: {  	[sflag:s11] =	ssyncset.done $0x0  }
0x6f: {  	[sflag:s11] =	ssyncadd.s32 $0xFFFFD800  }
0x70: {  	_ =	swait.ge [sflag:s13], $0x50  }
0x71: {  	[sflag:s13] =	ssyncset.done $0x0  }
0x72: {  	[sflag:s13] =	ssyncadd.s32 $0xFFFFFFB0  }
0x73: {  	[spmem:s1] =	stream.indirect.scatter.add.f32 [tilespmem:s30], [sflag:$0xA], $0x80, s24, s0, $0xb8;
	[tilespmem:$0x1BB00] =	vst v63  }
0x74: {  	_ =	swait.ge [sflag:s14], $0x2800  }
0x75: {  	[sflag:s14] =	ssyncset.done $0x0  }
0x76: {  	[sflag:s14] =	ssyncadd.s32 $0xFFFFD800  }
0x77: {  	_ =	swait.ge [sflag:s15], $0x50  }
0x78: {  	[sflag:s15] =	ssyncset.done $0x0  }
0x79: {  	[sflag:s15] =	ssyncadd.s32 $0xFFFFFFB0  }
0x7a: {  	[spmem:s1] =	stream.indirect.scatter.add.f32 [tilespmem:s2], [sflag:$0xB], $0x80, s26, s0, $0xb8;
	[tilespmem:$0x1BB00] =	vst v63  }
0x7b: {  	_ =	swait.ge [sflag:s16], $0x2800  }
0x7c: {  	[sflag:s16] =	ssyncset.done $0x0  }
0x7d: {  	[sflag:s16] =	ssyncadd.s32 $0xFFFFD800  }
0x7e: {  	_ =	swait.ge [sflag:s17], $0x50  }
0x7f: {  	[sflag:s17] =	ssyncset.done $0x0  }
0x80: {  	[sflag:s17] =	ssyncadd.s32 $0xFFFFFFB0  }
0x81: {  	[spmem:s1] =	stream.indirect.scatter.add.f32 [tilespmem:s8], [sflag:$0xC], $0x80, s29, s0, $0xb8;
	[tilespmem:$0x1BB00] =	vst v63  }
0x82: {  	_ =	swait.ge [sflag:s18], $0x2800  }
0x83: {  	s9 =	rddreg [dreg:$0x17]  }
0x84: {  	[sflag:s18] =	ssyncset.done $0x0;
	s23 =	sshrl.u32 s9, $0x3  }
0x85: {  	[sflag:s18] =	ssyncadd.s32 $0xFFFFD800;
	s21 =	sadd.s32 s5, s23  }
0x86: {  	[tilespmem:s3], [sflag:$0x1] =	stream.linear.gather [hbm4b:s21+s3], $0x50, $0x38;
	[tilespmem:$0x1BB00] =	vst v63  }
0x87: {  	s12 =	sadd.s32 s6, s23  }
0x88: {  	[tilespmem:s24], [sflag:$0x2] =	stream.linear.gather [hbm4b:s12+s3], $0x50, $0x38;
	[tilespmem:$0x1BB00] =	vst v63  }
0x89: {  	_ =	swait.ge [sflag:s19], $0x2800  }
0x8a: {  	s21 =	rddreg [dreg:$0x6];
	[sflag:s19] =	ssyncset.done $0x0  }
0x8b: {  	s22 =	rddreg [dreg:$0x5];
	[sflag:s19] =	ssyncadd.s32 $0xFFFFD800;
	s12 =	sadd.s32 $0x0, s21  }
0x8c: {  	[tilespmem:s25], [sflag:$0x3] =	stream.linear.gather [hbm4b:s12+s3], $0x50, $0x38;
	[tilespmem:$0x1BB00] =	vst v63  }
0x8d: {  	s23 =	sadd.s32 $0x0, s22  }
0x8e: {  	[tilespmem:s26], [sflag:$0x4] =	stream.linear.gather [hbm4b:s23+s3], $0x50, $0x38;
	[tilespmem:$0x1BB00] =	vst v63  }
0x8f: {  	_ =	swait.ge [sflag:s20], $0x2800  }
0x90: {  	s21 =	rddreg [dreg:$0x4];
	[sflag:s20] =	ssyncset.done $0x0  }
0x91: {  	s22 =	rddreg [dreg:$0x3];
	[sflag:s20] =	ssyncadd.s32 $0xFFFFD800;
	s12 =	sadd.s32 $0x0, s21  }
0x92: {  	[tilespmem:s28], [sflag:$0x5] =	stream.linear.gather [hbm4b:s12+s3], $0x50, $0x38;
	[tilespmem:$0x1BB00] =	vst v63  }
0x93: {  	s23 =	sadd.s32 $0x0, s22  }
0x94: {  	[tilespmem:s29], [sflag:$0x6] =	stream.linear.gather [hbm4b:s23+s3], $0x50, $0x38;
	[tilespmem:$0x1BB00] =	vst v63  }
0x95: {  	_ =	swait.ge [sflag:s10], $0x50  }
0x96: {  	[sflag:s10] =	ssyncset.done $0x0  }
0x97: {  	[sflag:s10] =	ssyncadd.s32 $0xFFFFFFB0  }
0x98: {  	[tilespmem:s30], [sflag:$0x7] =	stream.indirect.gather [hbm4b:s4+s0], $0x80, s3, s0, $0xb8;
	[tilespmem:$0x1BB00] =	vst v63  }
0x99: {  	_ =	swait.ge [sflag:s31], $0x50  }
0x9a: {  	[sflag:s31] =	ssyncset.done $0x0  }
0x9b: {  	[sflag:s31] =	ssyncadd.s32 $0xFFFFFFB0  }
0x9c: {  	[tilespmem:s2], [sflag:$0x8] =	stream.indirect.gather [hbm4b:s4+s0], $0x80, s25, s0, $0xb8;
	[tilespmem:$0x1BB00] =	vst v63  }
0x9d: {  	_ =	swait.ge [sflag:s7], $0x50  }
0x9e: {  	[sflag:s7] =	ssyncset.done $0x0  }
0x9f: {  	[sflag:s7] =	ssyncadd.s32 $0xFFFFFFB0  }
0xa0: {  	[tilespmem:s8], [sflag:$0x9] =	stream.indirect.gather [hbm4b:s4+s0], $0x80, s28, s0, $0xb8;
	[tilespmem:$0x1BB00] =	vst v63  }
0xa1: {  	_ =	swait.ge [sflag:s11], $0x2800  }
0xa2: {  	[sflag:s11] =	ssyncset.done $0x0  }
0xa3: {  	[sflag:s11] =	ssyncadd.s32 $0xFFFFD800  }
0xa4: {  	_ =	swait.ge [sflag:s13], $0x50  }
0xa5: {  	[sflag:s13] =	ssyncset.done $0x0  }
0xa6: {  	[sflag:s13] =	ssyncadd.s32 $0xFFFFFFB0  }
0xa7: {  	[spmem:s1] =	stream.indirect.scatter.add.f32 [tilespmem:s30], [sflag:$0xA], $0x80, s24, s0, $0xb8;
	[tilespmem:$0x1BB00] =	vst v63  }
0xa8: {  	_ =	swait.ge [sflag:s14], $0x2800  }
0xa9: {  	[sflag:s14] =	ssyncset.done $0x0  }
0xaa: {  	[sflag:s14] =	ssyncadd.s32 $0xFFFFD800  }
0xab: {  	_ =	swait.ge [sflag:s15], $0x50  }
0xac: {  	[sflag:s15] =	ssyncset.done $0x0  }
0xad: {  	[sflag:s15] =	ssyncadd.s32 $0xFFFFFFB0  }
0xae: {  	[spmem:s1] =	stream.indirect.scatter.add.f32 [tilespmem:s2], [sflag:$0xB], $0x80, s26, s0, $0xb8;
	[tilespmem:$0x1BB00] =	vst v63  }
0xaf: {  	_ =	swait.ge [sflag:s16], $0x2800  }
0xb0: {  	[sflag:s16] =	ssyncset.done $0x0  }
0xb1: {  	[sflag:s16] =	ssyncadd.s32 $0xFFFFD800  }
0xb2: {  	_ =	swait.ge [sflag:s17], $0x50  }
0xb3: {  	[sflag:s17] =	ssyncset.done $0x0  }
0xb4: {  	s21 =	simm.s32 $0x1E;
	s23 =	sadd.s32 $0xF0, s9;
	[sflag:s17] =	ssyncadd.s32 $0xFFFFFFB0  }
.LBB2_4:
0xb5: {  	[spmem:s1] =	stream.indirect.scatter.add.f32 [tilespmem:s8], [sflag:$0xC], $0x80, s29, s0, $0xb8;
	[tilespmem:$0x1BB00] =	vst v63  }
0xb6: {  	_ =	swait.ge [sflag:s18], $0x2800  }
0xb7: {  	s22 =	sshrl.u32 s23, $0x3;
	[sflag:s18] =	ssyncset.done $0x0  }
0xb8: {  	s9 =	sadd.s32 s5, s22;
	[sflag:s18] =	ssyncadd.s32 $0xFFFFD800  }
0xb9: {  	[tilespmem:s3], [sflag:$0x1] =	stream.linear.gather [hbm4b:s9+s3], $0x50, $0x38;
	[tilespmem:$0x1BB00] =	vst v63  }
0xba: {  	s22 =	sadd.s32 s6, s22  }
0xbb: {  	[tilespmem:s24], [sflag:$0x2] =	stream.linear.gather [hbm4b:s22+s3], $0x50, $0x38;
	[tilespmem:$0x1BB00] =	vst v63  }
0xbc: {  	_ =	swait.ge [sflag:s19], $0x2800  }
0xbd: {  	s12 =	smov.u32 s21;
	s9 =	rddreg [dreg:$0x6];
	[sflag:s19] =	ssyncset.done $0x0  }
0xbe: {  	s22 =	rddreg [dreg:$0x5];
	[sflag:s19] =	ssyncadd.s32 $0xFFFFD800;
	s9 =	sadd.s32 s12, s9  }
0xbf: {  	[tilespmem:s25], [sflag:$0x3] =	stream.linear.gather [hbm4b:s9+s3], $0x50, $0x38;
	[tilespmem:$0x1BB00] =	vst v63  }
0xc0: {  	s22 =	sadd.s32 s12, s22  }
0xc1: {  	[tilespmem:s26], [sflag:$0x4] =	stream.linear.gather [hbm4b:s22+s3], $0x50, $0x38;
	[tilespmem:$0x1BB00] =	vst v63  }
0xc2: {  	_ =	swait.ge [sflag:s20], $0x2800  }
0xc3: {  	s9 =	rddreg [dreg:$0x4];
	[sflag:s20] =	ssyncset.done $0x0  }
0xc4: {  	s22 =	rddreg [dreg:$0x3];
	[sflag:s20] =	ssyncadd.s32 $0xFFFFD800;
	s9 =	sadd.s32 s12, s9  }
0xc5: {  	[tilespmem:s28], [sflag:$0x5] =	stream.linear.gather [hbm4b:s9+s3], $0x50, $0x38;
	[tilespmem:$0x1BB00] =	vst v63  }
0xc6: {  	s22 =	sadd.s32 s12, s22  }
0xc7: {  	[tilespmem:s29], [sflag:$0x6] =	stream.linear.gather [hbm4b:s22+s3], $0x50, $0x38;
	[tilespmem:$0x1BB00] =	vst v63  }
0xc8: {  	_ =	swait.ge [sflag:s10], $0x50  }
0xc9: {  	[sflag:s10] =	ssyncset.done $0x0  }
0xca: {  	[sflag:s10] =	ssyncadd.s32 $0xFFFFFFB0  }
0xcb: {  	[tilespmem:s30], [sflag:$0x7] =	stream.indirect.gather [hbm4b:s4+s0], $0x80, s3, s0, $0xb8;
	[tilespmem:$0x1BB00] =	vst v63  }
0xcc: {  	_ =	swait.ge [sflag:s31], $0x50  }
0xcd: {  	[sflag:s31] =	ssyncset.done $0x0  }
0xce: {  	[sflag:s31] =	ssyncadd.s32 $0xFFFFFFB0  }
0xcf: {  	[tilespmem:s2], [sflag:$0x8] =	stream.indirect.gather [hbm4b:s4+s0], $0x80, s25, s0, $0xb8;
	[tilespmem:$0x1BB00] =	vst v63  }
0xd0: {  	_ =	swait.ge [sflag:s7], $0x50  }
0xd1: {  	[sflag:s7] =	ssyncset.done $0x0  }
0xd2: {  	[sflag:s7] =	ssyncadd.s32 $0xFFFFFFB0  }
0xd3: {  	[tilespmem:s8], [sflag:$0x9] =	stream.indirect.gather [hbm4b:s4+s0], $0x80, s28, s0, $0xb8;
	[tilespmem:$0x1BB00] =	vst v63  }
0xd4: {  	_ =	swait.ge [sflag:s11], $0x2800  }
0xd5: {  	[sflag:s11] =	ssyncset.done $0x0  }
0xd6: {  	[sflag:s11] =	ssyncadd.s32 $0xFFFFD800  }
0xd7: {  	_ =	swait.ge [sflag:s13], $0x50  }
0xd8: {  	[sflag:s13] =	ssyncset.done $0x0  }
0xd9: {  	[sflag:s13] =	ssyncadd.s32 $0xFFFFFFB0  }
0xda: {  	[spmem:s1] =	stream.indirect.scatter.add.f32 [tilespmem:s30], [sflag:$0xA], $0x80, s24, s0, $0xb8;
	[tilespmem:$0x1BB00] =	vst v63  }
0xdb: {  	_ =	swait.ge [sflag:s14], $0x2800  }
0xdc: {  	[sflag:s14] =	ssyncset.done $0x0  }
0xdd: {  	[sflag:s14] =	ssyncadd.s32 $0xFFFFD800  }
0xde: {  	_ =	swait.ge [sflag:s15], $0x50  }
0xdf: {  	[sflag:s15] =	ssyncset.done $0x0  }
0xe0: {  	[sflag:s15] =	ssyncadd.s32 $0xFFFFFFB0  }
0xe1: {  	[spmem:s1] =	stream.indirect.scatter.add.f32 [tilespmem:s2], [sflag:$0xB], $0x80, s26, s0, $0xb8;
	[tilespmem:$0x1BB00] =	vst v63  }
0xe2: {  	p0 =	sne.s32 s21, $0x4B0;
	_ =	swait.ge [sflag:s16], $0x2800  }
.Ltmp1:
0xe3: {  	[sflag:s16] =	ssyncset.done $0x0;
	(pc) =	sbr.rel @p0 .LBB2_4-.Ltmp1, $4  }
0xe4: {  	[sflag:s16] =	ssyncadd.s32 $0xFFFFD800  }
0xe5: {  	_ =	swait.ge [sflag:s17], $0x50  }
0xe6: {  	[sflag:s17] =	ssyncset.done $0x0  }
0xe7: {  	s21 =	sadd.s32 $0x1E, s21;
	s23 =	sadd.s32 $0xF0, s23;
	[sflag:s17] =	ssyncadd.s32 $0xFFFFFFB0  }
0xe8: {  	[spmem:s1] =	stream.indirect.scatter.add.f32 [tilespmem:s8], [sflag:$0xC], $0x80, s29, s0, $0xb8;
	[tilespmem:$0x1BB00] =	vst v63  }
0xe9: {  	_ =	swait.ge [sflag:s18], $0x2800  }
0xea: {  	[sflag:s18] =	ssyncset.done $0x0  }
0xeb: {  	[sflag:s18] =	ssyncadd.s32 $0xFFFFD800  }
0xec: {  	_ =	swait.ge [sflag:s19], $0x2800  }
0xed: {  	[sflag:s19] =	ssyncset.done $0x0  }
0xee: {  	[sflag:s19] =	ssyncadd.s32 $0xFFFFD800  }
0xef: {  	_ =	swait.ge [sflag:s20], $0x2800  }
0xf0: {  	[sflag:s20] =	ssyncset.done $0x0  }
0xf1: {  	[sflag:s20] =	ssyncadd.s32 $0xFFFFD800  }
0xf2: {  	s9 =	stileid.u32;
	[bflag:$0x0] =	sbarrier.arrive $0xFFFF  }
0xf3: {  	s9 =	sshll.u32 s9, $0x6;
	s12 =	rddreg [dreg:$0xc]  }
0xf4: {  	s9 =	sor.u32 $0x1C0E, s9;
	s21 =	rddreg [dreg:$0x15];
	s12 =	sshrl.u32 s12, $0x3  }
0xf5: {  	[hbm:s21], [sflag:s9] =	dma.local [spmem:s12], $0x2800  }
0xf6: {  	s12 =	simm.s32 $0xE  }
0xf7: {  	_ =	swait.ge [sflag:s12], $0x2800  }
0xf8: {  	s22 =	rddreg [dreg:$0x18]  }
0xf9: {  	s23 =	rddreg [dreg:$0x16];
	s21 =	sadd.s32 $0x1, s22  }
0xfa: {  	p0 =	sne.s32 s21, s23  }
.Ltmp2:
0xfb: {  	_ = 	snop;
	(pc) =	sbr.rel @p0 .LBB2_1-.Ltmp2, $3  }
0xfc: {  	_ =	sdelay $0x1  }
0xfd: {  	[sflag:s12] =	ssyncset.done $0x0  }
0xfe: {  	[sflag:s12] =	ssyncadd.s32 $0xFFFFD800  }
0xff: {  	_ =	sfence.sel $0x180000  }
0x100: {  	[bflag:$0x0] =	sbarrier.arrive $0xFFFF  }
0x101: {  	_ =	strace $0x90000050  }
0x102: {  	s0 =	stileid.u32;
	[bflag:$0x2] =	sbarrier.arrive $0xFFFF  }
0x103: {  	p0 =	sne.s32 s0, $0x0;
	s0 =	rddreg [dreg:$0x2]  }
0x104: {  	s0 =	sadd.s32 @!p0 $0x100000, s0  }
0x105: {  	[sflag:s0] =	ssyncadd.tile.s32 @!p0 $0x1;
	_ =	shalt  }
.Lfunc_end2:
_tile_overlayer_lowered:
.L_overlay_start_2:
0x106: {  	(tag) =	ssettag $0x2  }
0x107: {  	s0 =	rddreg [dreg:$0x0];
	s2 =	stileid.u32  }
0x108: {  	s1 =	rddreg [dreg:$0x1];
	p0 =	sne.s32 s2, $0x0  }
0x109: {  	s3 =	rddreg [dreg:$0x2];
	[bflag:$0x3] =	sbarrier.arrive $0xFFFF;
	s2 =	simm.s32 @!p0 $0x1C0E  }
0x10a: {  	[timem:s3], [sflag:s2] =	dma.local @!p0 [hbm:s0], s1  }
0x10b: {  	s0 =	simm.s32 @!p0 $0xE  }
0x10c: {  	_ =	swait.ge @!p0 [sflag:s0], s1  }
0x10d: {  	s1 =	ssub.s32 @!p0 $0x0, s1;
	[sflag:s0] =	ssyncset.done @!p0 $0x0  }
0x10e: {  	[sflag:s0] =	ssyncadd.s32 @!p0 s1  }
0x10f: {  	[bflag:$0x3] =	sbarrier.arrive $0xFFFF  }
0x110: {  	_ =	shalt  }

</sc_bundles>
